<compile_context>
chip_gen: v7x
topology: tpu7x:2x2x1
jax: 0.10.2.dev20260603
libtpu: 0.0.44.dev20260713+nightly
codegen_flags: <defaults>
</compile_context>

<pallas_src>
import functools

import jax
import jax.numpy as jnp
from jax import lax
from jax.experimental import pallas as pl
from jax.experimental.pallas import tpu as pltpu
from jax.experimental.pallas import tpu_sc as plsc

N = 50000
E = 800000
H = 64
HS = 8
NS = H // HS
NX = 8
G = 512

NC = 2
TILES = 16
NW = NC * TILES

NPAD = 50176
EPAD = 802816
CH = 128
NCH_L = EPAD // TILES // CH
NCH_D = EPAD // NW // CH
ROWS_PT = NPAD // TILES

NODES_PT = NPAD // NW
CHP = 112
NCHP = NODES_PT // CHP
GPAD = G + 8

BN = 512
GRID = NPAD // BN

_F32S = jax.ShapeDtypeStruct((NPAD, HS), jnp.float32)


@functools.cache
def _sc_mesh():
    return plsc.VectorSubcoreMesh(
        core_axis_name="c", subcore_axis_name="s",
        num_cores=NC, num_subcores=TILES,
    )


@functools.cache
def _deg_kernel():
    return functools.partial(
        pl.kernel,
        out_type=[
            jax.ShapeDtypeStruct((NPAD, 1), jnp.float32),
            jax.ShapeDtypeStruct((NPAD, 1), jnp.float32),
        ],
        mesh=_sc_mesh(),
        compiler_params=pltpu.CompilerParams(use_tc_tiling_on_sc=False),
        scratch_types=[
            pltpu.VMEM((NCH_D, CH), jnp.int32),
            pltpu.VMEM((CH, 1), jnp.float32),
            pltpu.VMEM_SHARED((NPAD, 1), jnp.float32),
        ],
    )(_deg_body)


def _deg_call(dst_d, ones_ch, zcol):
    return _deg_kernel()(dst_d, ones_ch, zcol)


def _deg_body(dst_d, ones_ch, zcol, out0, out1, dstb, onesb, acc):
    c = lax.axis_index("c")
    s = lax.axis_index("s")
    w = c * TILES + s
    r0 = s * ROWS_PT
    pltpu.sync_copy(zcol, acc.at[pl.ds(r0, ROWS_PT)])
    pltpu.sync_copy(dst_d.at[w], dstb)
    pltpu.sync_copy(ones_ch, onesb)
    plsc.subcore_barrier()

    def chunk(j, carry):
        pltpu.sync_copy(onesb, acc.at[dstb.at[j]], add=True)
        return carry

    lax.fori_loop(0, NCH_D, chunk, 0)
    plsc.subcore_barrier()

    @pl.when(c == 0)
    def _():
        pltpu.sync_copy(acc.at[pl.ds(r0, ROWS_PT)], out0.at[pl.ds(r0, ROWS_PT)])

    @pl.when(c == 1)
    def _():
        pltpu.sync_copy(acc.at[pl.ds(r0, ROWS_PT)], out1.at[pl.ds(r0, ROWS_PT)])


@functools.cache
def _agg_kernel():
    return functools.partial(
        pl.kernel,
        out_type=[_F32S] * NS,
        mesh=_sc_mesh(),
        compiler_params=pltpu.CompilerParams(use_tc_tiling_on_sc=False),
        scratch_types=[
            pltpu.VMEM((NCH_L, CH), jnp.int32),
            pltpu.VMEM((NCH_L, CH), jnp.int32),
            pltpu.VMEM((CH, HS), jnp.float32),
            pltpu.VMEM((CH, HS), jnp.float32),
            pltpu.SemaphoreType.DMA,
            pltpu.SemaphoreType.DMA,
            pltpu.VMEM_SHARED((NPAD, HS), jnp.float32),
        ],
    )(_agg_body)


def _agg_call(yp, src0_l, src1_l, dst_l, zrows):
    return _agg_kernel()(*yp, src0_l, src1_l, dst_l, zrows)


def _agg_body(*refs):
    np_ = NS // NC
    yp = refs[:np_]
    src0_l, src1_l, dst_l, zrows = refs[np_:np_ + 4]
    outs = refs[np_ + 4:np_ + 4 + NS]
    srcb, dstb, rows0, rows1, sem0, sem1, acc = refs[np_ + 4 + NS:]
    c = lax.axis_index("c")
    s = lax.axis_index("s")
    r0 = s * ROWS_PT

    @pl.when(c == 0)
    def _():
        pltpu.sync_copy(src0_l.at[s], srcb)

    @pl.when(c == 1)
    def _():
        pltpu.sync_copy(src1_l.at[s], srcb)

    pltpu.sync_copy(dst_l.at[s], dstb)

    for p in range(np_):
        pltpu.sync_copy(zrows, acc.at[pl.ds(r0, ROWS_PT)])
        plsc.subcore_barrier()

        pltpu.async_copy(yp[p].at[srcb.at[0]], rows0, sem0)

        def chunk2(t, carry, p=p):
            j0 = 2 * t
            j1 = 2 * t + 1
            j2 = jnp.minimum(2 * t + 2, NCH_L - 1)
            pltpu.make_async_copy(yp[p].at[srcb.at[j0]], rows0, sem0).wait()
            pltpu.async_copy(yp[p].at[srcb.at[j1]], rows1, sem1)
            pltpu.sync_copy(rows0, acc.at[dstb.at[j0]], add=True)
            pltpu.make_async_copy(yp[p].at[srcb.at[j1]], rows1, sem1).wait()
            pltpu.async_copy(yp[p].at[srcb.at[j2]], rows0, sem0)
            pltpu.sync_copy(rows1, acc.at[dstb.at[j1]], add=True)
            return carry

        lax.fori_loop(0, NCH_L // 2, chunk2, 0)
        pltpu.make_async_copy(yp[p].at[srcb.at[0]], rows0, sem0).wait()
        plsc.subcore_barrier()

        @pl.when(c == 0)
        def _():
            pltpu.sync_copy(acc.at[pl.ds(r0, ROWS_PT)],
                            outs[2 * p].at[pl.ds(r0, ROWS_PT)])

        @pl.when(c == 1)
        def _():
            pltpu.sync_copy(acc.at[pl.ds(r0, ROWS_PT)],
                            outs[2 * p + 1].at[pl.ds(r0, ROWS_PT)])


@functools.cache
def _pool_kernel():
    return functools.partial(
        pl.kernel,
        out_type=[
            jax.ShapeDtypeStruct((GPAD, H), jnp.float32),
            jax.ShapeDtypeStruct((GPAD, H), jnp.float32),
            jax.ShapeDtypeStruct((GPAD, 1), jnp.float32),
            jax.ShapeDtypeStruct((GPAD, 1), jnp.float32),
        ],
        mesh=_sc_mesh(),
        compiler_params=pltpu.CompilerParams(use_tc_tiling_on_sc=False),
        scratch_types=[
            pltpu.VMEM((NCHP, CHP), jnp.int32),
            pltpu.VMEM((NCHP, CHP, 1), jnp.float32),
            pltpu.VMEM((CHP, H), jnp.float32),
            pltpu.VMEM_SHARED((GPAD, H), jnp.float32),
            pltpu.VMEM_SHARED((GPAD, 1), jnp.float32),
        ],
    )(_pool_body)


def _pool_call(x3, bidx, ones_n, zg, zg1):
    return _pool_kernel()(x3, bidx, ones_n, zg, zg1)


def _pool_body(x3, bidx, ones_n, zg, zg1, p0, p1, c0, c1,
               idxb, oneb, valb, acc, cacc):
    c = lax.axis_index("c")
    s = lax.axis_index("s")
    w = c * TILES + s
    base = w * NODES_PT

    @pl.when(s == 0)
    def _():
        pltpu.sync_copy(zg, acc)
        pltpu.sync_copy(zg1, cacc)

    pltpu.sync_copy(bidx.at[w], idxb)
    pltpu.sync_copy(ones_n.at[w], oneb)
    plsc.subcore_barrier()

    def chunk(j, carry):
        pltpu.sync_copy(x3.at[pl.ds(base + j * CHP, CHP)], valb)
        pltpu.sync_copy(valb, acc.at[idxb.at[j]], add=True)
        pltpu.sync_copy(oneb.at[j], cacc.at[idxb.at[j]], add=True)
        return carry

    lax.fori_loop(0, NCHP, chunk, 0)
    plsc.subcore_barrier()

    @pl.when(jnp.logical_and(s == 0, c == 0))
    def _():
        pltpu.sync_copy(acc, p0)
        pltpu.sync_copy(cacc, c0)

    @pl.when(jnp.logical_and(s == 0, c == 1))
    def _():
        pltpu.sync_copy(acc, p1)
        pltpu.sync_copy(cacc, c1)


def _tc_pre_body(x4, d0, d1, w0, *outs):
    ys = outs[:NS]
    dis = outs[NS]
    i = pl.program_id(0)
    deg = d0[...] + d1[...] + 1.0
    row = i * BN + lax.broadcasted_iota(jnp.int32, (BN, 1), 0)
    disv = jnp.where(row < N, lax.rsqrt(deg), 0.0)
    h = jnp.dot(x4[...], w0[...], preferred_element_type=jnp.float32)
    y = disv * h
    for k in range(NS):
        ys[k][...] = y[:, k * HS:(k + 1) * HS]
    dis[...] = disv


def _pre_call(x4, d0, d1, W0):
    sspec = pl.BlockSpec((BN, HS), lambda i: (i, 0))
    return pl.pallas_call(
        _tc_pre_body,
        grid=(GRID,),
        in_specs=[
            pl.BlockSpec((BN, 4), lambda i: (i, 0)),
            pl.BlockSpec((BN, 1), lambda i: (i, 0)),
            pl.BlockSpec((BN, 1), lambda i: (i, 0)),
            pl.BlockSpec((4, H), lambda i: (0, 0)),
        ],
        out_specs=[sspec] * NS + [pl.BlockSpec((BN, 1), lambda i: (i, 0))],
        out_shape=[_F32S] * NS + [jax.ShapeDtypeStruct((NPAD, 1), jnp.float32)],
    )(x4, d0, d1, W0)


def _tc_mid_body(*refs):
    aq = refs[:NS]
    yq = refs[NS:2 * NS]
    dis, b, w = refs[2 * NS:2 * NS + 3]
    outs = refs[2 * NS + 3:]
    oq = outs[:NS]
    xout = outs[NS]
    z = jnp.concatenate([aq[k][...] + yq[k][...] for k in range(NS)], axis=1)
    x = jnp.maximum(dis[...] * z + b[...], 0.0)
    h = jnp.dot(x, w[...], preferred_element_type=jnp.float32)
    y = dis[...] * h
    for k in range(NS):
        oq[k][...] = y[:, k * HS:(k + 1) * HS]
    xout[...] = x


def _mid_call(aq, yq, dis, b, W):
    sspec = pl.BlockSpec((BN, HS), lambda i: (i, 0))
    return pl.pallas_call(
        _tc_mid_body,
        grid=(GRID,),
        in_specs=[sspec] * (2 * NS) + [
            pl.BlockSpec((BN, 1), lambda i: (i, 0)),
            pl.BlockSpec((1, H), lambda i: (0, 0)),
            pl.BlockSpec((H, H), lambda i: (0, 0))],
        out_specs=[sspec] * NS + [pl.BlockSpec((BN, H), lambda i: (i, 0))],
        out_shape=[_F32S] * NS + [jax.ShapeDtypeStruct((NPAD, H), jnp.float32)],
    )(*aq, *yq, dis, b, W)


def _tc_gate_body(p0, p1, c0, c1, wl, bl, out):
    pooled = p0[...] + p1[...]
    cnt = c0[...] + c1[...]
    pooled = pooled[:G] / jnp.maximum(cnt[:G], 1.0)
    logits = jnp.dot(pooled, wl[...], preferred_element_type=jnp.float32) + bl[...]
    m = jnp.max(logits, axis=1, keepdims=True)
    e = jnp.exp(logits - m)
    out[...] = e / jnp.sum(e, axis=1, keepdims=True)


def _gate_call(p0, p1, c0, c1, Wl, bl):
    return pl.pallas_call(
        _tc_gate_body,
        out_shape=jax.ShapeDtypeStruct((G, NX), jnp.float32),
    )(p0, p1, c0, c1, Wl, bl)


def kernel(atomic_numbers, pos, edge_index, batch,
           W0, b0, W1, b1, W2, b2, Wl, bl):
    f32 = jnp.float32
    src = edge_index[0]
    dst = edge_index[1]
    pe = EPAD - E
    srcp = jnp.concatenate([src, jnp.full((pe,), N, jnp.int32)])
    dstp = jnp.concatenate([dst, jnp.full((pe,), N, jnp.int32)])
    src0_l = srcp.reshape(TILES, NCH_L, CH)
    src1_l = (srcp + NPAD).reshape(TILES, NCH_L, CH)
    dst_l = dstp.reshape(TILES, NCH_L, CH)
    dst_d = dstp.reshape(NW, NCH_D, CH)

    batchp = jnp.concatenate(
        [batch.astype(jnp.int32), jnp.full((NPAD - N,), G, jnp.int32)]
    ).reshape(NW, NCHP, CHP)
    ones_n = jnp.concatenate(
        [jnp.ones((N,), f32), jnp.zeros((NPAD - N,), f32)]
    ).reshape(NW, NCHP, CHP, 1)

    x4 = jnp.pad(
        jnp.concatenate([atomic_numbers[:, None], pos], axis=1),
        ((0, NPAD - N), (0, 0)),
    )

    zrows = jnp.zeros((ROWS_PT, HS), f32)
    zcol = jnp.zeros((ROWS_PT, 1), f32)
    ones_ch = jnp.ones((CH, 1), f32)
    zg = jnp.zeros((GPAD, H), f32)
    zg1 = jnp.zeros((GPAD, 1), f32)

    d0, d1 = _deg_call(dst_d, ones_ch, zcol)
    *yq, dis = _pre_call(x4, d0, d1, W0)

    Ws = jnp.stack([W1, W2, W1])
    bs = jnp.stack([b0.reshape(1, H), b1.reshape(1, H), b2.reshape(1, H)])
    trip = lax.optimization_barrier(jnp.int32(3))

    def layer_cond(carry):
        return carry[0] < trip

    def layer_step(carry):
        i, yq, _x = carry
        W = lax.dynamic_index_in_dim(Ws, i, keepdims=False)
        b = lax.dynamic_index_in_dim(bs, i, keepdims=False)
        aq = _agg_call(yp_probe, src0_l, src1_l, dst_l, zrows)
        *oq, x = _mid_call(aq, yq, dis, b, W)
        return (i + 1, tuple(oq), x)

    yp_probe = [jnp.concatenate([yq[2 * p], yq[2 * p + 1]], axis=0)
                for p in range(NS // NC)]
    x_init = jnp.zeros((NPAD, H), f32)
    _, yq, x3 = lax.while_loop(
        layer_cond, layer_step, (jnp.int32(0), tuple(yq), x_init))

    p0, p1, c0, c1 = _pool_call(x3, batchp, ones_n, zg, zg1)
    probs = _gate_call(p0, p1, c0, c1, Wl, bl.reshape(1, NX))
    return probs[:, :, None]

# --- scband reference (transcript-rebuilt; emitter-appended) ---
"""Pipeline reference for scband-gating-gcn-34703335751945 (READ-ONLY COPY).

The authoritative reference and input builder live on the scoring server;
editing this copy changes nothing except your own understanding.
"""

import jax, jax.numpy as jnp
import numpy as np

N = 50000
E = 800000
H = 64
NUM_EXPERTS = 8
G = 512


def _gcn(x, src, dst, W, b):
    # PyG-style GCNConv: linear transform, add self-loops, symmetric normalization,
    # scatter-add aggregation over destination nodes, then bias.
    x = x @ W
    loops = jnp.arange(N, dtype=src.dtype)
    s = jnp.concatenate([src, loops])
    d = jnp.concatenate([dst, loops])
    deg = jax.ops.segment_sum(jnp.ones((d.shape[0],), dtype=x.dtype), d, num_segments=N)
    dis = jnp.where(deg > 0, jax.lax.rsqrt(jnp.maximum(deg, 1e-12)), 0.0)
    norm = dis[s] * dis[d]
    msg = x[s] * norm[:, None]
    out = jax.ops.segment_sum(msg, d, num_segments=N)
    return out + b


def setup_inputs(seed: int = 0):
    key = jax.random.key(seed)
    ks = jax.random.split(key, 12)
    atomic_numbers = jnp.floor(jax.random.uniform(ks[0], (N,), dtype=jnp.float32) * 100.0)
    pos = jax.random.normal(ks[1], (N, 3), dtype=jnp.float32)
    edge_index = jax.random.randint(ks[2], (2, E), 0, N, dtype=jnp.int32)
    batch = jnp.sort(jax.random.randint(ks[3], (N,), 0, G, dtype=jnp.int32))
    W0 = jax.random.normal(ks[4], (4, H), dtype=jnp.float32) * 0.1
    b0 = jnp.zeros((H,), dtype=jnp.float32)
    W1 = jax.random.normal(ks[5], (H, H), dtype=jnp.float32) * 0.1
    b1 = jnp.zeros((H,), dtype=jnp.float32)
    W2 = jax.random.normal(ks[6], (H, H), dtype=jnp.float32) * 0.1
    b2 = jnp.zeros((H,), dtype=jnp.float32)
    Wl = jax.random.normal(ks[7], (H, NUM_EXPERTS), dtype=jnp.float32) * 0.1
    bl = jnp.zeros((NUM_EXPERTS,), dtype=jnp.float32)
    return {
        "atomic_numbers": atomic_numbers,
        "pos": pos,
        "edge_index": edge_index,
        "batch": batch,
        "W0": W0, "b0": b0,
        "W1": W1, "b1": b1,
        "W2": W2, "b2": b2,
        "Wl": Wl, "bl": bl,
    }


def reference(atomic_numbers, pos, edge_index, batch, W0, b0, W1, b1, W2, b2, Wl, bl):
    x = jnp.concatenate([atomic_numbers[:, None], pos], axis=-1)
    src, dst = edge_index[0], edge_index[1]
    x = jax.nn.relu(_gcn(x, src, dst, W0, b0))  # dropout p=0.0 -> identity
    x = jax.nn.relu(_gcn(x, src, dst, W1, b1))
    x = jax.nn.relu(_gcn(x, src, dst, W2, b2))
    summed = jax.ops.segment_sum(x, batch, num_segments=G)
    counts = jax.ops.segment_sum(jnp.ones((N,), dtype=x.dtype), batch, num_segments=G)
    pooled = summed / jnp.maximum(counts, 1.0)[:, None]
    logits = pooled @ Wl + bl
    return jax.nn.softmax(logits, axis=1)[:, :, None]

if __name__ == "__main__":
    import jax
    _d = setup_inputs()
    print(jax.jit(kernel)(*tuple(_d.values())))

</pallas_src>

<mosaic_0001>
#map = affine_map<(d0, d1) -> (0, 0)>
#map1 = affine_map<(d0, d1) -> (0, 0, 0)>
#map2 = affine_map<(d0, d1) -> (0, 0, 0, 0)>
module attributes {stable_mosaic.version = 14 : i64} {
  func.func @_pool_body(%arg0: i32, %arg1: i32, %arg2: memref<50176x64xf32, #tpu.memory_space<hbm>>, %arg3: memref<32x14x112xi32, #tpu.memory_space<hbm>>, %arg4: memref<32x14x112x1xf32, #tpu.memory_space<hbm>>, %arg5: memref<520x64xf32, #tpu.memory_space<hbm>>, %arg6: memref<520x1xf32, #tpu.memory_space<hbm>>, %arg7: memref<520x64xf32, #tpu.memory_space<hbm>>, %arg8: memref<520x64xf32, #tpu.memory_space<hbm>>, %arg9: memref<520x1xf32, #tpu.memory_space<hbm>>, %arg10: memref<520x1xf32, #tpu.memory_space<hbm>>, %arg11: memref<14x112xi32, #tpu.memory_space<vmem>>, %arg12: memref<14x112x1xf32, #tpu.memory_space<vmem>>, %arg13: memref<112x64xf32, #tpu.memory_space<vmem>>, %arg14: memref<520x64xf32, #tpu.memory_space<vmem_shared>>, %arg15: memref<520x1xf32, #tpu.memory_space<vmem_shared>>) attributes {dimension_semantics = [#tpu.dimension_semantics<core_parallel>, #tpu.dimension_semantics<subcore_parallel>], iteration_bounds = array<i64: 2, 16>, scalar_prefetch = 0 : i64, scratch_operands = 5 : i64, tpu.core_type = #tpu.core_type<sc_vector_subcore>, window_params = [{transform_indices = #map}, {transform_indices = #map1}, {transform_indices = #map2}, {transform_indices = #map}, {transform_indices = #map}, {transform_indices = #map}, {transform_indices = #map}, {transform_indices = #map}, {transform_indices = #map}]} {
    %mul3A = arith.constant 16 : i32
    %mul3A_0 = arith.muli %arg0, %mul3A : i32
    %add3A = arith.addi %mul3A_0, %arg1 : i32
    %mul3A_1 = arith.constant 1568 : i32
    %mul3A_2 = arith.muli %add3A, %mul3A_1 : i32
    %eq3A = arith.constant 0 : i32
    %eq3A_3 = arith.cmpi eq, %arg1, %eq3A : i32
    %convert_element_type3A = arith.extui %eq3A_3 : i1 to i32
    %cond3A = arith.constant 0 : i32
    %cond3A_4 = arith.cmpi ne, %convert_element_type3A, %cond3A : i32
    scf.if %cond3A_4 {
      "tpu.region"() ({
        %run_scoped3A = tpu.sem_alloc : memref<!tpu.dma_semaphore, #tpu.memory_space<semaphore_mem>>
        tpu.enqueue_dma source(%arg5 : memref<520x64xf32, #tpu.memory_space<hbm>>) target(%arg14 : memref<520x64xf32, #tpu.memory_space<vmem_shared>>) target_semaphore(%run_scoped3A : memref<!tpu.dma_semaphore, #tpu.memory_space<semaphore_mem>>)
        tpu.wait_dma2 semaphore(%run_scoped3A : memref<!tpu.dma_semaphore, #tpu.memory_space<semaphore_mem>>) src(%arg5 : memref<520x64xf32, #tpu.memory_space<hbm>>) dst(%arg14 : memref<520x64xf32, #tpu.memory_space<vmem_shared>>)
        tpu.yield
      }) : () -> ()
      "tpu.region"() ({
        %run_scoped3A = tpu.sem_alloc : memref<!tpu.dma_semaphore, #tpu.memory_space<semaphore_mem>>
        tpu.enqueue_dma source(%arg6 : memref<520x1xf32, #tpu.memory_space<hbm>>) target(%arg15 : memref<520x1xf32, #tpu.memory_space<vmem_shared>>) target_semaphore(%run_scoped3A : memref<!tpu.dma_semaphore, #tpu.memory_space<semaphore_mem>>)
        tpu.wait_dma2 semaphore(%run_scoped3A : memref<!tpu.dma_semaphore, #tpu.memory_space<semaphore_mem>>) src(%arg6 : memref<520x1xf32, #tpu.memory_space<hbm>>) dst(%arg15 : memref<520x1xf32, #tpu.memory_space<vmem_shared>>)
        tpu.yield
      }) : () -> ()
    } else {
    }
    "tpu.region"() ({
      %run_scoped3A = tpu.sem_alloc : memref<!tpu.dma_semaphore, #tpu.memory_space<semaphore_mem>>
      %dma_start3A = arith.constant 0 : i32
      %dma_start3A_26 = arith.constant 0 : i32
      %dma_start3A_27 = tpu.memref_slice %arg3[%add3A, %dma_start3A, %dma_start3A_26] : memref<32x14x112xi32, #tpu.memory_space<hbm>> -> memref<1x14x112xi32, #tpu.memory_space<hbm>>
      %dma_start3A_28 = tpu.memref_squeeze %dma_start3A_27 : memref<1x14x112xi32, #tpu.memory_space<hbm>> -> memref<14x112xi32, #tpu.memory_space<hbm>>
      %dma_start3A_29 = arith.constant 0 : i32
      %dma_start3A_30 = arith.constant 0 : i32
      %dma_start3A_31 = tpu.memref_slice %arg3[%add3A, %dma_start3A_29, %dma_start3A_30] : memref<32x14x112xi32, #tpu.memory_space<hbm>> -> memref<1x14x112xi32, #tpu.memory_space<hbm>>
      %dma_start3A_32 = tpu.memref_squeeze %dma_start3A_31 : memref<1x14x112xi32, #tpu.memory_space<hbm>> -> memref<14x112xi32, #tpu.memory_space<hbm>>
      tpu.enqueue_dma source(%dma_start3A_32 : memref<14x112xi32, #tpu.memory_space<hbm>>) target(%arg11 : memref<14x112xi32, #tpu.memory_space<vmem>>) target_semaphore(%run_scoped3A : memref<!tpu.dma_semaphore, #tpu.memory_space<semaphore_mem>>)
      %dma_wait3A = arith.constant 0 : i32
      %dma_wait3A_33 = arith.constant 0 : i32
      %dma_wait3A_34 = tpu.memref_slice %arg3[%add3A, %dma_wait3A, %dma_wait3A_33] : memref<32x14x112xi32, #tpu.memory_space<hbm>> -> memref<1x14x112xi32, #tpu.memory_space<hbm>>
      %dma_wait3A_35 = tpu.memref_squeeze %dma_wait3A_34 : memref<1x14x112xi32, #tpu.memory_space<hbm>> -> memref<14x112xi32, #tpu.memory_space<hbm>>
      %dma_wait3A_36 = arith.constant 0 : i32
      %dma_wait3A_37 = arith.constant 0 : i32
      %dma_wait3A_38 = tpu.memref_slice %arg3[%add3A, %dma_wait3A_36, %dma_wait3A_37] : memref<32x14x112xi32, #tpu.memory_space<hbm>> -> memref<1x14x112xi32, #tpu.memory_space<hbm>>
      %dma_wait3A_39 = tpu.memref_squeeze %dma_wait3A_38 : memref<1x14x112xi32, #tpu.memory_space<hbm>> -> memref<14x112xi32, #tpu.memory_space<hbm>>
      tpu.wait_dma2 semaphore(%run_scoped3A : memref<!tpu.dma_semaphore, #tpu.memory_space<semaphore_mem>>) src(%dma_wait3A_39 : memref<14x112xi32, #tpu.memory_space<hbm>>) dst(%arg11 : memref<14x112xi32, #tpu.memory_space<vmem>>)
      tpu.yield
    }) : () -> ()
    "tpu.region"() ({
      %run_scoped3A = tpu.sem_alloc : memref<!tpu.dma_semaphore, #tpu.memory_space<semaphore_mem>>
      %dma_start3A = arith.constant 0 : i32
      %dma_start3A_26 = arith.constant 0 : i32
      %dma_start3A_27 = arith.constant 0 : i32
      %dma_start3A_28 = tpu.memref_slice %arg4[%add3A, %dma_start3A, %dma_start3A_26, %dma_start3A_27] : memref<32x14x112x1xf32, #tpu.memory_space<hbm>> -> memref<1x14x112x1xf32, #tpu.memory_space<hbm>>
      %dma_start3A_29 = tpu.memref_squeeze %dma_start3A_28 : memref<1x14x112x1xf32, #tpu.memory_space<hbm>> -> memref<14x112x1xf32, #tpu.memory_space<hbm>>
      %dma_start3A_30 = arith.constant 0 : i32
      %dma_start3A_31 = arith.constant 0 : i32
      %dma_start3A_32 = arith.constant 0 : i32
      %dma_start3A_33 = tpu.memref_slice %arg4[%add3A, %dma_start3A_30, %dma_start3A_31, %dma_start3A_32] : memref<32x14x112x1xf32, #tpu.memory_space<hbm>> -> memref<1x14x112x1xf32, #tpu.memory_space<hbm>>
      %dma_start3A_34 = tpu.memref_squeeze %dma_start3A_33 : memref<1x14x112x1xf32, #tpu.memory_space<hbm>> -> memref<14x112x1xf32, #tpu.memory_space<hbm>>
      tpu.enqueue_dma source(%dma_start3A_34 : memref<14x112x1xf32, #tpu.memory_space<hbm>>) target(%arg12 : memref<14x112x1xf32, #tpu.memory_space<vmem>>) target_semaphore(%run_scoped3A : memref<!tpu.dma_semaphore, #tpu.memory_space<semaphore_mem>>)
      %dma_wait3A = arith.constant 0 : i32
      %dma_wait3A_35 = arith.constant 0 : i32
      %dma_wait3A_36 = arith.constant 0 : i32
      %dma_wait3A_37 = tpu.memref_slice %arg4[%add3A, %dma_wait3A, %dma_wait3A_35, %dma_wait3A_36] : memref<32x14x112x1xf32, #tpu.memory_space<hbm>> -> memref<1x14x112x1xf32, #tpu.memory_space<hbm>>
      %dma_wait3A_38 = tpu.memref_squeeze %dma_wait3A_37 : memref<1x14x112x1xf32, #tpu.memory_space<hbm>> -> memref<14x112x1xf32, #tpu.memory_space<hbm>>
      %dma_wait3A_39 = arith.constant 0 : i32
      %dma_wait3A_40 = arith.constant 0 : i32
      %dma_wait3A_41 = arith.constant 0 : i32
      %dma_wait3A_42 = tpu.memref_slice %arg4[%add3A, %dma_wait3A_39, %dma_wait3A_40, %dma_wait3A_41] : memref<32x14x112x1xf32, #tpu.memory_space<hbm>> -> memref<1x14x112x1xf32, #tpu.memory_space<hbm>>
      %dma_wait3A_43 = tpu.memref_squeeze %dma_wait3A_42 : memref<1x14x112x1xf32, #tpu.memory_space<hbm>> -> memref<14x112x1xf32, #tpu.memory_space<hbm>>
      tpu.wait_dma2 semaphore(%run_scoped3A : memref<!tpu.dma_semaphore, #tpu.memory_space<semaphore_mem>>) src(%dma_wait3A_43 : memref<14x112x1xf32, #tpu.memory_space<hbm>>) dst(%arg12 : memref<14x112x1xf32, #tpu.memory_space<vmem>>)
      tpu.yield
    }) : () -> ()
    %barrier3A = arith.constant 0 : index
    tpu.barrier barrier_id(%barrier3A)
    %scan3A = arith.constant 0 : i32
    %scan3A_5 = arith.constant 0 : i32
    %scan3A_6 = arith.constant 14 : i32
    %scan3A_7 = arith.addi %scan3A_5, %scan3A_6 : i32
    %scan3A_8 = arith.constant 1 : i32
    scf.for %scan3A_26 = %scan3A_5 to %scan3A_7 step %scan3A_8  : i32 {
      %mul3A_27 = arith.constant 112 : i32
      %mul3A_28 = arith.muli %scan3A_26, %mul3A_27 : i32
      %add3A_29 = arith.addi %mul3A_2, %mul3A_28 : i32
      "tpu.region"() ({
        %run_scoped3A = tpu.sem_alloc : memref<!tpu.dma_semaphore, #tpu.memory_space<semaphore_mem>>
        %dma_start3A = arith.constant 0 : i32
        %dma_start3A_30 = tpu.memref_slice %arg2[%add3A_29, %dma_start3A] : memref<50176x64xf32, #tpu.memory_space<hbm>> -> memref<112x64xf32, #tpu.memory_space<hbm>>
        %dma_start3A_31 = arith.constant 0 : i32
        %dma_start3A_32 = tpu.memref_slice %arg2[%add3A_29, %dma_start3A_31] : memref<50176x64xf32, #tpu.memory_space<hbm>> -> memref<112x64xf32, #tpu.memory_space<hbm>>
        tpu.enqueue_dma source(%dma_start3A_32 : memref<112x64xf32, #tpu.memory_space<hbm>>) target(%arg13 : memref<112x64xf32, #tpu.memory_space<vmem>>) target_semaphore(%run_scoped3A : memref<!tpu.dma_semaphore, #tpu.memory_space<semaphore_mem>>)
        %dma_wait3A = arith.constant 0 : i32
        %dma_wait3A_33 = tpu.memref_slice %arg2[%add3A_29, %dma_wait3A] : memref<50176x64xf32, #tpu.memory_space<hbm>> -> memref<112x64xf32, #tpu.memory_space<hbm>>
        %dma_wait3A_34 = arith.constant 0 : i32
        %dma_wait3A_35 = tpu.memref_slice %arg2[%add3A_29, %dma_wait3A_34] : memref<50176x64xf32, #tpu.memory_space<hbm>> -> memref<112x64xf32, #tpu.memory_space<hbm>>
        tpu.wait_dma2 semaphore(%run_scoped3A : memref<!tpu.dma_semaphore, #tpu.memory_space<semaphore_mem>>) src(%dma_wait3A_35 : memref<112x64xf32, #tpu.memory_space<hbm>>) dst(%arg13 : memref<112x64xf32, #tpu.memory_space<vmem>>)
        tpu.yield
      }) : () -> ()
      "tpu.region"() ({
        %run_scoped3A = tpu.sem_alloc : memref<!tpu.dma_semaphore, #tpu.memory_space<semaphore_mem>>
        %dma_start3A = arith.constant 0 : i32
        %dma_start3A_30 = tpu.memref_slice %arg11[%scan3A_26, %dma_start3A] : memref<14x112xi32, #tpu.memory_space<vmem>> -> memref<1x112xi32, #tpu.memory_space<vmem>>
        %dma_start3A_31 = tpu.memref_squeeze %dma_start3A_30 : memref<1x112xi32, #tpu.memory_space<vmem>> -> memref<112xi32, #tpu.memory_space<vmem>>
        %dma_start3A_32 = arith.constant 0 : i32
        %dma_start3A_33 = arith.constant 0 : i32
        %dma_start3A_34 = tpu.memref_slice %arg14[%dma_start3A_32, %dma_start3A_33] : memref<520x64xf32, #tpu.memory_space<vmem_shared>> -> memref<520x64xf32, #tpu.memory_space<vmem_shared>>
        tpu.enqueue_indirect_dma source(%arg13 : memref<112x64xf32, #tpu.memory_space<vmem>>) target(%dma_start3A_34 : memref<520x64xf32, #tpu.memory_space<vmem_shared>>) offsets(%dma_start3A_31 : memref<112xi32, #tpu.memory_space<vmem>>) semaphore(%run_scoped3A : memref<!tpu.dma_semaphore, #tpu.memory_space<semaphore_mem>>) {add = true}
        %dma_wait3A = arith.constant 0 : i32
        %dma_wait3A_35 = tpu.memref_slice %arg11[%scan3A_26, %dma_wait3A] : memref<14x112xi32, #tpu.memory_space<vmem>> -> memref<1x112xi32, #tpu.memory_space<vmem>>
        %dma_wait3A_36 = tpu.memref_squeeze %dma_wait3A_35 : memref<1x112xi32, #tpu.memory_space<vmem>> -> memref<112xi32, #tpu.memory_space<vmem>>
        %dma_wait3A_37 = arith.constant 0 : i32
        %dma_wait3A_38 = arith.constant 0 : i32
        %dma_wait3A_39 = tpu.memref_slice %arg14[%dma_wait3A_37, %dma_wait3A_38] : memref<520x64xf32, #tpu.memory_space<vmem_shared>> -> memref<520x64xf32, #tpu.memory_space<vmem_shared>>
        tpu.wait_indirect_dma semaphore(%run_scoped3A : memref<!tpu.dma_semaphore, #tpu.memory_space<semaphore_mem>>) src(%arg13 : memref<112x64xf32, #tpu.memory_space<vmem>>) dst(%dma_wait3A_39 : memref<520x64xf32, #tpu.memory_space<vmem_shared>>)
        tpu.yield
      }) : () -> ()
      "tpu.region"() ({
        %run_scoped3A = tpu.sem_alloc : memref<!tpu.dma_semaphore, #tpu.memory_space<semaphore_mem>>
        %dma_start3A = arith.constant 0 : i32
        %dma_start3A_30 = arith.constant 0 : i32
        %dma_start3A_31 = tpu.memref_slice %arg12[%scan3A_26, %dma_start3A, %dma_start3A_30] : memref<14x112x1xf32, #tpu.memory_space<vmem>> -> memref<1x112x1xf32, #tpu.memory_space<vmem>>
        %dma_start3A_32 = tpu.memref_squeeze %dma_start3A_31 : memref<1x112x1xf32, #tpu.memory_space<vmem>> -> memref<112x1xf32, #tpu.memory_space<vmem>>
        %dma_start3A_33 = arith.constant 0 : i32
        %dma_start3A_34 = tpu.memref_slice %arg11[%scan3A_26, %dma_start3A_33] : memref<14x112xi32, #tpu.memory_space<vmem>> -> memref<1x112xi32, #tpu.memory_space<vmem>>
        %dma_start3A_35 = tpu.memref_squeeze %dma_start3A_34 : memref<1x112xi32, #tpu.memory_space<vmem>> -> memref<112xi32, #tpu.memory_space<vmem>>
        %dma_start3A_36 = arith.constant 0 : i32
        %dma_start3A_37 = arith.constant 0 : i32
        %dma_start3A_38 = tpu.memref_slice %arg15[%dma_start3A_36, %dma_start3A_37] : memref<520x1xf32, #tpu.memory_space<vmem_shared>> -> memref<520x1xf32, #tpu.memory_space<vmem_shared>>
        tpu.enqueue_indirect_dma source(%dma_start3A_32 : memref<112x1xf32, #tpu.memory_space<vmem>>) target(%dma_start3A_38 : memref<520x1xf32, #tpu.memory_space<vmem_shared>>) offsets(%dma_start3A_35 : memref<112xi32, #tpu.memory_space<vmem>>) semaphore(%run_scoped3A : memref<!tpu.dma_semaphore, #tpu.memory_space<semaphore_mem>>) {add = true}
        %dma_wait3A = arith.constant 0 : i32
        %dma_wait3A_39 = arith.constant 0 : i32
        %dma_wait3A_40 = tpu.memref_slice %arg12[%scan3A_26, %dma_wait3A, %dma_wait3A_39] : memref<14x112x1xf32, #tpu.memory_space<vmem>> -> memref<1x112x1xf32, #tpu.memory_space<vmem>>
        %dma_wait3A_41 = tpu.memref_squeeze %dma_wait3A_40 : memref<1x112x1xf32, #tpu.memory_space<vmem>> -> memref<112x1xf32, #tpu.memory_space<vmem>>
        %dma_wait3A_42 = arith.constant 0 : i32
        %dma_wait3A_43 = tpu.memref_slice %arg11[%scan3A_26, %dma_wait3A_42] : memref<14x112xi32, #tpu.memory_space<vmem>> -> memref<1x112xi32, #tpu.memory_space<vmem>>
        %dma_wait3A_44 = tpu.memref_squeeze %dma_wait3A_43 : memref<1x112xi32, #tpu.memory_space<vmem>> -> memref<112xi32, #tpu.memory_space<vmem>>
        %dma_wait3A_45 = arith.constant 0 : i32
        %dma_wait3A_46 = arith.constant 0 : i32
        %dma_wait3A_47 = tpu.memref_slice %arg15[%dma_wait3A_45, %dma_wait3A_46] : memref<520x1xf32, #tpu.memory_space<vmem_shared>> -> memref<520x1xf32, #tpu.memory_space<vmem_shared>>
        tpu.wait_indirect_dma semaphore(%run_scoped3A : memref<!tpu.dma_semaphore, #tpu.memory_space<semaphore_mem>>) src(%dma_wait3A_41 : memref<112x1xf32, #tpu.memory_space<vmem>>) dst(%dma_wait3A_47 : memref<520x1xf32, #tpu.memory_space<vmem_shared>>)
        tpu.yield
      }) : () -> ()
    }
    %scan3A_9 = arith.constant 14 : i32
    %barrier3A_10 = arith.constant 0 : index
    tpu.barrier barrier_id(%barrier3A_10)
    %eq3A_11 = arith.constant 0 : i32
    %eq3A_12 = arith.cmpi eq, %arg1, %eq3A_11 : i32
    %eq3A_13 = arith.constant 0 : i32
    %eq3A_14 = arith.cmpi eq, %arg0, %eq3A_13 : i32
    %and3A = arith.andi %eq3A_12, %eq3A_14 : i1
    %convert_element_type3A_15 = arith.extui %and3A : i1 to i32
    %cond3A_16 = arith.constant 0 : i32
    %cond3A_17 = arith.cmpi ne, %convert_element_type3A_15, %cond3A_16 : i32
    scf.if %cond3A_17 {
      "tpu.region"() ({
        %run_scoped3A = tpu.sem_alloc : memref<!tpu.dma_semaphore, #tpu.memory_space<semaphore_mem>>
        tpu.enqueue_dma source(%arg14 : memref<520x64xf32, #tpu.memory_space<vmem_shared>>) target(%arg7 : memref<520x64xf32, #tpu.memory_space<hbm>>) target_semaphore(%run_scoped3A : memref<!tpu.dma_semaphore, #tpu.memory_space<semaphore_mem>>)
        tpu.wait_dma2 semaphore(%run_scoped3A : memref<!tpu.dma_semaphore, #tpu.memory_space<semaphore_mem>>) src(%arg14 : memref<520x64xf32, #tpu.memory_space<vmem_shared>>) dst(%arg7 : memref<520x64xf32, #tpu.memory_space<hbm>>)
        tpu.yield
      }) : () -> ()
      "tpu.region"() ({
        %run_scoped3A = tpu.sem_alloc : memref<!tpu.dma_semaphore, #tpu.memory_space<semaphore_mem>>
        tpu.enqueue_dma source(%arg15 : memref<520x1xf32, #tpu.memory_space<vmem_shared>>) target(%arg9 : memref<520x1xf32, #tpu.memory_space<hbm>>) target_semaphore(%run_scoped3A : memref<!tpu.dma_semaphore, #tpu.memory_space<semaphore_mem>>)
        tpu.wait_dma2 semaphore(%run_scoped3A : memref<!tpu.dma_semaphore, #tpu.memory_space<semaphore_mem>>) src(%arg15 : memref<520x1xf32, #tpu.memory_space<vmem_shared>>) dst(%arg9 : memref<520x1xf32, #tpu.memory_space<hbm>>)
        tpu.yield
      }) : () -> ()
    } else {
    }
    %eq3A_18 = arith.constant 0 : i32
    %eq3A_19 = arith.cmpi eq, %arg1, %eq3A_18 : i32
    %eq3A_20 = arith.constant 1 : i32
    %eq3A_21 = arith.cmpi eq, %arg0, %eq3A_20 : i32
    %and3A_22 = arith.andi %eq3A_19, %eq3A_21 : i1
    %convert_element_type3A_23 = arith.extui %and3A_22 : i1 to i32
    %cond3A_24 = arith.constant 0 : i32
    %cond3A_25 = arith.cmpi ne, %convert_element_type3A_23, %cond3A_24 : i32
    scf.if %cond3A_25 {
      "tpu.region"() ({
        %run_scoped3A = tpu.sem_alloc : memref<!tpu.dma_semaphore, #tpu.memory_space<semaphore_mem>>
        tpu.enqueue_dma source(%arg14 : memref<520x64xf32, #tpu.memory_space<vmem_shared>>) target(%arg8 : memref<520x64xf32, #tpu.memory_space<hbm>>) target_semaphore(%run_scoped3A : memref<!tpu.dma_semaphore, #tpu.memory_space<semaphore_mem>>)
        tpu.wait_dma2 semaphore(%run_scoped3A : memref<!tpu.dma_semaphore, #tpu.memory_space<semaphore_mem>>) src(%arg14 : memref<520x64xf32, #tpu.memory_space<vmem_shared>>) dst(%arg8 : memref<520x64xf32, #tpu.memory_space<hbm>>)
        tpu.yield
      }) : () -> ()
      "tpu.region"() ({
        %run_scoped3A = tpu.sem_alloc : memref<!tpu.dma_semaphore, #tpu.memory_space<semaphore_mem>>
        tpu.enqueue_dma source(%arg15 : memref<520x1xf32, #tpu.memory_space<vmem_shared>>) target(%arg10 : memref<520x1xf32, #tpu.memory_space<hbm>>) target_semaphore(%run_scoped3A : memref<!tpu.dma_semaphore, #tpu.memory_space<semaphore_mem>>)
        tpu.wait_dma2 semaphore(%run_scoped3A : memref<!tpu.dma_semaphore, #tpu.memory_space<semaphore_mem>>) src(%arg15 : memref<520x1xf32, #tpu.memory_space<vmem_shared>>) dst(%arg10 : memref<520x1xf32, #tpu.memory_space<hbm>>)
        tpu.yield
      }) : () -> ()
    } else {
    }
    return
  }
}

#map = affine_map<(d0, d1) -> (0, 0, 0)>
#map1 = affine_map<(d0, d1) -> (0, 0)>
module attributes {stable_mosaic.version = 14 : i64} {
  func.func @_deg_body(%arg0: i32, %arg1: i32, %arg2: memref<32x196x128xi32, #tpu.memory_space<hbm>>, %arg3: memref<128x1xf32, #tpu.memory_space<hbm>>, %arg4: memref<3136x1xf32, #tpu.memory_space<hbm>>, %arg5: memref<50176x1xf32, #tpu.memory_space<hbm>>, %arg6: memref<50176x1xf32, #tpu.memory_space<hbm>>, %arg7: memref<196x128xi32, #tpu.memory_space<vmem>>, %arg8: memref<128x1xf32, #tpu.memory_space<vmem>>, %arg9: memref<50176x1xf32, #tpu.memory_space<vmem_shared>>) attributes {dimension_semantics = [#tpu.dimension_semantics<core_parallel>, #tpu.dimension_semantics<subcore_parallel>], iteration_bounds = array<i64: 2, 16>, scalar_prefetch = 0 : i64, scratch_operands = 3 : i64, tpu.core_type = #tpu.core_type<sc_vector_subcore>, window_params = [{transform_indices = #map}, {transform_indices = #map1}, {transform_indices = #map1}, {transform_indices = #map1}, {transform_indices = #map1}]} {
    %mul3A = arith.constant 16 : i32
    %mul3A_0 = arith.muli %arg0, %mul3A : i32
    %add3A = arith.addi %mul3A_0, %arg1 : i32
    %mul3A_1 = arith.constant 3136 : i32
    %mul3A_2 = arith.muli %arg1, %mul3A_1 : i32
    "tpu.region"() ({
      %run_scoped3A = tpu.sem_alloc : memref<!tpu.dma_semaphore, #tpu.memory_space<semaphore_mem>>
      %dma_start3A = arith.constant 0 : i32
      %dma_start3A_16 = tpu.memref_slice %arg9[%mul3A_2, %dma_start3A] : memref<50176x1xf32, #tpu.memory_space<vmem_shared>> -> memref<3136x1xf32, #tpu.memory_space<vmem_shared>>
      tpu.enqueue_dma source(%arg4 : memref<3136x1xf32, #tpu.memory_space<hbm>>) target(%dma_start3A_16 : memref<3136x1xf32, #tpu.memory_space<vmem_shared>>) target_semaphore(%run_scoped3A : memref<!tpu.dma_semaphore, #tpu.memory_space<semaphore_mem>>)
      %dma_wait3A = arith.constant 0 : i32
      %dma_wait3A_17 = tpu.memref_slice %arg9[%mul3A_2, %dma_wait3A] : memref<50176x1xf32, #tpu.memory_space<vmem_shared>> -> memref<3136x1xf32, #tpu.memory_space<vmem_shared>>
      tpu.wait_dma2 semaphore(%run_scoped3A : memref<!tpu.dma_semaphore, #tpu.memory_space<semaphore_mem>>) src(%arg4 : memref<3136x1xf32, #tpu.memory_space<hbm>>) dst(%dma_wait3A_17 : memref<3136x1xf32, #tpu.memory_space<vmem_shared>>)
      tpu.yield
    }) : () -> ()
    "tpu.region"() ({
      %run_scoped3A = tpu.sem_alloc : memref<!tpu.dma_semaphore, #tpu.memory_space<semaphore_mem>>
      %dma_start3A = arith.constant 0 : i32
      %dma_start3A_16 = arith.constant 0 : i32
      %dma_start3A_17 = tpu.memref_slice %arg2[%add3A, %dma_start3A, %dma_start3A_16] : memref<32x196x128xi32, #tpu.memory_space<hbm>> -> memref<1x196x128xi32, #tpu.memory_space<hbm>>
      %dma_start3A_18 = tpu.memref_squeeze %dma_start3A_17 : memref<1x196x128xi32, #tpu.memory_space<hbm>> -> memref<196x128xi32, #tpu.memory_space<hbm>>
      %dma_start3A_19 = arith.constant 0 : i32
      %dma_start3A_20 = arith.constant 0 : i32
      %dma_start3A_21 = tpu.memref_slice %arg2[%add3A, %dma_start3A_19, %dma_start3A_20] : memref<32x196x128xi32, #tpu.memory_space<hbm>> -> memref<1x196x128xi32, #tpu.memory_space<hbm>>
      %dma_start3A_22 = tpu.memref_squeeze %dma_start3A_21 : memref<1x196x128xi32, #tpu.memory_space<hbm>> -> memref<196x128xi32, #tpu.memory_space<hbm>>
      tpu.enqueue_dma source(%dma_start3A_22 : memref<196x128xi32, #tpu.memory_space<hbm>>) target(%arg7 : memref<196x128xi32, #tpu.memory_space<vmem>>) target_semaphore(%run_scoped3A : memref<!tpu.dma_semaphore, #tpu.memory_space<semaphore_mem>>)
      %dma_wait3A = arith.constant 0 : i32
      %dma_wait3A_23 = arith.constant 0 : i32
      %dma_wait3A_24 = tpu.memref_slice %arg2[%add3A, %dma_wait3A, %dma_wait3A_23] : memref<32x196x128xi32, #tpu.memory_space<hbm>> -> memref<1x196x128xi32, #tpu.memory_space<hbm>>
      %dma_wait3A_25 = tpu.memref_squeeze %dma_wait3A_24 : memref<1x196x128xi32, #tpu.memory_space<hbm>> -> memref<196x128xi32, #tpu.memory_space<hbm>>
      %dma_wait3A_26 = arith.constant 0 : i32
      %dma_wait3A_27 = arith.constant 0 : i32
      %dma_wait3A_28 = tpu.memref_slice %arg2[%add3A, %dma_wait3A_26, %dma_wait3A_27] : memref<32x196x128xi32, #tpu.memory_space<hbm>> -> memref<1x196x128xi32, #tpu.memory_space<hbm>>
      %dma_wait3A_29 = tpu.memref_squeeze %dma_wait3A_28 : memref<1x196x128xi32, #tpu.memory_space<hbm>> -> memref<196x128xi32, #tpu.memory_space<hbm>>
      tpu.wait_dma2 semaphore(%run_scoped3A : memref<!tpu.dma_semaphore, #tpu.memory_space<semaphore_mem>>) src(%dma_wait3A_29 : memref<196x128xi32, #tpu.memory_space<hbm>>) dst(%arg7 : memref<196x128xi32, #tpu.memory_space<vmem>>)
      tpu.yield
    }) : () -> ()
    "tpu.region"() ({
      %run_scoped3A = tpu.sem_alloc : memref<!tpu.dma_semaphore, #tpu.memory_space<semaphore_mem>>
      tpu.enqueue_dma source(%arg3 : memref<128x1xf32, #tpu.memory_space<hbm>>) target(%arg8 : memref<128x1xf32, #tpu.memory_space<vmem>>) target_semaphore(%run_scoped3A : memref<!tpu.dma_semaphore, #tpu.memory_space<semaphore_mem>>)
      tpu.wait_dma2 semaphore(%run_scoped3A : memref<!tpu.dma_semaphore, #tpu.memory_space<semaphore_mem>>) src(%arg3 : memref<128x1xf32, #tpu.memory_space<hbm>>) dst(%arg8 : memref<128x1xf32, #tpu.memory_space<vmem>>)
      tpu.yield
    }) : () -> ()
    %barrier3A = arith.constant 0 : index
    tpu.barrier barrier_id(%barrier3A)
    %scan3A = arith.constant 0 : i32
    %scan3A_3 = arith.constant 0 : i32
    %scan3A_4 = arith.constant 196 : i32
    %scan3A_5 = arith.addi %scan3A_3, %scan3A_4 : i32
    %scan3A_6 = arith.constant 1 : i32
    scf.for %scan3A_16 = %scan3A_3 to %scan3A_5 step %scan3A_6  : i32 {
      "tpu.region"() ({
        %run_scoped3A = tpu.sem_alloc : memref<!tpu.dma_semaphore, #tpu.memory_space<semaphore_mem>>
        %dma_start3A = arith.constant 0 : i32
        %dma_start3A_17 = tpu.memref_slice %arg7[%scan3A_16, %dma_start3A] : memref<196x128xi32, #tpu.memory_space<vmem>> -> memref<1x128xi32, #tpu.memory_space<vmem>>
        %dma_start3A_18 = tpu.memref_squeeze %dma_start3A_17 : memref<1x128xi32, #tpu.memory_space<vmem>> -> memref<128xi32, #tpu.memory_space<vmem>>
        %dma_start3A_19 = arith.constant 0 : i32
        %dma_start3A_20 = arith.constant 0 : i32
        %dma_start3A_21 = tpu.memref_slice %arg9[%dma_start3A_19, %dma_start3A_20] : memref<50176x1xf32, #tpu.memory_space<vmem_shared>> -> memref<50176x1xf32, #tpu.memory_space<vmem_shared>>
        tpu.enqueue_indirect_dma source(%arg8 : memref<128x1xf32, #tpu.memory_space<vmem>>) target(%dma_start3A_21 : memref<50176x1xf32, #tpu.memory_space<vmem_shared>>) offsets(%dma_start3A_18 : memref<128xi32, #tpu.memory_space<vmem>>) semaphore(%run_scoped3A : memref<!tpu.dma_semaphore, #tpu.memory_space<semaphore_mem>>) {add = true}
        %dma_wait3A = arith.constant 0 : i32
        %dma_wait3A_22 = tpu.memref_slice %arg7[%scan3A_16, %dma_wait3A] : memref<196x128xi32, #tpu.memory_space<vmem>> -> memref<1x128xi32, #tpu.memory_space<vmem>>
        %dma_wait3A_23 = tpu.memref_squeeze %dma_wait3A_22 : memref<1x128xi32, #tpu.memory_space<vmem>> -> memref<128xi32, #tpu.memory_space<vmem>>
        %dma_wait3A_24 = arith.constant 0 : i32
        %dma_wait3A_25 = arith.constant 0 : i32
        %dma_wait3A_26 = tpu.memref_slice %arg9[%dma_wait3A_24, %dma_wait3A_25] : memref<50176x1xf32, #tpu.memory_space<vmem_shared>> -> memref<50176x1xf32, #tpu.memory_space<vmem_shared>>
        tpu.wait_indirect_dma semaphore(%run_scoped3A : memref<!tpu.dma_semaphore, #tpu.memory_space<semaphore_mem>>) src(%arg8 : memref<128x1xf32, #tpu.memory_space<vmem>>) dst(%dma_wait3A_26 : memref<50176x1xf32, #tpu.memory_space<vmem_shared>>)
        tpu.yield
      }) : () -> ()
    }
    %scan3A_7 = arith.constant 196 : i32
    %barrier3A_8 = arith.constant 0 : index
    tpu.barrier barrier_id(%barrier3A_8)
    %eq3A = arith.constant 0 : i32
    %eq3A_9 = arith.cmpi eq, %arg0, %eq3A : i32
    %convert_element_type3A = arith.extui %eq3A_9 : i1 to i32
    %cond3A = arith.constant 0 : i32
    %cond3A_10 = arith.cmpi ne, %convert_element_type3A, %cond3A : i32
    scf.if %cond3A_10 {
      "tpu.region"() ({
        %run_scoped3A = tpu.sem_alloc : memref<!tpu.dma_semaphore, #tpu.memory_space<semaphore_mem>>
        %dma_start3A = arith.constant 0 : i32
        %dma_start3A_16 = tpu.memref_slice %arg5[%mul3A_2, %dma_start3A] : memref<50176x1xf32, #tpu.memory_space<hbm>> -> memref<3136x1xf32, #tpu.memory_space<hbm>>
        %dma_start3A_17 = arith.constant 0 : i32
        %dma_start3A_18 = tpu.memref_slice %arg9[%mul3A_2, %dma_start3A_17] : memref<50176x1xf32, #tpu.memory_space<vmem_shared>> -> memref<3136x1xf32, #tpu.memory_space<vmem_shared>>
        tpu.enqueue_dma source(%dma_start3A_18 : memref<3136x1xf32, #tpu.memory_space<vmem_shared>>) target(%dma_start3A_16 : memref<3136x1xf32, #tpu.memory_space<hbm>>) target_semaphore(%run_scoped3A : memref<!tpu.dma_semaphore, #tpu.memory_space<semaphore_mem>>)
        %dma_wait3A = arith.constant 0 : i32
        %dma_wait3A_19 = tpu.memref_slice %arg5[%mul3A_2, %dma_wait3A] : memref<50176x1xf32, #tpu.memory_space<hbm>> -> memref<3136x1xf32, #tpu.memory_space<hbm>>
        %dma_wait3A_20 = arith.constant 0 : i32
        %dma_wait3A_21 = tpu.memref_slice %arg9[%mul3A_2, %dma_wait3A_20] : memref<50176x1xf32, #tpu.memory_space<vmem_shared>> -> memref<3136x1xf32, #tpu.memory_space<vmem_shared>>
        tpu.wait_dma2 semaphore(%run_scoped3A : memref<!tpu.dma_semaphore, #tpu.memory_space<semaphore_mem>>) src(%dma_wait3A_21 : memref<3136x1xf32, #tpu.memory_space<vmem_shared>>) dst(%dma_wait3A_19 : memref<3136x1xf32, #tpu.memory_space<hbm>>)
        tpu.yield
      }) : () -> ()
    } else {
    }
    %eq3A_11 = arith.constant 1 : i32
    %eq3A_12 = arith.cmpi eq, %arg0, %eq3A_11 : i32
    %convert_element_type3A_13 = arith.extui %eq3A_12 : i1 to i32
    %cond3A_14 = arith.constant 0 : i32
    %cond3A_15 = arith.cmpi ne, %convert_element_type3A_13, %cond3A_14 : i32
    scf.if %cond3A_15 {
      "tpu.region"() ({
        %run_scoped3A = tpu.sem_alloc : memref<!tpu.dma_semaphore, #tpu.memory_space<semaphore_mem>>
        %dma_start3A = arith.constant 0 : i32
        %dma_start3A_16 = tpu.memref_slice %arg6[%mul3A_2, %dma_start3A] : memref<50176x1xf32, #tpu.memory_space<hbm>> -> memref<3136x1xf32, #tpu.memory_space<hbm>>
        %dma_start3A_17 = arith.constant 0 : i32
        %dma_start3A_18 = tpu.memref_slice %arg9[%mul3A_2, %dma_start3A_17] : memref<50176x1xf32, #tpu.memory_space<vmem_shared>> -> memref<3136x1xf32, #tpu.memory_space<vmem_shared>>
        tpu.enqueue_dma source(%dma_start3A_18 : memref<3136x1xf32, #tpu.memory_space<vmem_shared>>) target(%dma_start3A_16 : memref<3136x1xf32, #tpu.memory_space<hbm>>) target_semaphore(%run_scoped3A : memref<!tpu.dma_semaphore, #tpu.memory_space<semaphore_mem>>)
        %dma_wait3A = arith.constant 0 : i32
        %dma_wait3A_19 = tpu.memref_slice %arg6[%mul3A_2, %dma_wait3A] : memref<50176x1xf32, #tpu.memory_space<hbm>> -> memref<3136x1xf32, #tpu.memory_space<hbm>>
        %dma_wait3A_20 = arith.constant 0 : i32
        %dma_wait3A_21 = tpu.memref_slice %arg9[%mul3A_2, %dma_wait3A_20] : memref<50176x1xf32, #tpu.memory_space<vmem_shared>> -> memref<3136x1xf32, #tpu.memory_space<vmem_shared>>
        tpu.wait_dma2 semaphore(%run_scoped3A : memref<!tpu.dma_semaphore, #tpu.memory_space<semaphore_mem>>) src(%dma_wait3A_21 : memref<3136x1xf32, #tpu.memory_space<vmem_shared>>) dst(%dma_wait3A_19 : memref<3136x1xf32, #tpu.memory_space<hbm>>)
        tpu.yield
      }) : () -> ()
    } else {
    }
    return
  }
}

#map = affine_map<(d0, d1) -> (0, 0)>
#map1 = affine_map<(d0, d1) -> (0, 0, 0)>
module attributes {stable_mosaic.version = 14 : i64} {
  func.func @_agg_body(%arg0: i32, %arg1: i32, %arg2: memref<100352x8xf32, #tpu.memory_space<hbm>>, %arg3: memref<100352x8xf32, #tpu.memory_space<hbm>>, %arg4: memref<100352x8xf32, #tpu.memory_space<hbm>>, %arg5: memref<100352x8xf32, #tpu.memory_space<hbm>>, %arg6: memref<16x392x128xi32, #tpu.memory_space<hbm>>, %arg7: memref<16x392x128xi32, #tpu.memory_space<hbm>>, %arg8: memref<16x392x128xi32, #tpu.memory_space<hbm>>, %arg9: memref<3136x8xf32, #tpu.memory_space<hbm>>, %arg10: memref<50176x8xf32, #tpu.memory_space<hbm>>, %arg11: memref<50176x8xf32, #tpu.memory_space<hbm>>, %arg12: memref<50176x8xf32, #tpu.memory_space<hbm>>, %arg13: memref<50176x8xf32, #tpu.memory_space<hbm>>, %arg14: memref<50176x8xf32, #tpu.memory_space<hbm>>, %arg15: memref<50176x8xf32, #tpu.memory_space<hbm>>, %arg16: memref<50176x8xf32, #tpu.memory_space<hbm>>, %arg17: memref<50176x8xf32, #tpu.memory_space<hbm>>, %arg18: memref<392x128xi32, #tpu.memory_space<vmem>>, %arg19: memref<392x128xi32, #tpu.memory_space<vmem>>, %arg20: memref<128x8xf32, #tpu.memory_space<vmem>>, %arg21: memref<128x8xf32, #tpu.memory_space<vmem>>, %arg22: memref<!tpu.dma_semaphore, #tpu.memory_space<semaphore_mem>>, %arg23: memref<!tpu.dma_semaphore, #tpu.memory_space<semaphore_mem>>, %arg24: memref<50176x8xf32, #tpu.memory_space<vmem_shared>>) attributes {dimension_semantics = [#tpu.dimension_semantics<core_parallel>, #tpu.dimension_semantics<subcore_parallel>], iteration_bounds = array<i64: 2, 16>, scalar_prefetch = 0 : i64, scratch_operands = 7 : i64, tpu.core_type = #tpu.core_type<sc_vector_subcore>, window_params = [{transform_indices = #map}, {transform_indices = #map}, {transform_indices = #map}, {transform_indices = #map}, {transform_indices = #map1}, {transform_indices = #map1}, {transform_indices = #map1}, {transform_indices = #map}, {transform_indices = #map}, {transform_indices = #map}, {transform_indices = #map}, {transform_indices = #map}, {transform_indices = #map}, {transform_indices = #map}, {transform_indices = #map}, {transform_indices = #map}]} {
    %mul3A = arith.constant 3136 : i32
    %mul3A_0 = arith.muli %arg1, %mul3A : i32
    %eq3A = arith.constant 0 : i32
    %eq3A_1 = arith.cmpi eq, %arg0, %eq3A : i32
    %convert_element_type3A = arith.extui %eq3A_1 : i1 to i32
    %cond3A = arith.constant 0 : i32
    %cond3A_2 = arith.cmpi ne, %convert_element_type3A, %cond3A : i32
    scf.if %cond3A_2 {
      "tpu.region"() ({
        %run_scoped3A = tpu.sem_alloc : memref<!tpu.dma_semaphore, #tpu.memory_space<semaphore_mem>>
        %dma_start3A_132 = arith.constant 0 : i32
        %dma_start3A_133 = arith.constant 0 : i32
        %dma_start3A_134 = tpu.memref_slice %arg6[%arg1, %dma_start3A_132, %dma_start3A_133] : memref<16x392x128xi32, #tpu.memory_space<hbm>> -> memref<1x392x128xi32, #tpu.memory_space<hbm>>
        %dma_start3A_135 = tpu.memref_squeeze %dma_start3A_134 : memref<1x392x128xi32, #tpu.memory_space<hbm>> -> memref<392x128xi32, #tpu.memory_space<hbm>>
        %dma_start3A_136 = arith.constant 0 : i32
        %dma_start3A_137 = arith.constant 0 : i32
        %dma_start3A_138 = tpu.memref_slice %arg6[%arg1, %dma_start3A_136, %dma_start3A_137] : memref<16x392x128xi32, #tpu.memory_space<hbm>> -> memref<1x392x128xi32, #tpu.memory_space<hbm>>
        %dma_start3A_139 = tpu.memref_squeeze %dma_start3A_138 : memref<1x392x128xi32, #tpu.memory_space<hbm>> -> memref<392x128xi32, #tpu.memory_space<hbm>>
        tpu.enqueue_dma source(%dma_start3A_139 : memref<392x128xi32, #tpu.memory_space<hbm>>) target(%arg18 : memref<392x128xi32, #tpu.memory_space<vmem>>) target_semaphore(%run_scoped3A : memref<!tpu.dma_semaphore, #tpu.memory_space<semaphore_mem>>)
        %dma_wait3A_140 = arith.constant 0 : i32
        %dma_wait3A_141 = arith.constant 0 : i32
        %dma_wait3A_142 = tpu.memref_slice %arg6[%arg1, %dma_wait3A_140, %dma_wait3A_141] : memref<16x392x128xi32, #tpu.memory_space<hbm>> -> memref<1x392x128xi32, #tpu.memory_space<hbm>>
        %dma_wait3A_143 = tpu.memref_squeeze %dma_wait3A_142 : memref<1x392x128xi32, #tpu.memory_space<hbm>> -> memref<392x128xi32, #tpu.memory_space<hbm>>
        %dma_wait3A_144 = arith.constant 0 : i32
        %dma_wait3A_145 = arith.constant 0 : i32
        %dma_wait3A_146 = tpu.memref_slice %arg6[%arg1, %dma_wait3A_144, %dma_wait3A_145] : memref<16x392x128xi32, #tpu.memory_space<hbm>> -> memref<1x392x128xi32, #tpu.memory_space<hbm>>
        %dma_wait3A_147 = tpu.memref_squeeze %dma_wait3A_146 : memref<1x392x128xi32, #tpu.memory_space<hbm>> -> memref<392x128xi32, #tpu.memory_space<hbm>>
        tpu.wait_dma2 semaphore(%run_scoped3A : memref<!tpu.dma_semaphore, #tpu.memory_space<semaphore_mem>>) src(%dma_wait3A_147 : memref<392x128xi32, #tpu.memory_space<hbm>>) dst(%arg18 : memref<392x128xi32, #tpu.memory_space<vmem>>)
        tpu.yield
      }) : () -> ()
    } else {
    }
    %eq3A_3 = arith.constant 1 : i32
    %eq3A_4 = arith.cmpi eq, %arg0, %eq3A_3 : i32
    %convert_element_type3A_5 = arith.extui %eq3A_4 : i1 to i32
    %cond3A_6 = arith.constant 0 : i32
    %cond3A_7 = arith.cmpi ne, %convert_element_type3A_5, %cond3A_6 : i32
    scf.if %cond3A_7 {
      "tpu.region"() ({
        %run_scoped3A = tpu.sem_alloc : memref<!tpu.dma_semaphore, #tpu.memory_space<semaphore_mem>>
        %dma_start3A_132 = arith.constant 0 : i32
        %dma_start3A_133 = arith.constant 0 : i32
        %dma_start3A_134 = tpu.memref_slice %arg7[%arg1, %dma_start3A_132, %dma_start3A_133] : memref<16x392x128xi32, #tpu.memory_space<hbm>> -> memref<1x392x128xi32, #tpu.memory_space<hbm>>
        %dma_start3A_135 = tpu.memref_squeeze %dma_start3A_134 : memref<1x392x128xi32, #tpu.memory_space<hbm>> -> memref<392x128xi32, #tpu.memory_space<hbm>>
        %dma_start3A_136 = arith.constant 0 : i32
        %dma_start3A_137 = arith.constant 0 : i32
        %dma_start3A_138 = tpu.memref_slice %arg7[%arg1, %dma_start3A_136, %dma_start3A_137] : memref<16x392x128xi32, #tpu.memory_space<hbm>> -> memref<1x392x128xi32, #tpu.memory_space<hbm>>
        %dma_start3A_139 = tpu.memref_squeeze %dma_start3A_138 : memref<1x392x128xi32, #tpu.memory_space<hbm>> -> memref<392x128xi32, #tpu.memory_space<hbm>>
        tpu.enqueue_dma source(%dma_start3A_139 : memref<392x128xi32, #tpu.memory_space<hbm>>) target(%arg18 : memref<392x128xi32, #tpu.memory_space<vmem>>) target_semaphore(%run_scoped3A : memref<!tpu.dma_semaphore, #tpu.memory_space<semaphore_mem>>)
        %dma_wait3A_140 = arith.constant 0 : i32
        %dma_wait3A_141 = arith.constant 0 : i32
        %dma_wait3A_142 = tpu.memref_slice %arg7[%arg1, %dma_wait3A_140, %dma_wait3A_141] : memref<16x392x128xi32, #tpu.memory_space<hbm>> -> memref<1x392x128xi32, #tpu.memory_space<hbm>>
        %dma_wait3A_143 = tpu.memref_squeeze %dma_wait3A_142 : memref<1x392x128xi32, #tpu.memory_space<hbm>> -> memref<392x128xi32, #tpu.memory_space<hbm>>
        %dma_wait3A_144 = arith.constant 0 : i32
        %dma_wait3A_145 = arith.constant 0 : i32
        %dma_wait3A_146 = tpu.memref_slice %arg7[%arg1, %dma_wait3A_144, %dma_wait3A_145] : memref<16x392x128xi32, #tpu.memory_space<hbm>> -> memref<1x392x128xi32, #tpu.memory_space<hbm>>
        %dma_wait3A_147 = tpu.memref_squeeze %dma_wait3A_146 : memref<1x392x128xi32, #tpu.memory_space<hbm>> -> memref<392x128xi32, #tpu.memory_space<hbm>>
        tpu.wait_dma2 semaphore(%run_scoped3A : memref<!tpu.dma_semaphore, #tpu.memory_space<semaphore_mem>>) src(%dma_wait3A_147 : memref<392x128xi32, #tpu.memory_space<hbm>>) dst(%arg18 : memref<392x128xi32, #tpu.memory_space<vmem>>)
        tpu.yield
      }) : () -> ()
    } else {
    }
    "tpu.region"() ({
      %run_scoped3A = tpu.sem_alloc : memref<!tpu.dma_semaphore, #tpu.memory_space<semaphore_mem>>
      %dma_start3A_132 = arith.constant 0 : i32
      %dma_start3A_133 = arith.constant 0 : i32
      %dma_start3A_134 = tpu.memref_slice %arg8[%arg1, %dma_start3A_132, %dma_start3A_133] : memref<16x392x128xi32, #tpu.memory_space<hbm>> -> memref<1x392x128xi32, #tpu.memory_space<hbm>>
      %dma_start3A_135 = tpu.memref_squeeze %dma_start3A_134 : memref<1x392x128xi32, #tpu.memory_space<hbm>> -> memref<392x128xi32, #tpu.memory_space<hbm>>
      %dma_start3A_136 = arith.constant 0 : i32
      %dma_start3A_137 = arith.constant 0 : i32
      %dma_start3A_138 = tpu.memref_slice %arg8[%arg1, %dma_start3A_136, %dma_start3A_137] : memref<16x392x128xi32, #tpu.memory_space<hbm>> -> memref<1x392x128xi32, #tpu.memory_space<hbm>>
      %dma_start3A_139 = tpu.memref_squeeze %dma_start3A_138 : memref<1x392x128xi32, #tpu.memory_space<hbm>> -> memref<392x128xi32, #tpu.memory_space<hbm>>
      tpu.enqueue_dma source(%dma_start3A_139 : memref<392x128xi32, #tpu.memory_space<hbm>>) target(%arg19 : memref<392x128xi32, #tpu.memory_space<vmem>>) target_semaphore(%run_scoped3A : memref<!tpu.dma_semaphore, #tpu.memory_space<semaphore_mem>>)
      %dma_wait3A_140 = arith.constant 0 : i32
      %dma_wait3A_141 = arith.constant 0 : i32
      %dma_wait3A_142 = tpu.memref_slice %arg8[%arg1, %dma_wait3A_140, %dma_wait3A_141] : memref<16x392x128xi32, #tpu.memory_space<hbm>> -> memref<1x392x128xi32, #tpu.memory_space<hbm>>
      %dma_wait3A_143 = tpu.memref_squeeze %dma_wait3A_142 : memref<1x392x128xi32, #tpu.memory_space<hbm>> -> memref<392x128xi32, #tpu.memory_space<hbm>>
      %dma_wait3A_144 = arith.constant 0 : i32
      %dma_wait3A_145 = arith.constant 0 : i32
      %dma_wait3A_146 = tpu.memref_slice %arg8[%arg1, %dma_wait3A_144, %dma_wait3A_145] : memref<16x392x128xi32, #tpu.memory_space<hbm>> -> memref<1x392x128xi32, #tpu.memory_space<hbm>>
      %dma_wait3A_147 = tpu.memref_squeeze %dma_wait3A_146 : memref<1x392x128xi32, #tpu.memory_space<hbm>> -> memref<392x128xi32, #tpu.memory_space<hbm>>
      tpu.wait_dma2 semaphore(%run_scoped3A : memref<!tpu.dma_semaphore, #tpu.memory_space<semaphore_mem>>) src(%dma_wait3A_147 : memref<392x128xi32, #tpu.memory_space<hbm>>) dst(%arg19 : memref<392x128xi32, #tpu.memory_space<vmem>>)
      tpu.yield
    }) : () -> ()
    "tpu.region"() ({
      %run_scoped3A = tpu.sem_alloc : memref<!tpu.dma_semaphore, #tpu.memory_space<semaphore_mem>>
      %dma_start3A_132 = arith.constant 0 : i32
      %dma_start3A_133 = tpu.memref_slice %arg24[%mul3A_0, %dma_start3A_132] : memref<50176x8xf32, #tpu.memory_space<vmem_shared>> -> memref<3136x8xf32, #tpu.memory_space<vmem_shared>>
      tpu.enqueue_dma source(%arg9 : memref<3136x8xf32, #tpu.memory_space<hbm>>) target(%dma_start3A_133 : memref<3136x8xf32, #tpu.memory_space<vmem_shared>>) target_semaphore(%run_scoped3A : memref<!tpu.dma_semaphore, #tpu.memory_space<semaphore_mem>>)
      %dma_wait3A_134 = arith.constant 0 : i32
      %dma_wait3A_135 = tpu.memref_slice %arg24[%mul3A_0, %dma_wait3A_134] : memref<50176x8xf32, #tpu.memory_space<vmem_shared>> -> memref<3136x8xf32, #tpu.memory_space<vmem_shared>>
      tpu.wait_dma2 semaphore(%run_scoped3A : memref<!tpu.dma_semaphore, #tpu.memory_space<semaphore_mem>>) src(%arg9 : memref<3136x8xf32, #tpu.memory_space<hbm>>) dst(%dma_wait3A_135 : memref<3136x8xf32, #tpu.memory_space<vmem_shared>>)
      tpu.yield
    }) : () -> ()
    %barrier3A = arith.constant 0 : index
    tpu.barrier barrier_id(%barrier3A)
    %dma_start3A = arith.constant 0 : i32
    %dma_start3A_8 = arith.constant 0 : i32
    %dma_start3A_9 = tpu.memref_slice %arg18[%dma_start3A, %dma_start3A_8] : memref<392x128xi32, #tpu.memory_space<vmem>> -> memref<1x128xi32, #tpu.memory_space<vmem>>
    %dma_start3A_10 = tpu.memref_squeeze %dma_start3A_9 : memref<1x128xi32, #tpu.memory_space<vmem>> -> memref<128xi32, #tpu.memory_space<vmem>>
    %dma_start3A_11 = arith.constant 0 : i32
    %dma_start3A_12 = arith.constant 0 : i32
    %dma_start3A_13 = tpu.memref_slice %arg2[%dma_start3A_11, %dma_start3A_12] : memref<100352x8xf32, #tpu.memory_space<hbm>> -> memref<100352x8xf32, #tpu.memory_space<hbm>>
    tpu.enqueue_indirect_dma source(%dma_start3A_13 : memref<100352x8xf32, #tpu.memory_space<hbm>>) target(%arg20 : memref<128x8xf32, #tpu.memory_space<vmem>>) offsets(%dma_start3A_10 : memref<128xi32, #tpu.memory_space<vmem>>) semaphore(%arg22 : memref<!tpu.dma_semaphore, #tpu.memory_space<semaphore_mem>>)
    %scan3A = arith.constant 0 : i32
    %scan3A_14 = arith.constant 0 : i32
    %scan3A_15 = arith.constant 196 : i32
    %scan3A_16 = arith.addi %scan3A_14, %scan3A_15 : i32
    %scan3A_17 = arith.constant 1 : i32
    scf.for %scan3A_132 = %scan3A_14 to %scan3A_16 step %scan3A_17  : i32 {
      %mul3A_133 = arith.constant 2 : i32
      %mul3A_134 = arith.muli %mul3A_133, %scan3A_132 : i32
      %mul3A_135 = arith.constant 2 : i32
      %mul3A_136 = arith.muli %mul3A_135, %scan3A_132 : i32
      %add3A = arith.constant 1 : i32
      %add3A_137 = arith.addi %mul3A_136, %add3A : i32
      %mul3A_138 = arith.constant 2 : i32
      %mul3A_139 = arith.muli %mul3A_138, %scan3A_132 : i32
      %add3A_140 = arith.constant 2 : i32
      %add3A_141 = arith.addi %mul3A_139, %add3A_140 : i32
      %min3A = arith.constant 391 : i32
      %min3A_142 = arith.minsi %add3A_141, %min3A : i32
      %dma_wait3A_143 = arith.constant 0 : i32
      %dma_wait3A_144 = tpu.memref_slice %arg18[%mul3A_134, %dma_wait3A_143] : memref<392x128xi32, #tpu.memory_space<vmem>> -> memref<1x128xi32, #tpu.memory_space<vmem>>
      %dma_wait3A_145 = tpu.memref_squeeze %dma_wait3A_144 : memref<1x128xi32, #tpu.memory_space<vmem>> -> memref<128xi32, #tpu.memory_space<vmem>>
      %dma_wait3A_146 = arith.constant 0 : i32
      %dma_wait3A_147 = arith.constant 0 : i32
      %dma_wait3A_148 = tpu.memref_slice %arg2[%dma_wait3A_146, %dma_wait3A_147] : memref<100352x8xf32, #tpu.memory_space<hbm>> -> memref<100352x8xf32, #tpu.memory_space<hbm>>
      tpu.wait_indirect_dma semaphore(%arg22 : memref<!tpu.dma_semaphore, #tpu.memory_space<semaphore_mem>>) src(%dma_wait3A_148 : memref<100352x8xf32, #tpu.memory_space<hbm>>) dst(%arg20 : memref<128x8xf32, #tpu.memory_space<vmem>>)
      %dma_start3A_149 = arith.constant 0 : i32
      %dma_start3A_150 = tpu.memref_slice %arg18[%add3A_137, %dma_start3A_149] : memref<392x128xi32, #tpu.memory_space<vmem>> -> memref<1x128xi32, #tpu.memory_space<vmem>>
      %dma_start3A_151 = tpu.memref_squeeze %dma_start3A_150 : memref<1x128xi32, #tpu.memory_space<vmem>> -> memref<128xi32, #tpu.memory_space<vmem>>
      %dma_start3A_152 = arith.constant 0 : i32
      %dma_start3A_153 = arith.constant 0 : i32
      %dma_start3A_154 = tpu.memref_slice %arg2[%dma_start3A_152, %dma_start3A_153] : memref<100352x8xf32, #tpu.memory_space<hbm>> -> memref<100352x8xf32, #tpu.memory_space<hbm>>
      tpu.enqueue_indirect_dma source(%dma_start3A_154 : memref<100352x8xf32, #tpu.memory_space<hbm>>) target(%arg21 : memref<128x8xf32, #tpu.memory_space<vmem>>) offsets(%dma_start3A_151 : memref<128xi32, #tpu.memory_space<vmem>>) semaphore(%arg23 : memref<!tpu.dma_semaphore, #tpu.memory_space<semaphore_mem>>)
      "tpu.region"() ({
        %run_scoped3A = tpu.sem_alloc : memref<!tpu.dma_semaphore, #tpu.memory_space<semaphore_mem>>
        %dma_start3A_167 = arith.constant 0 : i32
        %dma_start3A_168 = tpu.memref_slice %arg19[%mul3A_134, %dma_start3A_167] : memref<392x128xi32, #tpu.memory_space<vmem>> -> memref<1x128xi32, #tpu.memory_space<vmem>>
        %dma_start3A_169 = tpu.memref_squeeze %dma_start3A_168 : memref<1x128xi32, #tpu.memory_space<vmem>> -> memref<128xi32, #tpu.memory_space<vmem>>
        %dma_start3A_170 = arith.constant 0 : i32
        %dma_start3A_171 = arith.constant 0 : i32
        %dma_start3A_172 = tpu.memref_slice %arg24[%dma_start3A_170, %dma_start3A_171] : memref<50176x8xf32, #tpu.memory_space<vmem_shared>> -> memref<50176x8xf32, #tpu.memory_space<vmem_shared>>
        tpu.enqueue_indirect_dma source(%arg20 : memref<128x8xf32, #tpu.memory_space<vmem>>) target(%dma_start3A_172 : memref<50176x8xf32, #tpu.memory_space<vmem_shared>>) offsets(%dma_start3A_169 : memref<128xi32, #tpu.memory_space<vmem>>) semaphore(%run_scoped3A : memref<!tpu.dma_semaphore, #tpu.memory_space<semaphore_mem>>) {add = true}
        %dma_wait3A_173 = arith.constant 0 : i32
        %dma_wait3A_174 = tpu.memref_slice %arg19[%mul3A_134, %dma_wait3A_173] : memref<392x128xi32, #tpu.memory_space<vmem>> -> memref<1x128xi32, #tpu.memory_space<vmem>>
        %dma_wait3A_175 = tpu.memref_squeeze %dma_wait3A_174 : memref<1x128xi32, #tpu.memory_space<vmem>> -> memref<128xi32, #tpu.memory_space<vmem>>
        %dma_wait3A_176 = arith.constant 0 : i32
        %dma_wait3A_177 = arith.constant 0 : i32
        %dma_wait3A_178 = tpu.memref_slice %arg24[%dma_wait3A_176, %dma_wait3A_177] : memref<50176x8xf32, #tpu.memory_space<vmem_shared>> -> memref<50176x8xf32, #tpu.memory_space<vmem_shared>>
        tpu.wait_indirect_dma semaphore(%run_scoped3A : memref<!tpu.dma_semaphore, #tpu.memory_space<semaphore_mem>>) src(%arg20 : memref<128x8xf32, #tpu.memory_space<vmem>>) dst(%dma_wait3A_178 : memref<50176x8xf32, #tpu.memory_space<vmem_shared>>)
        tpu.yield
      }) : () -> ()
      %dma_wait3A_155 = arith.constant 0 : i32
      %dma_wait3A_156 = tpu.memref_slice %arg18[%add3A_137, %dma_wait3A_155] : memref<392x128xi32, #tpu.memory_space<vmem>> -> memref<1x128xi32, #tpu.memory_space<vmem>>
      %dma_wait3A_157 = tpu.memref_squeeze %dma_wait3A_156 : memref<1x128xi32, #tpu.memory_space<vmem>> -> memref<128xi32, #tpu.memory_space<vmem>>
      %dma_wait3A_158 = arith.constant 0 : i32
      %dma_wait3A_159 = arith.constant 0 : i32
      %dma_wait3A_160 = tpu.memref_slice %arg2[%dma_wait3A_158, %dma_wait3A_159] : memref<100352x8xf32, #tpu.memory_space<hbm>> -> memref<100352x8xf32, #tpu.memory_space<hbm>>
      tpu.wait_indirect_dma semaphore(%arg23 : memref<!tpu.dma_semaphore, #tpu.memory_space<semaphore_mem>>) src(%dma_wait3A_160 : memref<100352x8xf32, #tpu.memory_space<hbm>>) dst(%arg21 : memref<128x8xf32, #tpu.memory_space<vmem>>)
      %dma_start3A_161 = arith.constant 0 : i32
      %dma_start3A_162 = tpu.memref_slice %arg18[%min3A_142, %dma_start3A_161] : memref<392x128xi32, #tpu.memory_space<vmem>> -> memref<1x128xi32, #tpu.memory_space<vmem>>
      %dma_start3A_163 = tpu.memref_squeeze %dma_start3A_162 : memref<1x128xi32, #tpu.memory_space<vmem>> -> memref<128xi32, #tpu.memory_space<vmem>>
      %dma_start3A_164 = arith.constant 0 : i32
      %dma_start3A_165 = arith.constant 0 : i32
      %dma_start3A_166 = tpu.memref_slice %arg2[%dma_start3A_164, %dma_start3A_165] : memref<100352x8xf32, #tpu.memory_space<hbm>> -> memref<100352x8xf32, #tpu.memory_space<hbm>>
      tpu.enqueue_indirect_dma source(%dma_start3A_166 : memref<100352x8xf32, #tpu.memory_space<hbm>>) target(%arg20 : memref<128x8xf32, #tpu.memory_space<vmem>>) offsets(%dma_start3A_163 : memref<128xi32, #tpu.memory_space<vmem>>) semaphore(%arg22 : memref<!tpu.dma_semaphore, #tpu.memory_space<semaphore_mem>>)
      "tpu.region"() ({
        %run_scoped3A = tpu.sem_alloc : memref<!tpu.dma_semaphore, #tpu.memory_space<semaphore_mem>>
        %dma_start3A_167 = arith.constant 0 : i32
        %dma_start3A_168 = tpu.memref_slice %arg19[%add3A_137, %dma_start3A_167] : memref<392x128xi32, #tpu.memory_space<vmem>> -> memref<1x128xi32, #tpu.memory_space<vmem>>
        %dma_start3A_169 = tpu.memref_squeeze %dma_start3A_168 : memref<1x128xi32, #tpu.memory_space<vmem>> -> memref<128xi32, #tpu.memory_space<vmem>>
        %dma_start3A_170 = arith.constant 0 : i32
        %dma_start3A_171 = arith.constant 0 : i32
        %dma_start3A_172 = tpu.memref_slice %arg24[%dma_start3A_170, %dma_start3A_171] : memref<50176x8xf32, #tpu.memory_space<vmem_shared>> -> memref<50176x8xf32, #tpu.memory_space<vmem_shared>>
        tpu.enqueue_indirect_dma source(%arg21 : memref<128x8xf32, #tpu.memory_space<vmem>>) target(%dma_start3A_172 : memref<50176x8xf32, #tpu.memory_space<vmem_shared>>) offsets(%dma_start3A_169 : memref<128xi32, #tpu.memory_space<vmem>>) semaphore(%run_scoped3A : memref<!tpu.dma_semaphore, #tpu.memory_space<semaphore_mem>>) {add = true}
        %dma_wait3A_173 = arith.constant 0 : i32
        %dma_wait3A_174 = tpu.memref_slice %arg19[%add3A_137, %dma_wait3A_173] : memref<392x128xi32, #tpu.memory_space<vmem>> -> memref<1x128xi32, #tpu.memory_space<vmem>>
        %dma_wait3A_175 = tpu.memref_squeeze %dma_wait3A_174 : memref<1x128xi32, #tpu.memory_space<vmem>> -> memref<128xi32, #tpu.memory_space<vmem>>
        %dma_wait3A_176 = arith.constant 0 : i32
        %dma_wait3A_177 = arith.constant 0 : i32
        %dma_wait3A_178 = tpu.memref_slice %arg24[%dma_wait3A_176, %dma_wait3A_177] : memref<50176x8xf32, #tpu.memory_space<vmem_shared>> -> memref<50176x8xf32, #tpu.memory_space<vmem_shared>>
        tpu.wait_indirect_dma semaphore(%run_scoped3A : memref<!tpu.dma_semaphore, #tpu.memory_space<semaphore_mem>>) src(%arg21 : memref<128x8xf32, #tpu.memory_space<vmem>>) dst(%dma_wait3A_178 : memref<50176x8xf32, #tpu.memory_space<vmem_shared>>)
        tpu.yield
      }) : () -> ()
    }
    %scan3A_18 = arith.constant 196 : i32
    %dma_wait3A = arith.constant 0 : i32
    %dma_wait3A_19 = arith.constant 0 : i32
    %dma_wait3A_20 = tpu.memref_slice %arg18[%dma_wait3A, %dma_wait3A_19] : memref<392x128xi32, #tpu.memory_space<vmem>> -> memref<1x128xi32, #tpu.memory_space<vmem>>
    %dma_wait3A_21 = tpu.memref_squeeze %dma_wait3A_20 : memref<1x128xi32, #tpu.memory_space<vmem>> -> memref<128xi32, #tpu.memory_space<vmem>>
    %dma_wait3A_22 = arith.constant 0 : i32
    %dma_wait3A_23 = arith.constant 0 : i32
    %dma_wait3A_24 = tpu.memref_slice %arg2[%dma_wait3A_22, %dma_wait3A_23] : memref<100352x8xf32, #tpu.memory_space<hbm>> -> memref<100352x8xf32, #tpu.memory_space<hbm>>
    tpu.wait_indirect_dma semaphore(%arg22 : memref<!tpu.dma_semaphore, #tpu.memory_space<semaphore_mem>>) src(%dma_wait3A_24 : memref<100352x8xf32, #tpu.memory_space<hbm>>) dst(%arg20 : memref<128x8xf32, #tpu.memory_space<vmem>>)
    %barrier3A_25 = arith.constant 0 : index
    tpu.barrier barrier_id(%barrier3A_25)
    %eq3A_26 = arith.constant 0 : i32
    %eq3A_27 = arith.cmpi eq, %arg0, %eq3A_26 : i32
    %convert_element_type3A_28 = arith.extui %eq3A_27 : i1 to i32
    %cond3A_29 = arith.constant 0 : i32
    %cond3A_30 = arith.cmpi ne, %convert_element_type3A_28, %cond3A_29 : i32
    scf.if %cond3A_30 {
      "tpu.region"() ({
        %run_scoped3A = tpu.sem_alloc : memref<!tpu.dma_semaphore, #tpu.memory_space<semaphore_mem>>
        %dma_start3A_132 = arith.constant 0 : i32
        %dma_start3A_133 = tpu.memref_slice %arg10[%mul3A_0, %dma_start3A_132] : memref<50176x8xf32, #tpu.memory_space<hbm>> -> memref<3136x8xf32, #tpu.memory_space<hbm>>
        %dma_start3A_134 = arith.constant 0 : i32
        %dma_start3A_135 = tpu.memref_slice %arg24[%mul3A_0, %dma_start3A_134] : memref<50176x8xf32, #tpu.memory_space<vmem_shared>> -> memref<3136x8xf32, #tpu.memory_space<vmem_shared>>
        tpu.enqueue_dma source(%dma_start3A_135 : memref<3136x8xf32, #tpu.memory_space<vmem_shared>>) target(%dma_start3A_133 : memref<3136x8xf32, #tpu.memory_space<hbm>>) target_semaphore(%run_scoped3A : memref<!tpu.dma_semaphore, #tpu.memory_space<semaphore_mem>>)
        %dma_wait3A_136 = arith.constant 0 : i32
        %dma_wait3A_137 = tpu.memref_slice %arg10[%mul3A_0, %dma_wait3A_136] : memref<50176x8xf32, #tpu.memory_space<hbm>> -> memref<3136x8xf32, #tpu.memory_space<hbm>>
        %dma_wait3A_138 = arith.constant 0 : i32
        %dma_wait3A_139 = tpu.memref_slice %arg24[%mul3A_0, %dma_wait3A_138] : memref<50176x8xf32, #tpu.memory_space<vmem_shared>> -> memref<3136x8xf32, #tpu.memory_space<vmem_shared>>
        tpu.wait_dma2 semaphore(%run_scoped3A : memref<!tpu.dma_semaphore, #tpu.memory_space<semaphore_mem>>) src(%dma_wait3A_139 : memref<3136x8xf32, #tpu.memory_space<vmem_shared>>) dst(%dma_wait3A_137 : memref<3136x8xf32, #tpu.memory_space<hbm>>)
        tpu.yield
      }) : () -> ()
    } else {
    }
    %eq3A_31 = arith.constant 1 : i32
    %eq3A_32 = arith.cmpi eq, %arg0, %eq3A_31 : i32
    %convert_element_type3A_33 = arith.extui %eq3A_32 : i1 to i32
    %cond3A_34 = arith.constant 0 : i32
    %cond3A_35 = arith.cmpi ne, %convert_element_type3A_33, %cond3A_34 : i32
    scf.if %cond3A_35 {
      "tpu.region"() ({
        %run_scoped3A = tpu.sem_alloc : memref<!tpu.dma_semaphore, #tpu.memory_space<semaphore_mem>>
        %dma_start3A_132 = arith.constant 0 : i32
        %dma_start3A_133 = tpu.memref_slice %arg11[%mul3A_0, %dma_start3A_132] : memref<50176x8xf32, #tpu.memory_space<hbm>> -> memref<3136x8xf32, #tpu.memory_space<hbm>>
        %dma_start3A_134 = arith.constant 0 : i32
        %dma_start3A_135 = tpu.memref_slice %arg24[%mul3A_0, %dma_start3A_134] : memref<50176x8xf32, #tpu.memory_space<vmem_shared>> -> memref<3136x8xf32, #tpu.memory_space<vmem_shared>>
        tpu.enqueue_dma source(%dma_start3A_135 : memref<3136x8xf32, #tpu.memory_space<vmem_shared>>) target(%dma_start3A_133 : memref<3136x8xf32, #tpu.memory_space<hbm>>) target_semaphore(%run_scoped3A : memref<!tpu.dma_semaphore, #tpu.memory_space<semaphore_mem>>)
        %dma_wait3A_136 = arith.constant 0 : i32
        %dma_wait3A_137 = tpu.memref_slice %arg11[%mul3A_0, %dma_wait3A_136] : memref<50176x8xf32, #tpu.memory_space<hbm>> -> memref<3136x8xf32, #tpu.memory_space<hbm>>
        %dma_wait3A_138 = arith.constant 0 : i32
        %dma_wait3A_139 = tpu.memref_slice %arg24[%mul3A_0, %dma_wait3A_138] : memref<50176x8xf32, #tpu.memory_space<vmem_shared>> -> memref<3136x8xf32, #tpu.memory_space<vmem_shared>>
        tpu.wait_dma2 semaphore(%run_scoped3A : memref<!tpu.dma_semaphore, #tpu.memory_space<semaphore_mem>>) src(%dma_wait3A_139 : memref<3136x8xf32, #tpu.memory_space<vmem_shared>>) dst(%dma_wait3A_137 : memref<3136x8xf32, #tpu.memory_space<hbm>>)
        tpu.yield
      }) : () -> ()
    } else {
    }
    "tpu.region"() ({
      %run_scoped3A = tpu.sem_alloc : memref<!tpu.dma_semaphore, #tpu.memory_space<semaphore_mem>>
      %dma_start3A_132 = arith.constant 0 : i32
      %dma_start3A_133 = tpu.memref_slice %arg24[%mul3A_0, %dma_start3A_132] : memref<50176x8xf32, #tpu.memory_space<vmem_shared>> -> memref<3136x8xf32, #tpu.memory_space<vmem_shared>>
      tpu.enqueue_dma source(%arg9 : memref<3136x8xf32, #tpu.memory_space<hbm>>) target(%dma_start3A_133 : memref<3136x8xf32, #tpu.memory_space<vmem_shared>>) target_semaphore(%run_scoped3A : memref<!tpu.dma_semaphore, #tpu.memory_space<semaphore_mem>>)
      %dma_wait3A_134 = arith.constant 0 : i32
      %dma_wait3A_135 = tpu.memref_slice %arg24[%mul3A_0, %dma_wait3A_134] : memref<50176x8xf32, #tpu.memory_space<vmem_shared>> -> memref<3136x8xf32, #tpu.memory_space<vmem_shared>>
      tpu.wait_dma2 semaphore(%run_scoped3A : memref<!tpu.dma_semaphore, #tpu.memory_space<semaphore_mem>>) src(%arg9 : memref<3136x8xf32, #tpu.memory_space<hbm>>) dst(%dma_wait3A_135 : memref<3136x8xf32, #tpu.memory_space<vmem_shared>>)
      tpu.yield
    }) : () -> ()
    %barrier3A_36 = arith.constant 0 : index
    tpu.barrier barrier_id(%barrier3A_36)
    %dma_start3A_37 = arith.constant 0 : i32
    %dma_start3A_38 = arith.constant 0 : i32
    %dma_start3A_39 = tpu.memref_slice %arg18[%dma_start3A_37, %dma_start3A_38] : memref<392x128xi32, #tpu.memory_space<vmem>> -> memref<1x128xi32, #tpu.memory_space<vmem>>
    %dma_start3A_40 = tpu.memref_squeeze %dma_start3A_39 : memref<1x128xi32, #tpu.memory_space<vmem>> -> memref<128xi32, #tpu.memory_space<vmem>>
    %dma_start3A_41 = arith.constant 0 : i32
    %dma_start3A_42 = arith.constant 0 : i32
    %dma_start3A_43 = tpu.memref_slice %arg3[%dma_start3A_41, %dma_start3A_42] : memref<100352x8xf32, #tpu.memory_space<hbm>> -> memref<100352x8xf32, #tpu.memory_space<hbm>>
    tpu.enqueue_indirect_dma source(%dma_start3A_43 : memref<100352x8xf32, #tpu.memory_space<hbm>>) target(%arg20 : memref<128x8xf32, #tpu.memory_space<vmem>>) offsets(%dma_start3A_40 : memref<128xi32, #tpu.memory_space<vmem>>) semaphore(%arg22 : memref<!tpu.dma_semaphore, #tpu.memory_space<semaphore_mem>>)
    %scan3A_44 = arith.constant 0 : i32
    %scan3A_45 = arith.constant 0 : i32
    %scan3A_46 = arith.constant 196 : i32
    %scan3A_47 = arith.addi %scan3A_45, %scan3A_46 : i32
    %scan3A_48 = arith.constant 1 : i32
    scf.for %scan3A_132 = %scan3A_45 to %scan3A_47 step %scan3A_48  : i32 {
      %mul3A_133 = arith.constant 2 : i32
      %mul3A_134 = arith.muli %mul3A_133, %scan3A_132 : i32
      %mul3A_135 = arith.constant 2 : i32
      %mul3A_136 = arith.muli %mul3A_135, %scan3A_132 : i32
      %add3A = arith.constant 1 : i32
      %add3A_137 = arith.addi %mul3A_136, %add3A : i32
      %mul3A_138 = arith.constant 2 : i32
      %mul3A_139 = arith.muli %mul3A_138, %scan3A_132 : i32
      %add3A_140 = arith.constant 2 : i32
      %add3A_141 = arith.addi %mul3A_139, %add3A_140 : i32
      %min3A = arith.constant 391 : i32
      %min3A_142 = arith.minsi %add3A_141, %min3A : i32
      %dma_wait3A_143 = arith.constant 0 : i32
      %dma_wait3A_144 = tpu.memref_slice %arg18[%mul3A_134, %dma_wait3A_143] : memref<392x128xi32, #tpu.memory_space<vmem>> -> memref<1x128xi32, #tpu.memory_space<vmem>>
      %dma_wait3A_145 = tpu.memref_squeeze %dma_wait3A_144 : memref<1x128xi32, #tpu.memory_space<vmem>> -> memref<128xi32, #tpu.memory_space<vmem>>
      %dma_wait3A_146 = arith.constant 0 : i32
      %dma_wait3A_147 = arith.constant 0 : i32
      %dma_wait3A_148 = tpu.memref_slice %arg3[%dma_wait3A_146, %dma_wait3A_147] : memref<100352x8xf32, #tpu.memory_space<hbm>> -> memref<100352x8xf32, #tpu.memory_space<hbm>>
      tpu.wait_indirect_dma semaphore(%arg22 : memref<!tpu.dma_semaphore, #tpu.memory_space<semaphore_mem>>) src(%dma_wait3A_148 : memref<100352x8xf32, #tpu.memory_space<hbm>>) dst(%arg20 : memref<128x8xf32, #tpu.memory_space<vmem>>)
      %dma_start3A_149 = arith.constant 0 : i32
      %dma_start3A_150 = tpu.memref_slice %arg18[%add3A_137, %dma_start3A_149] : memref<392x128xi32, #tpu.memory_space<vmem>> -> memref<1x128xi32, #tpu.memory_space<vmem>>
      %dma_start3A_151 = tpu.memref_squeeze %dma_start3A_150 : memref<1x128xi32, #tpu.memory_space<vmem>> -> memref<128xi32, #tpu.memory_space<vmem>>
      %dma_start3A_152 = arith.constant 0 : i32
      %dma_start3A_153 = arith.constant 0 : i32
      %dma_start3A_154 = tpu.memref_slice %arg3[%dma_start3A_152, %dma_start3A_153] : memref<100352x8xf32, #tpu.memory_space<hbm>> -> memref<100352x8xf32, #tpu.memory_space<hbm>>
      tpu.enqueue_indirect_dma source(%dma_start3A_154 : memref<100352x8xf32, #tpu.memory_space<hbm>>) target(%arg21 : memref<128x8xf32, #tpu.memory_space<vmem>>) offsets(%dma_start3A_151 : memref<128xi32, #tpu.memory_space<vmem>>) semaphore(%arg23 : memref<!tpu.dma_semaphore, #tpu.memory_space<semaphore_mem>>)
      "tpu.region"() ({
        %run_scoped3A = tpu.sem_alloc : memref<!tpu.dma_semaphore, #tpu.memory_space<semaphore_mem>>
        %dma_start3A_167 = arith.constant 0 : i32
        %dma_start3A_168 = tpu.memref_slice %arg19[%mul3A_134, %dma_start3A_167] : memref<392x128xi32, #tpu.memory_space<vmem>> -> memref<1x128xi32, #tpu.memory_space<vmem>>
        %dma_start3A_169 = tpu.memref_squeeze %dma_start3A_168 : memref<1x128xi32, #tpu.memory_space<vmem>> -> memref<128xi32, #tpu.memory_space<vmem>>
        %dma_start3A_170 = arith.constant 0 : i32
        %dma_start3A_171 = arith.constant 0 : i32
        %dma_start3A_172 = tpu.memref_slice %arg24[%dma_start3A_170, %dma_start3A_171] : memref<50176x8xf32, #tpu.memory_space<vmem_shared>> -> memref<50176x8xf32, #tpu.memory_space<vmem_shared>>
        tpu.enqueue_indirect_dma source(%arg20 : memref<128x8xf32, #tpu.memory_space<vmem>>) target(%dma_start3A_172 : memref<50176x8xf32, #tpu.memory_space<vmem_shared>>) offsets(%dma_start3A_169 : memref<128xi32, #tpu.memory_space<vmem>>) semaphore(%run_scoped3A : memref<!tpu.dma_semaphore, #tpu.memory_space<semaphore_mem>>) {add = true}
        %dma_wait3A_173 = arith.constant 0 : i32
        %dma_wait3A_174 = tpu.memref_slice %arg19[%mul3A_134, %dma_wait3A_173] : memref<392x128xi32, #tpu.memory_space<vmem>> -> memref<1x128xi32, #tpu.memory_space<vmem>>
        %dma_wait3A_175 = tpu.memref_squeeze %dma_wait3A_174 : memref<1x128xi32, #tpu.memory_space<vmem>> -> memref<128xi32, #tpu.memory_space<vmem>>
        %dma_wait3A_176 = arith.constant 0 : i32
        %dma_wait3A_177 = arith.constant 0 : i32
        %dma_wait3A_178 = tpu.memref_slice %arg24[%dma_wait3A_176, %dma_wait3A_177] : memref<50176x8xf32, #tpu.memory_space<vmem_shared>> -> memref<50176x8xf32, #tpu.memory_space<vmem_shared>>
        tpu.wait_indirect_dma semaphore(%run_scoped3A : memref<!tpu.dma_semaphore, #tpu.memory_space<semaphore_mem>>) src(%arg20 : memref<128x8xf32, #tpu.memory_space<vmem>>) dst(%dma_wait3A_178 : memref<50176x8xf32, #tpu.memory_space<vmem_shared>>)
        tpu.yield
      }) : () -> ()
      %dma_wait3A_155 = arith.constant 0 : i32
      %dma_wait3A_156 = tpu.memref_slice %arg18[%add3A_137, %dma_wait3A_155] : memref<392x128xi32, #tpu.memory_space<vmem>> -> memref<1x128xi32, #tpu.memory_space<vmem>>
      %dma_wait3A_157 = tpu.memref_squeeze %dma_wait3A_156 : memref<1x128xi32, #tpu.memory_space<vmem>> -> memref<128xi32, #tpu.memory_space<vmem>>
      %dma_wait3A_158 = arith.constant 0 : i32
      %dma_wait3A_159 = arith.constant 0 : i32
      %dma_wait3A_160 = tpu.memref_slice %arg3[%dma_wait3A_158, %dma_wait3A_159] : memref<100352x8xf32, #tpu.memory_space<hbm>> -> memref<100352x8xf32, #tpu.memory_space<hbm>>
      tpu.wait_indirect_dma semaphore(%arg23 : memref<!tpu.dma_semaphore, #tpu.memory_space<semaphore_mem>>) src(%dma_wait3A_160 : memref<100352x8xf32, #tpu.memory_space<hbm>>) dst(%arg21 : memref<128x8xf32, #tpu.memory_space<vmem>>)
      %dma_start3A_161 = arith.constant 0 : i32
      %dma_start3A_162 = tpu.memref_slice %arg18[%min3A_142, %dma_start3A_161] : memref<392x128xi32, #tpu.memory_space<vmem>> -> memref<1x128xi32, #tpu.memory_space<vmem>>
      %dma_start3A_163 = tpu.memref_squeeze %dma_start3A_162 : memref<1x128xi32, #tpu.memory_space<vmem>> -> memref<128xi32, #tpu.memory_space<vmem>>
      %dma_start3A_164 = arith.constant 0 : i32
      %dma_start3A_165 = arith.constant 0 : i32
      %dma_start3A_166 = tpu.memref_slice %arg3[%dma_start3A_164, %dma_start3A_165] : memref<100352x8xf32, #tpu.memory_space<hbm>> -> memref<100352x8xf32, #tpu.memory_space<hbm>>
      tpu.enqueue_indirect_dma source(%dma_start3A_166 : memref<100352x8xf32, #tpu.memory_space<hbm>>) target(%arg20 : memref<128x8xf32, #tpu.memory_space<vmem>>) offsets(%dma_start3A_163 : memref<128xi32, #tpu.memory_space<vmem>>) semaphore(%arg22 : memref<!tpu.dma_semaphore, #tpu.memory_space<semaphore_mem>>)
      "tpu.region"() ({
        %run_scoped3A = tpu.sem_alloc : memref<!tpu.dma_semaphore, #tpu.memory_space<semaphore_mem>>
        %dma_start3A_167 = arith.constant 0 : i32
        %dma_start3A_168 = tpu.memref_slice %arg19[%add3A_137, %dma_start3A_167] : memref<392x128xi32, #tpu.memory_space<vmem>> -> memref<1x128xi32, #tpu.memory_space<vmem>>
        %dma_start3A_169 = tpu.memref_squeeze %dma_start3A_168 : memref<1x128xi32, #tpu.memory_space<vmem>> -> memref<128xi32, #tpu.memory_space<vmem>>
        %dma_start3A_170 = arith.constant 0 : i32
        %dma_start3A_171 = arith.constant 0 : i32
        %dma_start3A_172 = tpu.memref_slice %arg24[%dma_start3A_170, %dma_start3A_171] : memref<50176x8xf32, #tpu.memory_space<vmem_shared>> -> memref<50176x8xf32, #tpu.memory_space<vmem_shared>>
        tpu.enqueue_indirect_dma source(%arg21 : memref<128x8xf32, #tpu.memory_space<vmem>>) target(%dma_start3A_172 : memref<50176x8xf32, #tpu.memory_space<vmem_shared>>) offsets(%dma_start3A_169 : memref<128xi32, #tpu.memory_space<vmem>>) semaphore(%run_scoped3A : memref<!tpu.dma_semaphore, #tpu.memory_space<semaphore_mem>>) {add = true}
        %dma_wait3A_173 = arith.constant 0 : i32
        %dma_wait3A_174 = tpu.memref_slice %arg19[%add3A_137, %dma_wait3A_173] : memref<392x128xi32, #tpu.memory_space<vmem>> -> memref<1x128xi32, #tpu.memory_space<vmem>>
        %dma_wait3A_175 = tpu.memref_squeeze %dma_wait3A_174 : memref<1x128xi32, #tpu.memory_space<vmem>> -> memref<128xi32, #tpu.memory_space<vmem>>
        %dma_wait3A_176 = arith.constant 0 : i32
        %dma_wait3A_177 = arith.constant 0 : i32
        %dma_wait3A_178 = tpu.memref_slice %arg24[%dma_wait3A_176, %dma_wait3A_177] : memref<50176x8xf32, #tpu.memory_space<vmem_shared>> -> memref<50176x8xf32, #tpu.memory_space<vmem_shared>>
        tpu.wait_indirect_dma semaphore(%run_scoped3A : memref<!tpu.dma_semaphore, #tpu.memory_space<semaphore_mem>>) src(%arg21 : memref<128x8xf32, #tpu.memory_space<vmem>>) dst(%dma_wait3A_178 : memref<50176x8xf32, #tpu.memory_space<vmem_shared>>)
        tpu.yield
      }) : () -> ()
    }
    %scan3A_49 = arith.constant 196 : i32
    %dma_wait3A_50 = arith.constant 0 : i32
    %dma_wait3A_51 = arith.constant 0 : i32
    %dma_wait3A_52 = tpu.memref_slice %arg18[%dma_wait3A_50, %dma_wait3A_51] : memref<392x128xi32, #tpu.memory_space<vmem>> -> memref<1x128xi32, #tpu.memory_space<vmem>>
    %dma_wait3A_53 = tpu.memref_squeeze %dma_wait3A_52 : memref<1x128xi32, #tpu.memory_space<vmem>> -> memref<128xi32, #tpu.memory_space<vmem>>
    %dma_wait3A_54 = arith.constant 0 : i32
    %dma_wait3A_55 = arith.constant 0 : i32
    %dma_wait3A_56 = tpu.memref_slice %arg3[%dma_wait3A_54, %dma_wait3A_55] : memref<100352x8xf32, #tpu.memory_space<hbm>> -> memref<100352x8xf32, #tpu.memory_space<hbm>>
    tpu.wait_indirect_dma semaphore(%arg22 : memref<!tpu.dma_semaphore, #tpu.memory_space<semaphore_mem>>) src(%dma_wait3A_56 : memref<100352x8xf32, #tpu.memory_space<hbm>>) dst(%arg20 : memref<128x8xf32, #tpu.memory_space<vmem>>)
    %barrier3A_57 = arith.constant 0 : index
    tpu.barrier barrier_id(%barrier3A_57)
    %eq3A_58 = arith.constant 0 : i32
    %eq3A_59 = arith.cmpi eq, %arg0, %eq3A_58 : i32
    %convert_element_type3A_60 = arith.extui %eq3A_59 : i1 to i32
    %cond3A_61 = arith.constant 0 : i32
    %cond3A_62 = arith.cmpi ne, %convert_element_type3A_60, %cond3A_61 : i32
    scf.if %cond3A_62 {
      "tpu.region"() ({
        %run_scoped3A = tpu.sem_alloc : memref<!tpu.dma_semaphore, #tpu.memory_space<semaphore_mem>>
        %dma_start3A_132 = arith.constant 0 : i32
        %dma_start3A_133 = tpu.memref_slice %arg12[%mul3A_0, %dma_start3A_132] : memref<50176x8xf32, #tpu.memory_space<hbm>> -> memref<3136x8xf32, #tpu.memory_space<hbm>>
        %dma_start3A_134 = arith.constant 0 : i32
        %dma_start3A_135 = tpu.memref_slice %arg24[%mul3A_0, %dma_start3A_134] : memref<50176x8xf32, #tpu.memory_space<vmem_shared>> -> memref<3136x8xf32, #tpu.memory_space<vmem_shared>>
        tpu.enqueue_dma source(%dma_start3A_135 : memref<3136x8xf32, #tpu.memory_space<vmem_shared>>) target(%dma_start3A_133 : memref<3136x8xf32, #tpu.memory_space<hbm>>) target_semaphore(%run_scoped3A : memref<!tpu.dma_semaphore, #tpu.memory_space<semaphore_mem>>)
        %dma_wait3A_136 = arith.constant 0 : i32
        %dma_wait3A_137 = tpu.memref_slice %arg12[%mul3A_0, %dma_wait3A_136] : memref<50176x8xf32, #tpu.memory_space<hbm>> -> memref<3136x8xf32, #tpu.memory_space<hbm>>
        %dma_wait3A_138 = arith.constant 0 : i32
        %dma_wait3A_139 = tpu.memref_slice %arg24[%mul3A_0, %dma_wait3A_138] : memref<50176x8xf32, #tpu.memory_space<vmem_shared>> -> memref<3136x8xf32, #tpu.memory_space<vmem_shared>>
        tpu.wait_dma2 semaphore(%run_scoped3A : memref<!tpu.dma_semaphore, #tpu.memory_space<semaphore_mem>>) src(%dma_wait3A_139 : memref<3136x8xf32, #tpu.memory_space<vmem_shared>>) dst(%dma_wait3A_137 : memref<3136x8xf32, #tpu.memory_space<hbm>>)
        tpu.yield
      }) : () -> ()
    } else {
    }
    %eq3A_63 = arith.constant 1 : i32
    %eq3A_64 = arith.cmpi eq, %arg0, %eq3A_63 : i32
    %convert_element_type3A_65 = arith.extui %eq3A_64 : i1 to i32
    %cond3A_66 = arith.constant 0 : i32
    %cond3A_67 = arith.cmpi ne, %convert_element_type3A_65, %cond3A_66 : i32
    scf.if %cond3A_67 {
      "tpu.region"() ({
        %run_scoped3A = tpu.sem_alloc : memref<!tpu.dma_semaphore, #tpu.memory_space<semaphore_mem>>
        %dma_start3A_132 = arith.constant 0 : i32
        %dma_start3A_133 = tpu.memref_slice %arg13[%mul3A_0, %dma_start3A_132] : memref<50176x8xf32, #tpu.memory_space<hbm>> -> memref<3136x8xf32, #tpu.memory_space<hbm>>
        %dma_start3A_134 = arith.constant 0 : i32
        %dma_start3A_135 = tpu.memref_slice %arg24[%mul3A_0, %dma_start3A_134] : memref<50176x8xf32, #tpu.memory_space<vmem_shared>> -> memref<3136x8xf32, #tpu.memory_space<vmem_shared>>
        tpu.enqueue_dma source(%dma_start3A_135 : memref<3136x8xf32, #tpu.memory_space<vmem_shared>>) target(%dma_start3A_133 : memref<3136x8xf32, #tpu.memory_space<hbm>>) target_semaphore(%run_scoped3A : memref<!tpu.dma_semaphore, #tpu.memory_space<semaphore_mem>>)
        %dma_wait3A_136 = arith.constant 0 : i32
        %dma_wait3A_137 = tpu.memref_slice %arg13[%mul3A_0, %dma_wait3A_136] : memref<50176x8xf32, #tpu.memory_space<hbm>> -> memref<3136x8xf32, #tpu.memory_space<hbm>>
        %dma_wait3A_138 = arith.constant 0 : i32
        %dma_wait3A_139 = tpu.memref_slice %arg24[%mul3A_0, %dma_wait3A_138] : memref<50176x8xf32, #tpu.memory_space<vmem_shared>> -> memref<3136x8xf32, #tpu.memory_space<vmem_shared>>
        tpu.wait_dma2 semaphore(%run_scoped3A : memref<!tpu.dma_semaphore, #tpu.memory_space<semaphore_mem>>) src(%dma_wait3A_139 : memref<3136x8xf32, #tpu.memory_space<vmem_shared>>) dst(%dma_wait3A_137 : memref<3136x8xf32, #tpu.memory_space<hbm>>)
        tpu.yield
      }) : () -> ()
    } else {
    }
    "tpu.region"() ({
      %run_scoped3A = tpu.sem_alloc : memref<!tpu.dma_semaphore, #tpu.memory_space<semaphore_mem>>
      %dma_start3A_132 = arith.constant 0 : i32
      %dma_start3A_133 = tpu.memref_slice %arg24[%mul3A_0, %dma_start3A_132] : memref<50176x8xf32, #tpu.memory_space<vmem_shared>> -> memref<3136x8xf32, #tpu.memory_space<vmem_shared>>
      tpu.enqueue_dma source(%arg9 : memref<3136x8xf32, #tpu.memory_space<hbm>>) target(%dma_start3A_133 : memref<3136x8xf32, #tpu.memory_space<vmem_shared>>) target_semaphore(%run_scoped3A : memref<!tpu.dma_semaphore, #tpu.memory_space<semaphore_mem>>)
      %dma_wait3A_134 = arith.constant 0 : i32
      %dma_wait3A_135 = tpu.memref_slice %arg24[%mul3A_0, %dma_wait3A_134] : memref<50176x8xf32, #tpu.memory_space<vmem_shared>> -> memref<3136x8xf32, #tpu.memory_space<vmem_shared>>
      tpu.wait_dma2 semaphore(%run_scoped3A : memref<!tpu.dma_semaphore, #tpu.memory_space<semaphore_mem>>) src(%arg9 : memref<3136x8xf32, #tpu.memory_space<hbm>>) dst(%dma_wait3A_135 : memref<3136x8xf32, #tpu.memory_space<vmem_shared>>)
      tpu.yield
    }) : () -> ()
    %barrier3A_68 = arith.constant 0 : index
    tpu.barrier barrier_id(%barrier3A_68)
    %dma_start3A_69 = arith.constant 0 : i32
    %dma_start3A_70 = arith.constant 0 : i32
    %dma_start3A_71 = tpu.memref_slice %arg18[%dma_start3A_69, %dma_start3A_70] : memref<392x128xi32, #tpu.memory_space<vmem>> -> memref<1x128xi32, #tpu.memory_space<vmem>>
    %dma_start3A_72 = tpu.memref_squeeze %dma_start3A_71 : memref<1x128xi32, #tpu.memory_space<vmem>> -> memref<128xi32, #tpu.memory_space<vmem>>
    %dma_start3A_73 = arith.constant 0 : i32
    %dma_start3A_74 = arith.constant 0 : i32
    %dma_start3A_75 = tpu.memref_slice %arg4[%dma_start3A_73, %dma_start3A_74] : memref<100352x8xf32, #tpu.memory_space<hbm>> -> memref<100352x8xf32, #tpu.memory_space<hbm>>
    tpu.enqueue_indirect_dma source(%dma_start3A_75 : memref<100352x8xf32, #tpu.memory_space<hbm>>) target(%arg20 : memref<128x8xf32, #tpu.memory_space<vmem>>) offsets(%dma_start3A_72 : memref<128xi32, #tpu.memory_space<vmem>>) semaphore(%arg22 : memref<!tpu.dma_semaphore, #tpu.memory_space<semaphore_mem>>)
    %scan3A_76 = arith.constant 0 : i32
    %scan3A_77 = arith.constant 0 : i32
    %scan3A_78 = arith.constant 196 : i32
    %scan3A_79 = arith.addi %scan3A_77, %scan3A_78 : i32
    %scan3A_80 = arith.constant 1 : i32
    scf.for %scan3A_132 = %scan3A_77 to %scan3A_79 step %scan3A_80  : i32 {
      %mul3A_133 = arith.constant 2 : i32
      %mul3A_134 = arith.muli %mul3A_133, %scan3A_132 : i32
      %mul3A_135 = arith.constant 2 : i32
      %mul3A_136 = arith.muli %mul3A_135, %scan3A_132 : i32
      %add3A = arith.constant 1 : i32
      %add3A_137 = arith.addi %mul3A_136, %add3A : i32
      %mul3A_138 = arith.constant 2 : i32
      %mul3A_139 = arith.muli %mul3A_138, %scan3A_132 : i32
      %add3A_140 = arith.constant 2 : i32
      %add3A_141 = arith.addi %mul3A_139, %add3A_140 : i32
      %min3A = arith.constant 391 : i32
      %min3A_142 = arith.minsi %add3A_141, %min3A : i32
      %dma_wait3A_143 = arith.constant 0 : i32
      %dma_wait3A_144 = tpu.memref_slice %arg18[%mul3A_134, %dma_wait3A_143] : memref<392x128xi32, #tpu.memory_space<vmem>> -> memref<1x128xi32, #tpu.memory_space<vmem>>
      %dma_wait3A_145 = tpu.memref_squeeze %dma_wait3A_144 : memref<1x128xi32, #tpu.memory_space<vmem>> -> memref<128xi32, #tpu.memory_space<vmem>>
      %dma_wait3A_146 = arith.constant 0 : i32
      %dma_wait3A_147 = arith.constant 0 : i32
      %dma_wait3A_148 = tpu.memref_slice %arg4[%dma_wait3A_146, %dma_wait3A_147] : memref<100352x8xf32, #tpu.memory_space<hbm>> -> memref<100352x8xf32, #tpu.memory_space<hbm>>
      tpu.wait_indirect_dma semaphore(%arg22 : memref<!tpu.dma_semaphore, #tpu.memory_space<semaphore_mem>>) src(%dma_wait3A_148 : memref<100352x8xf32, #tpu.memory_space<hbm>>) dst(%arg20 : memref<128x8xf32, #tpu.memory_space<vmem>>)
      %dma_start3A_149 = arith.constant 0 : i32
      %dma_start3A_150 = tpu.memref_slice %arg18[%add3A_137, %dma_start3A_149] : memref<392x128xi32, #tpu.memory_space<vmem>> -> memref<1x128xi32, #tpu.memory_space<vmem>>
      %dma_start3A_151 = tpu.memref_squeeze %dma_start3A_150 : memref<1x128xi32, #tpu.memory_space<vmem>> -> memref<128xi32, #tpu.memory_space<vmem>>
      %dma_start3A_152 = arith.constant 0 : i32
      %dma_start3A_153 = arith.constant 0 : i32
      %dma_start3A_154 = tpu.memref_slice %arg4[%dma_start3A_152, %dma_start3A_153] : memref<100352x8xf32, #tpu.memory_space<hbm>> -> memref<100352x8xf32, #tpu.memory_space<hbm>>
      tpu.enqueue_indirect_dma source(%dma_start3A_154 : memref<100352x8xf32, #tpu.memory_space<hbm>>) target(%arg21 : memref<128x8xf32, #tpu.memory_space<vmem>>) offsets(%dma_start3A_151 : memref<128xi32, #tpu.memory_space<vmem>>) semaphore(%arg23 : memref<!tpu.dma_semaphore, #tpu.memory_space<semaphore_mem>>)
      "tpu.region"() ({
        %run_scoped3A = tpu.sem_alloc : memref<!tpu.dma_semaphore, #tpu.memory_space<semaphore_mem>>
        %dma_start3A_167 = arith.constant 0 : i32
        %dma_start3A_168 = tpu.memref_slice %arg19[%mul3A_134, %dma_start3A_167] : memref<392x128xi32, #tpu.memory_space<vmem>> -> memref<1x128xi32, #tpu.memory_space<vmem>>
        %dma_start3A_169 = tpu.memref_squeeze %dma_start3A_168 : memref<1x128xi32, #tpu.memory_space<vmem>> -> memref<128xi32, #tpu.memory_space<vmem>>
        %dma_start3A_170 = arith.constant 0 : i32
        %dma_start3A_171 = arith.constant 0 : i32
        %dma_start3A_172 = tpu.memref_slice %arg24[%dma_start3A_170, %dma_start3A_171] : memref<50176x8xf32, #tpu.memory_space<vmem_shared>> -> memref<50176x8xf32, #tpu.memory_space<vmem_shared>>
        tpu.enqueue_indirect_dma source(%arg20 : memref<128x8xf32, #tpu.memory_space<vmem>>) target(%dma_start3A_172 : memref<50176x8xf32, #tpu.memory_space<vmem_shared>>) offsets(%dma_start3A_169 : memref<128xi32, #tpu.memory_space<vmem>>) semaphore(%run_scoped3A : memref<!tpu.dma_semaphore, #tpu.memory_space<semaphore_mem>>) {add = true}
        %dma_wait3A_173 = arith.constant 0 : i32
        %dma_wait3A_174 = tpu.memref_slice %arg19[%mul3A_134, %dma_wait3A_173] : memref<392x128xi32, #tpu.memory_space<vmem>> -> memref<1x128xi32, #tpu.memory_space<vmem>>
        %dma_wait3A_175 = tpu.memref_squeeze %dma_wait3A_174 : memref<1x128xi32, #tpu.memory_space<vmem>> -> memref<128xi32, #tpu.memory_space<vmem>>
        %dma_wait3A_176 = arith.constant 0 : i32
        %dma_wait3A_177 = arith.constant 0 : i32
        %dma_wait3A_178 = tpu.memref_slice %arg24[%dma_wait3A_176, %dma_wait3A_177] : memref<50176x8xf32, #tpu.memory_space<vmem_shared>> -> memref<50176x8xf32, #tpu.memory_space<vmem_shared>>
        tpu.wait_indirect_dma semaphore(%run_scoped3A : memref<!tpu.dma_semaphore, #tpu.memory_space<semaphore_mem>>) src(%arg20 : memref<128x8xf32, #tpu.memory_space<vmem>>) dst(%dma_wait3A_178 : memref<50176x8xf32, #tpu.memory_space<vmem_shared>>)
        tpu.yield
      }) : () -> ()
      %dma_wait3A_155 = arith.constant 0 : i32
      %dma_wait3A_156 = tpu.memref_slice %arg18[%add3A_137, %dma_wait3A_155] : memref<392x128xi32, #tpu.memory_space<vmem>> -> memref<1x128xi32, #tpu.memory_space<vmem>>
      %dma_wait3A_157 = tpu.memref_squeeze %dma_wait3A_156 : memref<1x128xi32, #tpu.memory_space<vmem>> -> memref<128xi32, #tpu.memory_space<vmem>>
      %dma_wait3A_158 = arith.constant 0 : i32
      %dma_wait3A_159 = arith.constant 0 : i32
      %dma_wait3A_160 = tpu.memref_slice %arg4[%dma_wait3A_158, %dma_wait3A_159] : memref<100352x8xf32, #tpu.memory_space<hbm>> -> memref<100352x8xf32, #tpu.memory_space<hbm>>
      tpu.wait_indirect_dma semaphore(%arg23 : memref<!tpu.dma_semaphore, #tpu.memory_space<semaphore_mem>>) src(%dma_wait3A_160 : memref<100352x8xf32, #tpu.memory_space<hbm>>) dst(%arg21 : memref<128x8xf32, #tpu.memory_space<vmem>>)
      %dma_start3A_161 = arith.constant 0 : i32
      %dma_start3A_162 = tpu.memref_slice %arg18[%min3A_142, %dma_start3A_161] : memref<392x128xi32, #tpu.memory_space<vmem>> -> memref<1x128xi32, #tpu.memory_space<vmem>>
      %dma_start3A_163 = tpu.memref_squeeze %dma_start3A_162 : memref<1x128xi32, #tpu.memory_space<vmem>> -> memref<128xi32, #tpu.memory_space<vmem>>
      %dma_start3A_164 = arith.constant 0 : i32
      %dma_start3A_165 = arith.constant 0 : i32
      %dma_start3A_166 = tpu.memref_slice %arg4[%dma_start3A_164, %dma_start3A_165] : memref<100352x8xf32, #tpu.memory_space<hbm>> -> memref<100352x8xf32, #tpu.memory_space<hbm>>
      tpu.enqueue_indirect_dma source(%dma_start3A_166 : memref<100352x8xf32, #tpu.memory_space<hbm>>) target(%arg20 : memref<128x8xf32, #tpu.memory_space<vmem>>) offsets(%dma_start3A_163 : memref<128xi32, #tpu.memory_space<vmem>>) semaphore(%arg22 : memref<!tpu.dma_semaphore, #tpu.memory_space<semaphore_mem>>)
      "tpu.region"() ({
        %run_scoped3A = tpu.sem_alloc : memref<!tpu.dma_semaphore, #tpu.memory_space<semaphore_mem>>
        %dma_start3A_167 = arith.constant 0 : i32
        %dma_start3A_168 = tpu.memref_slice %arg19[%add3A_137, %dma_start3A_167] : memref<392x128xi32, #tpu.memory_space<vmem>> -> memref<1x128xi32, #tpu.memory_space<vmem>>
        %dma_start3A_169 = tpu.memref_squeeze %dma_start3A_168 : memref<1x128xi32, #tpu.memory_space<vmem>> -> memref<128xi32, #tpu.memory_space<vmem>>
        %dma_start3A_170 = arith.constant 0 : i32
        %dma_start3A_171 = arith.constant 0 : i32
        %dma_start3A_172 = tpu.memref_slice %arg24[%dma_start3A_170, %dma_start3A_171] : memref<50176x8xf32, #tpu.memory_space<vmem_shared>> -> memref<50176x8xf32, #tpu.memory_space<vmem_shared>>
        tpu.enqueue_indirect_dma source(%arg21 : memref<128x8xf32, #tpu.memory_space<vmem>>) target(%dma_start3A_172 : memref<50176x8xf32, #tpu.memory_space<vmem_shared>>) offsets(%dma_start3A_169 : memref<128xi32, #tpu.memory_space<vmem>>) semaphore(%run_scoped3A : memref<!tpu.dma_semaphore, #tpu.memory_space<semaphore_mem>>) {add = true}
        %dma_wait3A_173 = arith.constant 0 : i32
        %dma_wait3A_174 = tpu.memref_slice %arg19[%add3A_137, %dma_wait3A_173] : memref<392x128xi32, #tpu.memory_space<vmem>> -> memref<1x128xi32, #tpu.memory_space<vmem>>
        %dma_wait3A_175 = tpu.memref_squeeze %dma_wait3A_174 : memref<1x128xi32, #tpu.memory_space<vmem>> -> memref<128xi32, #tpu.memory_space<vmem>>
        %dma_wait3A_176 = arith.constant 0 : i32
        %dma_wait3A_177 = arith.constant 0 : i32
        %dma_wait3A_178 = tpu.memref_slice %arg24[%dma_wait3A_176, %dma_wait3A_177] : memref<50176x8xf32, #tpu.memory_space<vmem_shared>> -> memref<50176x8xf32, #tpu.memory_space<vmem_shared>>
        tpu.wait_indirect_dma semaphore(%run_scoped3A : memref<!tpu.dma_semaphore, #tpu.memory_space<semaphore_mem>>) src(%arg21 : memref<128x8xf32, #tpu.memory_space<vmem>>) dst(%dma_wait3A_178 : memref<50176x8xf32, #tpu.memory_space<vmem_shared>>)
        tpu.yield
      }) : () -> ()
    }
    %scan3A_81 = arith.constant 196 : i32
    %dma_wait3A_82 = arith.constant 0 : i32
    %dma_wait3A_83 = arith.constant 0 : i32
    %dma_wait3A_84 = tpu.memref_slice %arg18[%dma_wait3A_82, %dma_wait3A_83] : memref<392x128xi32, #tpu.memory_space<vmem>> -> memref<1x128xi32, #tpu.memory_space<vmem>>
    %dma_wait3A_85 = tpu.memref_squeeze %dma_wait3A_84 : memref<1x128xi32, #tpu.memory_space<vmem>> -> memref<128xi32, #tpu.memory_space<vmem>>
    %dma_wait3A_86 = arith.constant 0 : i32
    %dma_wait3A_87 = arith.constant 0 : i32
    %dma_wait3A_88 = tpu.memref_slice %arg4[%dma_wait3A_86, %dma_wait3A_87] : memref<100352x8xf32, #tpu.memory_space<hbm>> -> memref<100352x8xf32, #tpu.memory_space<hbm>>
    tpu.wait_indirect_dma semaphore(%arg22 : memref<!tpu.dma_semaphore, #tpu.memory_space<semaphore_mem>>) src(%dma_wait3A_88 : memref<100352x8xf32, #tpu.memory_space<hbm>>) dst(%arg20 : memref<128x8xf32, #tpu.memory_space<vmem>>)
    %barrier3A_89 = arith.constant 0 : index
    tpu.barrier barrier_id(%barrier3A_89)
    %eq3A_90 = arith.constant 0 : i32
    %eq3A_91 = arith.cmpi eq, %arg0, %eq3A_90 : i32
    %convert_element_type3A_92 = arith.extui %eq3A_91 : i1 to i32
    %cond3A_93 = arith.constant 0 : i32
    %cond3A_94 = arith.cmpi ne, %convert_element_type3A_92, %cond3A_93 : i32
    scf.if %cond3A_94 {
      "tpu.region"() ({
        %run_scoped3A = tpu.sem_alloc : memref<!tpu.dma_semaphore, #tpu.memory_space<semaphore_mem>>
        %dma_start3A_132 = arith.constant 0 : i32
        %dma_start3A_133 = tpu.memref_slice %arg14[%mul3A_0, %dma_start3A_132] : memref<50176x8xf32, #tpu.memory_space<hbm>> -> memref<3136x8xf32, #tpu.memory_space<hbm>>
        %dma_start3A_134 = arith.constant 0 : i32
        %dma_start3A_135 = tpu.memref_slice %arg24[%mul3A_0, %dma_start3A_134] : memref<50176x8xf32, #tpu.memory_space<vmem_shared>> -> memref<3136x8xf32, #tpu.memory_space<vmem_shared>>
        tpu.enqueue_dma source(%dma_start3A_135 : memref<3136x8xf32, #tpu.memory_space<vmem_shared>>) target(%dma_start3A_133 : memref<3136x8xf32, #tpu.memory_space<hbm>>) target_semaphore(%run_scoped3A : memref<!tpu.dma_semaphore, #tpu.memory_space<semaphore_mem>>)
        %dma_wait3A_136 = arith.constant 0 : i32
        %dma_wait3A_137 = tpu.memref_slice %arg14[%mul3A_0, %dma_wait3A_136] : memref<50176x8xf32, #tpu.memory_space<hbm>> -> memref<3136x8xf32, #tpu.memory_space<hbm>>
        %dma_wait3A_138 = arith.constant 0 : i32
        %dma_wait3A_139 = tpu.memref_slice %arg24[%mul3A_0, %dma_wait3A_138] : memref<50176x8xf32, #tpu.memory_space<vmem_shared>> -> memref<3136x8xf32, #tpu.memory_space<vmem_shared>>
        tpu.wait_dma2 semaphore(%run_scoped3A : memref<!tpu.dma_semaphore, #tpu.memory_space<semaphore_mem>>) src(%dma_wait3A_139 : memref<3136x8xf32, #tpu.memory_space<vmem_shared>>) dst(%dma_wait3A_137 : memref<3136x8xf32, #tpu.memory_space<hbm>>)
        tpu.yield
      }) : () -> ()
    } else {
    }
    %eq3A_95 = arith.constant 1 : i32
    %eq3A_96 = arith.cmpi eq, %arg0, %eq3A_95 : i32
    %convert_element_type3A_97 = arith.extui %eq3A_96 : i1 to i32
    %cond3A_98 = arith.constant 0 : i32
    %cond3A_99 = arith.cmpi ne, %convert_element_type3A_97, %cond3A_98 : i32
    scf.if %cond3A_99 {
      "tpu.region"() ({
        %run_scoped3A = tpu.sem_alloc : memref<!tpu.dma_semaphore, #tpu.memory_space<semaphore_mem>>
        %dma_start3A_132 = arith.constant 0 : i32
        %dma_start3A_133 = tpu.memref_slice %arg15[%mul3A_0, %dma_start3A_132] : memref<50176x8xf32, #tpu.memory_space<hbm>> -> memref<3136x8xf32, #tpu.memory_space<hbm>>
        %dma_start3A_134 = arith.constant 0 : i32
        %dma_start3A_135 = tpu.memref_slice %arg24[%mul3A_0, %dma_start3A_134] : memref<50176x8xf32, #tpu.memory_space<vmem_shared>> -> memref<3136x8xf32, #tpu.memory_space<vmem_shared>>
        tpu.enqueue_dma source(%dma_start3A_135 : memref<3136x8xf32, #tpu.memory_space<vmem_shared>>) target(%dma_start3A_133 : memref<3136x8xf32, #tpu.memory_space<hbm>>) target_semaphore(%run_scoped3A : memref<!tpu.dma_semaphore, #tpu.memory_space<semaphore_mem>>)
        %dma_wait3A_136 = arith.constant 0 : i32
        %dma_wait3A_137 = tpu.memref_slice %arg15[%mul3A_0, %dma_wait3A_136] : memref<50176x8xf32, #tpu.memory_space<hbm>> -> memref<3136x8xf32, #tpu.memory_space<hbm>>
        %dma_wait3A_138 = arith.constant 0 : i32
        %dma_wait3A_139 = tpu.memref_slice %arg24[%mul3A_0, %dma_wait3A_138] : memref<50176x8xf32, #tpu.memory_space<vmem_shared>> -> memref<3136x8xf32, #tpu.memory_space<vmem_shared>>
        tpu.wait_dma2 semaphore(%run_scoped3A : memref<!tpu.dma_semaphore, #tpu.memory_space<semaphore_mem>>) src(%dma_wait3A_139 : memref<3136x8xf32, #tpu.memory_space<vmem_shared>>) dst(%dma_wait3A_137 : memref<3136x8xf32, #tpu.memory_space<hbm>>)
        tpu.yield
      }) : () -> ()
    } else {
    }
    "tpu.region"() ({
      %run_scoped3A = tpu.sem_alloc : memref<!tpu.dma_semaphore, #tpu.memory_space<semaphore_mem>>
      %dma_start3A_132 = arith.constant 0 : i32
      %dma_start3A_133 = tpu.memref_slice %arg24[%mul3A_0, %dma_start3A_132] : memref<50176x8xf32, #tpu.memory_space<vmem_shared>> -> memref<3136x8xf32, #tpu.memory_space<vmem_shared>>
      tpu.enqueue_dma source(%arg9 : memref<3136x8xf32, #tpu.memory_space<hbm>>) target(%dma_start3A_133 : memref<3136x8xf32, #tpu.memory_space<vmem_shared>>) target_semaphore(%run_scoped3A : memref<!tpu.dma_semaphore, #tpu.memory_space<semaphore_mem>>)
      %dma_wait3A_134 = arith.constant 0 : i32
      %dma_wait3A_135 = tpu.memref_slice %arg24[%mul3A_0, %dma_wait3A_134] : memref<50176x8xf32, #tpu.memory_space<vmem_shared>> -> memref<3136x8xf32, #tpu.memory_space<vmem_shared>>
      tpu.wait_dma2 semaphore(%run_scoped3A : memref<!tpu.dma_semaphore, #tpu.memory_space<semaphore_mem>>) src(%arg9 : memref<3136x8xf32, #tpu.memory_space<hbm>>) dst(%dma_wait3A_135 : memref<3136x8xf32, #tpu.memory_space<vmem_shared>>)
      tpu.yield
    }) : () -> ()
    %barrier3A_100 = arith.constant 0 : index
    tpu.barrier barrier_id(%barrier3A_100)
    %dma_start3A_101 = arith.constant 0 : i32
    %dma_start3A_102 = arith.constant 0 : i32
    %dma_start3A_103 = tpu.memref_slice %arg18[%dma_start3A_101, %dma_start3A_102] : memref<392x128xi32, #tpu.memory_space<vmem>> -> memref<1x128xi32, #tpu.memory_space<vmem>>
    %dma_start3A_104 = tpu.memref_squeeze %dma_start3A_103 : memref<1x128xi32, #tpu.memory_space<vmem>> -> memref<128xi32, #tpu.memory_space<vmem>>
    %dma_start3A_105 = arith.constant 0 : i32
    %dma_start3A_106 = arith.constant 0 : i32
    %dma_start3A_107 = tpu.memref_slice %arg5[%dma_start3A_105, %dma_start3A_106] : memref<100352x8xf32, #tpu.memory_space<hbm>> -> memref<100352x8xf32, #tpu.memory_space<hbm>>
    tpu.enqueue_indirect_dma source(%dma_start3A_107 : memref<100352x8xf32, #tpu.memory_space<hbm>>) target(%arg20 : memref<128x8xf32, #tpu.memory_space<vmem>>) offsets(%dma_start3A_104 : memref<128xi32, #tpu.memory_space<vmem>>) semaphore(%arg22 : memref<!tpu.dma_semaphore, #tpu.memory_space<semaphore_mem>>)
    %scan3A_108 = arith.constant 0 : i32
    %scan3A_109 = arith.constant 0 : i32
    %scan3A_110 = arith.constant 196 : i32
    %scan3A_111 = arith.addi %scan3A_109, %scan3A_110 : i32
    %scan3A_112 = arith.constant 1 : i32
    scf.for %scan3A_132 = %scan3A_109 to %scan3A_111 step %scan3A_112  : i32 {
      %mul3A_133 = arith.constant 2 : i32
      %mul3A_134 = arith.muli %mul3A_133, %scan3A_132 : i32
      %mul3A_135 = arith.constant 2 : i32
      %mul3A_136 = arith.muli %mul3A_135, %scan3A_132 : i32
      %add3A = arith.constant 1 : i32
      %add3A_137 = arith.addi %mul3A_136, %add3A : i32
      %mul3A_138 = arith.constant 2 : i32
      %mul3A_139 = arith.muli %mul3A_138, %scan3A_132 : i32
      %add3A_140 = arith.constant 2 : i32
      %add3A_141 = arith.addi %mul3A_139, %add3A_140 : i32
      %min3A = arith.constant 391 : i32
      %min3A_142 = arith.minsi %add3A_141, %min3A : i32
      %dma_wait3A_143 = arith.constant 0 : i32
      %dma_wait3A_144 = tpu.memref_slice %arg18[%mul3A_134, %dma_wait3A_143] : memref<392x128xi32, #tpu.memory_space<vmem>> -> memref<1x128xi32, #tpu.memory_space<vmem>>
      %dma_wait3A_145 = tpu.memref_squeeze %dma_wait3A_144 : memref<1x128xi32, #tpu.memory_space<vmem>> -> memref<128xi32, #tpu.memory_space<vmem>>
      %dma_wait3A_146 = arith.constant 0 : i32
      %dma_wait3A_147 = arith.constant 0 : i32
      %dma_wait3A_148 = tpu.memref_slice %arg5[%dma_wait3A_146, %dma_wait3A_147] : memref<100352x8xf32, #tpu.memory_space<hbm>> -> memref<100352x8xf32, #tpu.memory_space<hbm>>
      tpu.wait_indirect_dma semaphore(%arg22 : memref<!tpu.dma_semaphore, #tpu.memory_space<semaphore_mem>>) src(%dma_wait3A_148 : memref<100352x8xf32, #tpu.memory_space<hbm>>) dst(%arg20 : memref<128x8xf32, #tpu.memory_space<vmem>>)
      %dma_start3A_149 = arith.constant 0 : i32
      %dma_start3A_150 = tpu.memref_slice %arg18[%add3A_137, %dma_start3A_149] : memref<392x128xi32, #tpu.memory_space<vmem>> -> memref<1x128xi32, #tpu.memory_space<vmem>>
      %dma_start3A_151 = tpu.memref_squeeze %dma_start3A_150 : memref<1x128xi32, #tpu.memory_space<vmem>> -> memref<128xi32, #tpu.memory_space<vmem>>
      %dma_start3A_152 = arith.constant 0 : i32
      %dma_start3A_153 = arith.constant 0 : i32
      %dma_start3A_154 = tpu.memref_slice %arg5[%dma_start3A_152, %dma_start3A_153] : memref<100352x8xf32, #tpu.memory_space<hbm>> -> memref<100352x8xf32, #tpu.memory_space<hbm>>
      tpu.enqueue_indirect_dma source(%dma_start3A_154 : memref<100352x8xf32, #tpu.memory_space<hbm>>) target(%arg21 : memref<128x8xf32, #tpu.memory_space<vmem>>) offsets(%dma_start3A_151 : memref<128xi32, #tpu.memory_space<vmem>>) semaphore(%arg23 : memref<!tpu.dma_semaphore, #tpu.memory_space<semaphore_mem>>)
      "tpu.region"() ({
        %run_scoped3A = tpu.sem_alloc : memref<!tpu.dma_semaphore, #tpu.memory_space<semaphore_mem>>
        %dma_start3A_167 = arith.constant 0 : i32
        %dma_start3A_168 = tpu.memref_slice %arg19[%mul3A_134, %dma_start3A_167] : memref<392x128xi32, #tpu.memory_space<vmem>> -> memref<1x128xi32, #tpu.memory_space<vmem>>
        %dma_start3A_169 = tpu.memref_squeeze %dma_start3A_168 : memref<1x128xi32, #tpu.memory_space<vmem>> -> memref<128xi32, #tpu.memory_space<vmem>>
        %dma_start3A_170 = arith.constant 0 : i32
        %dma_start3A_171 = arith.constant 0 : i32
        %dma_start3A_172 = tpu.memref_slice %arg24[%dma_start3A_170, %dma_start3A_171] : memref<50176x8xf32, #tpu.memory_space<vmem_shared>> -> memref<50176x8xf32, #tpu.memory_space<vmem_shared>>
        tpu.enqueue_indirect_dma source(%arg20 : memref<128x8xf32, #tpu.memory_space<vmem>>) target(%dma_start3A_172 : memref<50176x8xf32, #tpu.memory_space<vmem_shared>>) offsets(%dma_start3A_169 : memref<128xi32, #tpu.memory_space<vmem>>) semaphore(%run_scoped3A : memref<!tpu.dma_semaphore, #tpu.memory_space<semaphore_mem>>) {add = true}
        %dma_wait3A_173 = arith.constant 0 : i32
        %dma_wait3A_174 = tpu.memref_slice %arg19[%mul3A_134, %dma_wait3A_173] : memref<392x128xi32, #tpu.memory_space<vmem>> -> memref<1x128xi32, #tpu.memory_space<vmem>>
        %dma_wait3A_175 = tpu.memref_squeeze %dma_wait3A_174 : memref<1x128xi32, #tpu.memory_space<vmem>> -> memref<128xi32, #tpu.memory_space<vmem>>
        %dma_wait3A_176 = arith.constant 0 : i32
        %dma_wait3A_177 = arith.constant 0 : i32
        %dma_wait3A_178 = tpu.memref_slice %arg24[%dma_wait3A_176, %dma_wait3A_177] : memref<50176x8xf32, #tpu.memory_space<vmem_shared>> -> memref<50176x8xf32, #tpu.memory_space<vmem_shared>>
        tpu.wait_indirect_dma semaphore(%run_scoped3A : memref<!tpu.dma_semaphore, #tpu.memory_space<semaphore_mem>>) src(%arg20 : memref<128x8xf32, #tpu.memory_space<vmem>>) dst(%dma_wait3A_178 : memref<50176x8xf32, #tpu.memory_space<vmem_shared>>)
        tpu.yield
      }) : () -> ()
      %dma_wait3A_155 = arith.constant 0 : i32
      %dma_wait3A_156 = tpu.memref_slice %arg18[%add3A_137, %dma_wait3A_155] : memref<392x128xi32, #tpu.memory_space<vmem>> -> memref<1x128xi32, #tpu.memory_space<vmem>>
      %dma_wait3A_157 = tpu.memref_squeeze %dma_wait3A_156 : memref<1x128xi32, #tpu.memory_space<vmem>> -> memref<128xi32, #tpu.memory_space<vmem>>
      %dma_wait3A_158 = arith.constant 0 : i32
      %dma_wait3A_159 = arith.constant 0 : i32
      %dma_wait3A_160 = tpu.memref_slice %arg5[%dma_wait3A_158, %dma_wait3A_159] : memref<100352x8xf32, #tpu.memory_space<hbm>> -> memref<100352x8xf32, #tpu.memory_space<hbm>>
      tpu.wait_indirect_dma semaphore(%arg23 : memref<!tpu.dma_semaphore, #tpu.memory_space<semaphore_mem>>) src(%dma_wait3A_160 : memref<100352x8xf32, #tpu.memory_space<hbm>>) dst(%arg21 : memref<128x8xf32, #tpu.memory_space<vmem>>)
      %dma_start3A_161 = arith.constant 0 : i32
      %dma_start3A_162 = tpu.memref_slice %arg18[%min3A_142, %dma_start3A_161] : memref<392x128xi32, #tpu.memory_space<vmem>> -> memref<1x128xi32, #tpu.memory_space<vmem>>
      %dma_start3A_163 = tpu.memref_squeeze %dma_start3A_162 : memref<1x128xi32, #tpu.memory_space<vmem>> -> memref<128xi32, #tpu.memory_space<vmem>>
      %dma_start3A_164 = arith.constant 0 : i32
      %dma_start3A_165 = arith.constant 0 : i32
      %dma_start3A_166 = tpu.memref_slice %arg5[%dma_start3A_164, %dma_start3A_165] : memref<100352x8xf32, #tpu.memory_space<hbm>> -> memref<100352x8xf32, #tpu.memory_space<hbm>>
      tpu.enqueue_indirect_dma source(%dma_start3A_166 : memref<100352x8xf32, #tpu.memory_space<hbm>>) target(%arg20 : memref<128x8xf32, #tpu.memory_space<vmem>>) offsets(%dma_start3A_163 : memref<128xi32, #tpu.memory_space<vmem>>) semaphore(%arg22 : memref<!tpu.dma_semaphore, #tpu.memory_space<semaphore_mem>>)
      "tpu.region"() ({
        %run_scoped3A = tpu.sem_alloc : memref<!tpu.dma_semaphore, #tpu.memory_space<semaphore_mem>>
        %dma_start3A_167 = arith.constant 0 : i32
        %dma_start3A_168 = tpu.memref_slice %arg19[%add3A_137, %dma_start3A_167] : memref<392x128xi32, #tpu.memory_space<vmem>> -> memref<1x128xi32, #tpu.memory_space<vmem>>
        %dma_start3A_169 = tpu.memref_squeeze %dma_start3A_168 : memref<1x128xi32, #tpu.memory_space<vmem>> -> memref<128xi32, #tpu.memory_space<vmem>>
        %dma_start3A_170 = arith.constant 0 : i32
        %dma_start3A_171 = arith.constant 0 : i32
        %dma_start3A_172 = tpu.memref_slice %arg24[%dma_start3A_170, %dma_start3A_171] : memref<50176x8xf32, #tpu.memory_space<vmem_shared>> -> memref<50176x8xf32, #tpu.memory_space<vmem_shared>>
        tpu.enqueue_indirect_dma source(%arg21 : memref<128x8xf32, #tpu.memory_space<vmem>>) target(%dma_start3A_172 : memref<50176x8xf32, #tpu.memory_space<vmem_shared>>) offsets(%dma_start3A_169 : memref<128xi32, #tpu.memory_space<vmem>>) semaphore(%run_scoped3A : memref<!tpu.dma_semaphore, #tpu.memory_space<semaphore_mem>>) {add = true}
        %dma_wait3A_173 = arith.constant 0 : i32
        %dma_wait3A_174 = tpu.memref_slice %arg19[%add3A_137, %dma_wait3A_173] : memref<392x128xi32, #tpu.memory_space<vmem>> -> memref<1x128xi32, #tpu.memory_space<vmem>>
        %dma_wait3A_175 = tpu.memref_squeeze %dma_wait3A_174 : memref<1x128xi32, #tpu.memory_space<vmem>> -> memref<128xi32, #tpu.memory_space<vmem>>
        %dma_wait3A_176 = arith.constant 0 : i32
        %dma_wait3A_177 = arith.constant 0 : i32
        %dma_wait3A_178 = tpu.memref_slice %arg24[%dma_wait3A_176, %dma_wait3A_177] : memref<50176x8xf32, #tpu.memory_space<vmem_shared>> -> memref<50176x8xf32, #tpu.memory_space<vmem_shared>>
        tpu.wait_indirect_dma semaphore(%run_scoped3A : memref<!tpu.dma_semaphore, #tpu.memory_space<semaphore_mem>>) src(%arg21 : memref<128x8xf32, #tpu.memory_space<vmem>>) dst(%dma_wait3A_178 : memref<50176x8xf32, #tpu.memory_space<vmem_shared>>)
        tpu.yield
      }) : () -> ()
    }
    %scan3A_113 = arith.constant 196 : i32
    %dma_wait3A_114 = arith.constant 0 : i32
    %dma_wait3A_115 = arith.constant 0 : i32
    %dma_wait3A_116 = tpu.memref_slice %arg18[%dma_wait3A_114, %dma_wait3A_115] : memref<392x128xi32, #tpu.memory_space<vmem>> -> memref<1x128xi32, #tpu.memory_space<vmem>>
    %dma_wait3A_117 = tpu.memref_squeeze %dma_wait3A_116 : memref<1x128xi32, #tpu.memory_space<vmem>> -> memref<128xi32, #tpu.memory_space<vmem>>
    %dma_wait3A_118 = arith.constant 0 : i32
    %dma_wait3A_119 = arith.constant 0 : i32
    %dma_wait3A_120 = tpu.memref_slice %arg5[%dma_wait3A_118, %dma_wait3A_119] : memref<100352x8xf32, #tpu.memory_space<hbm>> -> memref<100352x8xf32, #tpu.memory_space<hbm>>
    tpu.wait_indirect_dma semaphore(%arg22 : memref<!tpu.dma_semaphore, #tpu.memory_space<semaphore_mem>>) src(%dma_wait3A_120 : memref<100352x8xf32, #tpu.memory_space<hbm>>) dst(%arg20 : memref<128x8xf32, #tpu.memory_space<vmem>>)
    %barrier3A_121 = arith.constant 0 : index
    tpu.barrier barrier_id(%barrier3A_121)
    %eq3A_122 = arith.constant 0 : i32
    %eq3A_123 = arith.cmpi eq, %arg0, %eq3A_122 : i32
    %convert_element_type3A_124 = arith.extui %eq3A_123 : i1 to i32
    %cond3A_125 = arith.constant 0 : i32
    %cond3A_126 = arith.cmpi ne, %convert_element_type3A_124, %cond3A_125 : i32
    scf.if %cond3A_126 {
      "tpu.region"() ({
        %run_scoped3A = tpu.sem_alloc : memref<!tpu.dma_semaphore, #tpu.memory_space<semaphore_mem>>
        %dma_start3A_132 = arith.constant 0 : i32
        %dma_start3A_133 = tpu.memref_slice %arg16[%mul3A_0, %dma_start3A_132] : memref<50176x8xf32, #tpu.memory_space<hbm>> -> memref<3136x8xf32, #tpu.memory_space<hbm>>
        %dma_start3A_134 = arith.constant 0 : i32
        %dma_start3A_135 = tpu.memref_slice %arg24[%mul3A_0, %dma_start3A_134] : memref<50176x8xf32, #tpu.memory_space<vmem_shared>> -> memref<3136x8xf32, #tpu.memory_space<vmem_shared>>
        tpu.enqueue_dma source(%dma_start3A_135 : memref<3136x8xf32, #tpu.memory_space<vmem_shared>>) target(%dma_start3A_133 : memref<3136x8xf32, #tpu.memory_space<hbm>>) target_semaphore(%run_scoped3A : memref<!tpu.dma_semaphore, #tpu.memory_space<semaphore_mem>>)
        %dma_wait3A_136 = arith.constant 0 : i32
        %dma_wait3A_137 = tpu.memref_slice %arg16[%mul3A_0, %dma_wait3A_136] : memref<50176x8xf32, #tpu.memory_space<hbm>> -> memref<3136x8xf32, #tpu.memory_space<hbm>>
        %dma_wait3A_138 = arith.constant 0 : i32
        %dma_wait3A_139 = tpu.memref_slice %arg24[%mul3A_0, %dma_wait3A_138] : memref<50176x8xf32, #tpu.memory_space<vmem_shared>> -> memref<3136x8xf32, #tpu.memory_space<vmem_shared>>
        tpu.wait_dma2 semaphore(%run_scoped3A : memref<!tpu.dma_semaphore, #tpu.memory_space<semaphore_mem>>) src(%dma_wait3A_139 : memref<3136x8xf32, #tpu.memory_space<vmem_shared>>) dst(%dma_wait3A_137 : memref<3136x8xf32, #tpu.memory_space<hbm>>)
        tpu.yield
      }) : () -> ()
    } else {
    }
    %eq3A_127 = arith.constant 1 : i32
    %eq3A_128 = arith.cmpi eq, %arg0, %eq3A_127 : i32
    %convert_element_type3A_129 = arith.extui %eq3A_128 : i1 to i32
    %cond3A_130 = arith.constant 0 : i32
    %cond3A_131 = arith.cmpi ne, %convert_element_type3A_129, %cond3A_130 : i32
    scf.if %cond3A_131 {
      "tpu.region"() ({
        %run_scoped3A = tpu.sem_alloc : memref<!tpu.dma_semaphore, #tpu.memory_space<semaphore_mem>>
        %dma_start3A_132 = arith.constant 0 : i32
        %dma_start3A_133 = tpu.memref_slice %arg17[%mul3A_0, %dma_start3A_132] : memref<50176x8xf32, #tpu.memory_space<hbm>> -> memref<3136x8xf32, #tpu.memory_space<hbm>>
        %dma_start3A_134 = arith.constant 0 : i32
        %dma_start3A_135 = tpu.memref_slice %arg24[%mul3A_0, %dma_start3A_134] : memref<50176x8xf32, #tpu.memory_space<vmem_shared>> -> memref<3136x8xf32, #tpu.memory_space<vmem_shared>>
        tpu.enqueue_dma source(%dma_start3A_135 : memref<3136x8xf32, #tpu.memory_space<vmem_shared>>) target(%dma_start3A_133 : memref<3136x8xf32, #tpu.memory_space<hbm>>) target_semaphore(%run_scoped3A : memref<!tpu.dma_semaphore, #tpu.memory_space<semaphore_mem>>)
        %dma_wait3A_136 = arith.constant 0 : i32
        %dma_wait3A_137 = tpu.memref_slice %arg17[%mul3A_0, %dma_wait3A_136] : memref<50176x8xf32, #tpu.memory_space<hbm>> -> memref<3136x8xf32, #tpu.memory_space<hbm>>
        %dma_wait3A_138 = arith.constant 0 : i32
        %dma_wait3A_139 = tpu.memref_slice %arg24[%mul3A_0, %dma_wait3A_138] : memref<50176x8xf32, #tpu.memory_space<vmem_shared>> -> memref<3136x8xf32, #tpu.memory_space<vmem_shared>>
        tpu.wait_dma2 semaphore(%run_scoped3A : memref<!tpu.dma_semaphore, #tpu.memory_space<semaphore_mem>>) src(%dma_wait3A_139 : memref<3136x8xf32, #tpu.memory_space<vmem_shared>>) dst(%dma_wait3A_137 : memref<3136x8xf32, #tpu.memory_space<hbm>>)
        tpu.yield
      }) : () -> ()
    } else {
    }
    return
  }
}

module attributes {stable_mosaic.version = 14 : i64} {
  func.func @_tc_pre_body(%arg0: i32, %arg1: memref<512x4xf32, #tpu.memory_space<vmem>>, %arg2: memref<512x1xf32, #tpu.memory_space<vmem>>, %arg3: memref<512x1xf32, #tpu.memory_space<vmem>>, %arg4: memref<4x64xf32, #tpu.memory_space<vmem>>, %arg5: memref<512x8xf32, #tpu.memory_space<vmem>>, %arg6: memref<512x8xf32, #tpu.memory_space<vmem>>, %arg7: memref<512x8xf32, #tpu.memory_space<vmem>>, %arg8: memref<512x8xf32, #tpu.memory_space<vmem>>, %arg9: memref<512x8xf32, #tpu.memory_space<vmem>>, %arg10: memref<512x8xf32, #tpu.memory_space<vmem>>, %arg11: memref<512x8xf32, #tpu.memory_space<vmem>>, %arg12: memref<512x8xf32, #tpu.memory_space<vmem>>, %arg13: memref<512x1xf32, #tpu.memory_space<vmem>>) attributes {dimension_semantics = [#tpu.dimension_semantics<arbitrary>], iteration_bounds = array<i64: 98>, scalar_prefetch = 0 : i64, scratch_operands = 0 : i64, tpu.core_type = #tpu.core_type<tc>, window_params = [{transform_indices = @transform_0, window_bounds = array<i64: 512, 4>}, {transform_indices = @transform_1, window_bounds = array<i64: 512, 1>}, {transform_indices = @transform_2, window_bounds = array<i64: 512, 1>}, {pipeline_mode = #tpu.pipeline_mode<synchronous>, transform_indices = @transform_3, window_bounds = array<i64: 4, 64>}, {transform_indices = @transform_4, window_bounds = array<i64: 512, 8>}, {transform_indices = @transform_5, window_bounds = array<i64: 512, 8>}, {transform_indices = @transform_6, window_bounds = array<i64: 512, 8>}, {transform_indices = @transform_7, window_bounds = array<i64: 512, 8>}, {transform_indices = @transform_8, window_bounds = array<i64: 512, 8>}, {transform_indices = @transform_9, window_bounds = array<i64: 512, 8>}, {transform_indices = @transform_10, window_bounds = array<i64: 512, 8>}, {transform_indices = @transform_11, window_bounds = array<i64: 512, 8>}, {transform_indices = @transform_12, window_bounds = array<i64: 512, 1>}]} {
    %get3A = arith.constant 0 : index
    %get3A_0 = arith.constant 0 : index
    %get3A_1 = vector.load %arg2[%get3A, %get3A_0] : memref<512x1xf32, #tpu.memory_space<vmem>>, vector<512x1xf32>
    %get3A_2 = arith.constant 0 : index
    %get3A_3 = arith.constant 0 : index
    %get3A_4 = vector.load %arg3[%get3A_2, %get3A_3] : memref<512x1xf32, #tpu.memory_space<vmem>>, vector<512x1xf32>
    %add3A = arith.addf %get3A_1, %get3A_4 : vector<512x1xf32>
    %add3A_5 = arith.constant 1.000000e+00 : f32
    %add3A_6 = vector.broadcast %add3A_5 : f32 to vector<512x1xf32>
    %add3A_7 = arith.addf %add3A, %add3A_6 : vector<512x1xf32>
    %mul3A = arith.constant 512 : i32
    %mul3A_8 = arith.muli %arg0, %mul3A : i32
    %iota3A = tpu.iota {dimensions = array<i32: 0>} : vector<512x1xi32>
    %add3A_9 = vector.broadcast %mul3A_8 : i32 to vector<512x1xi32>
    %add3A_10 = arith.addi %add3A_9, %iota3A : vector<512x1xi32>
    %lt3A = arith.constant 50000 : i32
    %lt3A_11 = vector.broadcast %lt3A : i32 to vector<512x1xi32>
    %lt3A_12 = arith.cmpi slt, %add3A_10, %lt3A_11 : vector<512x1xi32>
    %rsqrt3A = math.rsqrt %add3A_7 : vector<512x1xf32>
    %jit3A = arith.constant 0.000000e+00 : f32
    %broadcast_in_dim3A = vector.broadcast %jit3A : f32 to vector<512x1xf32>
    %select_n3A = arith.select %lt3A_12, %rsqrt3A, %broadcast_in_dim3A : vector<512x1xi1>, vector<512x1xf32>
    %get3A_13 = arith.constant 0 : index
    %get3A_14 = arith.constant 0 : index
    %get3A_15 = vector.load %arg1[%get3A_13, %get3A_14] : memref<512x4xf32, #tpu.memory_space<vmem>>, vector<512x4xf32>
    %get3A_16 = arith.constant 0 : index
    %get3A_17 = arith.constant 0 : index
    %get3A_18 = vector.load %arg4[%get3A_16, %get3A_17] : memref<4x64xf32, #tpu.memory_space<vmem>>, vector<4x64xf32>
    %dot_general3A = arith.constant dense<0.000000e+00> : vector<512x64xf32>
    %dot_general3A_19 = tpu.matmul %get3A_15, %get3A_18, %dot_general3A {dimension_numbers = #tpu.dot_dimension_numbers<[1], [0], [0], [1], [0, 0, 1, 1], [], []>, transpose_lhs_hint = false} : vector<512x4xf32>, vector<4x64xf32>, vector<512x64xf32> -> vector<512x64xf32>
    %mul3A_20 = vector.broadcast %select_n3A : vector<512x1xf32> to vector<512x64xf32>
    %mul3A_21 = arith.mulf %mul3A_20, %dot_general3A_19 : vector<512x64xf32>
    %slice3A = vector.extract_strided_slice %mul3A_21 {offsets = [0, 0], sizes = [512, 8], strides = [1, 1]} : vector<512x64xf32> to vector<512x8xf32>
    %swap3A = arith.constant 0 : index
    %swap3A_22 = arith.constant 0 : index
    %swap3A_23 = vector.load %arg5[%swap3A, %swap3A_22] : memref<512x8xf32, #tpu.memory_space<vmem>>, vector<512x8xf32>
    tpu.vector_store %arg5[%swap3A, %swap3A_22], %slice3A {strides = array<i32>} : memref<512x8xf32, #tpu.memory_space<vmem>>, vector<512x8xf32>,
    %slice3A_24 = vector.extract_strided_slice %mul3A_21 {offsets = [0, 8], sizes = [512, 8], strides = [1, 1]} : vector<512x64xf32> to vector<512x8xf32>
    %swap3A_25 = arith.constant 0 : index
    %swap3A_26 = arith.constant 0 : index
    %swap3A_27 = vector.load %arg6[%swap3A_25, %swap3A_26] : memref<512x8xf32, #tpu.memory_space<vmem>>, vector<512x8xf32>
    tpu.vector_store %arg6[%swap3A_25, %swap3A_26], %slice3A_24 {strides = array<i32>} : memref<512x8xf32, #tpu.memory_space<vmem>>, vector<512x8xf32>,
    %slice3A_28 = vector.extract_strided_slice %mul3A_21 {offsets = [0, 16], sizes = [512, 8], strides = [1, 1]} : vector<512x64xf32> to vector<512x8xf32>
    %swap3A_29 = arith.constant 0 : index
    %swap3A_30 = arith.constant 0 : index
    %swap3A_31 = vector.load %arg7[%swap3A_29, %swap3A_30] : memref<512x8xf32, #tpu.memory_space<vmem>>, vector<512x8xf32>
    tpu.vector_store %arg7[%swap3A_29, %swap3A_30], %slice3A_28 {strides = array<i32>} : memref<512x8xf32, #tpu.memory_space<vmem>>, vector<512x8xf32>,
    %slice3A_32 = vector.extract_strided_slice %mul3A_21 {offsets = [0, 24], sizes = [512, 8], strides = [1, 1]} : vector<512x64xf32> to vector<512x8xf32>
    %swap3A_33 = arith.constant 0 : index
    %swap3A_34 = arith.constant 0 : index
    %swap3A_35 = vector.load %arg8[%swap3A_33, %swap3A_34] : memref<512x8xf32, #tpu.memory_space<vmem>>, vector<512x8xf32>
    tpu.vector_store %arg8[%swap3A_33, %swap3A_34], %slice3A_32 {strides = array<i32>} : memref<512x8xf32, #tpu.memory_space<vmem>>, vector<512x8xf32>,
    %slice3A_36 = vector.extract_strided_slice %mul3A_21 {offsets = [0, 32], sizes = [512, 8], strides = [1, 1]} : vector<512x64xf32> to vector<512x8xf32>
    %swap3A_37 = arith.constant 0 : index
    %swap3A_38 = arith.constant 0 : index
    %swap3A_39 = vector.load %arg9[%swap3A_37, %swap3A_38] : memref<512x8xf32, #tpu.memory_space<vmem>>, vector<512x8xf32>
    tpu.vector_store %arg9[%swap3A_37, %swap3A_38], %slice3A_36 {strides = array<i32>} : memref<512x8xf32, #tpu.memory_space<vmem>>, vector<512x8xf32>,
    %slice3A_40 = vector.extract_strided_slice %mul3A_21 {offsets = [0, 40], sizes = [512, 8], strides = [1, 1]} : vector<512x64xf32> to vector<512x8xf32>
    %swap3A_41 = arith.constant 0 : index
    %swap3A_42 = arith.constant 0 : index
    %swap3A_43 = vector.load %arg10[%swap3A_41, %swap3A_42] : memref<512x8xf32, #tpu.memory_space<vmem>>, vector<512x8xf32>
    tpu.vector_store %arg10[%swap3A_41, %swap3A_42], %slice3A_40 {strides = array<i32>} : memref<512x8xf32, #tpu.memory_space<vmem>>, vector<512x8xf32>,
    %slice3A_44 = vector.extract_strided_slice %mul3A_21 {offsets = [0, 48], sizes = [512, 8], strides = [1, 1]} : vector<512x64xf32> to vector<512x8xf32>
    %swap3A_45 = arith.constant 0 : index
    %swap3A_46 = arith.constant 0 : index
    %swap3A_47 = vector.load %arg11[%swap3A_45, %swap3A_46] : memref<512x8xf32, #tpu.memory_space<vmem>>, vector<512x8xf32>
    tpu.vector_store %arg11[%swap3A_45, %swap3A_46], %slice3A_44 {strides = array<i32>} : memref<512x8xf32, #tpu.memory_space<vmem>>, vector<512x8xf32>,
    %slice3A_48 = vector.extract_strided_slice %mul3A_21 {offsets = [0, 56], sizes = [512, 8], strides = [1, 1]} : vector<512x64xf32> to vector<512x8xf32>
    %swap3A_49 = arith.constant 0 : index
    %swap3A_50 = arith.constant 0 : index
    %swap3A_51 = vector.load %arg12[%swap3A_49, %swap3A_50] : memref<512x8xf32, #tpu.memory_space<vmem>>, vector<512x8xf32>
    tpu.vector_store %arg12[%swap3A_49, %swap3A_50], %slice3A_48 {strides = array<i32>} : memref<512x8xf32, #tpu.memory_space<vmem>>, vector<512x8xf32>,
    %swap3A_52 = arith.constant 0 : index
    %swap3A_53 = arith.constant 0 : index
    %swap3A_54 = vector.load %arg13[%swap3A_52, %swap3A_53] : memref<512x1xf32, #tpu.memory_space<vmem>>, vector<512x1xf32>
    tpu.vector_store %arg13[%swap3A_52, %swap3A_53], %select_n3A {strides = array<i32>} : memref<512x1xf32, #tpu.memory_space<vmem>>, vector<512x1xf32>,
    return
  }
  func.func @transform_0(%arg0: i32) -> (i32, i32) {
    %c0_i32 = arith.constant 0 : i32
    %c0_i32_0 = arith.constant 0 : i32
    return %arg0, %c0_i32 : i32, i32
  }
  func.func @transform_1(%arg0: i32) -> (i32, i32) {
    %c0_i32 = arith.constant 0 : i32
    %c0_i32_0 = arith.constant 0 : i32
    return %arg0, %c0_i32 : i32, i32
  }
  func.func @transform_2(%arg0: i32) -> (i32, i32) {
    %c0_i32 = arith.constant 0 : i32
    %c0_i32_0 = arith.constant 0 : i32
    return %arg0, %c0_i32 : i32, i32
  }
  func.func @transform_3(%arg0: i32) -> (i32, i32) {
    %c0_i32 = arith.constant 0 : i32
    %c0_i32_0 = arith.constant 0 : i32
    %c0_i32_1 = arith.constant 0 : i32
    return %c0_i32, %c0_i32_0 : i32, i32
  }
  func.func @transform_4(%arg0: i32) -> (i32, i32) {
    %c0_i32 = arith.constant 0 : i32
    %c0_i32_0 = arith.constant 0 : i32
    return %arg0, %c0_i32 : i32, i32
  }
  func.func @transform_5(%arg0: i32) -> (i32, i32) {
    %c0_i32 = arith.constant 0 : i32
    %c0_i32_0 = arith.constant 0 : i32
    return %arg0, %c0_i32 : i32, i32
  }
  func.func @transform_6(%arg0: i32) -> (i32, i32) {
    %c0_i32 = arith.constant 0 : i32
    %c0_i32_0 = arith.constant 0 : i32
    return %arg0, %c0_i32 : i32, i32
  }
  func.func @transform_7(%arg0: i32) -> (i32, i32) {
    %c0_i32 = arith.constant 0 : i32
    %c0_i32_0 = arith.constant 0 : i32
    return %arg0, %c0_i32 : i32, i32
  }
  func.func @transform_8(%arg0: i32) -> (i32, i32) {
    %c0_i32 = arith.constant 0 : i32
    %c0_i32_0 = arith.constant 0 : i32
    return %arg0, %c0_i32 : i32, i32
  }
  func.func @transform_9(%arg0: i32) -> (i32, i32) {
    %c0_i32 = arith.constant 0 : i32
    %c0_i32_0 = arith.constant 0 : i32
    return %arg0, %c0_i32 : i32, i32
  }
  func.func @transform_10(%arg0: i32) -> (i32, i32) {
    %c0_i32 = arith.constant 0 : i32
    %c0_i32_0 = arith.constant 0 : i32
    return %arg0, %c0_i32 : i32, i32
  }
  func.func @transform_11(%arg0: i32) -> (i32, i32) {
    %c0_i32 = arith.constant 0 : i32
    %c0_i32_0 = arith.constant 0 : i32
    return %arg0, %c0_i32 : i32, i32
  }
  func.func @transform_12(%arg0: i32) -> (i32, i32) {
    %c0_i32 = arith.constant 0 : i32
    %c0_i32_0 = arith.constant 0 : i32
    return %arg0, %c0_i32 : i32, i32
  }
}

module attributes {stable_mosaic.version = 14 : i64} {
  func.func @_tc_mid_body(%arg0: i32, %arg1: memref<512x8xf32, #tpu.memory_space<vmem>>, %arg2: memref<512x8xf32, #tpu.memory_space<vmem>>, %arg3: memref<512x8xf32, #tpu.memory_space<vmem>>, %arg4: memref<512x8xf32, #tpu.memory_space<vmem>>, %arg5: memref<512x8xf32, #tpu.memory_space<vmem>>, %arg6: memref<512x8xf32, #tpu.memory_space<vmem>>, %arg7: memref<512x8xf32, #tpu.memory_space<vmem>>, %arg8: memref<512x8xf32, #tpu.memory_space<vmem>>, %arg9: memref<512x8xf32, #tpu.memory_space<vmem>>, %arg10: memref<512x8xf32, #tpu.memory_space<vmem>>, %arg11: memref<512x8xf32, #tpu.memory_space<vmem>>, %arg12: memref<512x8xf32, #tpu.memory_space<vmem>>, %arg13: memref<512x8xf32, #tpu.memory_space<vmem>>, %arg14: memref<512x8xf32, #tpu.memory_space<vmem>>, %arg15: memref<512x8xf32, #tpu.memory_space<vmem>>, %arg16: memref<512x8xf32, #tpu.memory_space<vmem>>, %arg17: memref<512x1xf32, #tpu.memory_space<vmem>>, %arg18: memref<1x64xf32, #tpu.memory_space<vmem>>, %arg19: memref<64x64xf32, #tpu.memory_space<vmem>>, %arg20: memref<512x8xf32, #tpu.memory_space<vmem>>, %arg21: memref<512x8xf32, #tpu.memory_space<vmem>>, %arg22: memref<512x8xf32, #tpu.memory_space<vmem>>, %arg23: memref<512x8xf32, #tpu.memory_space<vmem>>, %arg24: memref<512x8xf32, #tpu.memory_space<vmem>>, %arg25: memref<512x8xf32, #tpu.memory_space<vmem>>, %arg26: memref<512x8xf32, #tpu.memory_space<vmem>>, %arg27: memref<512x8xf32, #tpu.memory_space<vmem>>, %arg28: memref<512x64xf32, #tpu.memory_space<vmem>>) attributes {dimension_semantics = [#tpu.dimension_semantics<arbitrary>], iteration_bounds = array<i64: 98>, scalar_prefetch = 0 : i64, scratch_operands = 0 : i64, tpu.core_type = #tpu.core_type<tc>, window_params = [{transform_indices = @transform_0, window_bounds = array<i64: 512, 8>}, {transform_indices = @transform_1, window_bounds = array<i64: 512, 8>}, {transform_indices = @transform_2, window_bounds = array<i64: 512, 8>}, {transform_indices = @transform_3, window_bounds = array<i64: 512, 8>}, {transform_indices = @transform_4, window_bounds = array<i64: 512, 8>}, {transform_indices = @transform_5, window_bounds = array<i64: 512, 8>}, {transform_indices = @transform_6, window_bounds = array<i64: 512, 8>}, {transform_indices = @transform_7, window_bounds = array<i64: 512, 8>}, {transform_indices = @transform_8, window_bounds = array<i64: 512, 8>}, {transform_indices = @transform_9, window_bounds = array<i64: 512, 8>}, {transform_indices = @transform_10, window_bounds = array<i64: 512, 8>}, {transform_indices = @transform_11, window_bounds = array<i64: 512, 8>}, {transform_indices = @transform_12, window_bounds = array<i64: 512, 8>}, {transform_indices = @transform_13, window_bounds = array<i64: 512, 8>}, {transform_indices = @transform_14, window_bounds = array<i64: 512, 8>}, {transform_indices = @transform_15, window_bounds = array<i64: 512, 8>}, {transform_indices = @transform_16, window_bounds = array<i64: 512, 1>}, {pipeline_mode = #tpu.pipeline_mode<synchronous>, transform_indices = @transform_17, window_bounds = array<i64: 1, 64>}, {pipeline_mode = #tpu.pipeline_mode<synchronous>, transform_indices = @transform_18, window_bounds = array<i64: 64, 64>}, {transform_indices = @transform_19, window_bounds = array<i64: 512, 8>}, {transform_indices = @transform_20, window_bounds = array<i64: 512, 8>}, {transform_indices = @transform_21, window_bounds = array<i64: 512, 8>}, {transform_indices = @transform_22, window_bounds = array<i64: 512, 8>}, {transform_indices = @transform_23, window_bounds = array<i64: 512, 8>}, {transform_indices = @transform_24, window_bounds = array<i64: 512, 8>}, {transform_indices = @transform_25, window_bounds = array<i64: 512, 8>}, {transform_indices = @transform_26, window_bounds = array<i64: 512, 8>}, {transform_indices = @transform_27, window_bounds = array<i64: 512, 64>}]} {
    %get3A = arith.constant 0 : index
    %get3A_0 = arith.constant 0 : index
    %get3A_1 = vector.load %arg1[%get3A, %get3A_0] : memref<512x8xf32, #tpu.memory_space<vmem>>, vector<512x8xf32>
    %get3A_2 = arith.constant 0 : index
    %get3A_3 = arith.constant 0 : index
    %get3A_4 = vector.load %arg9[%get3A_2, %get3A_3] : memref<512x8xf32, #tpu.memory_space<vmem>>, vector<512x8xf32>
    %add3A = arith.addf %get3A_1, %get3A_4 : vector<512x8xf32>
    %get3A_5 = arith.constant 0 : index
    %get3A_6 = arith.constant 0 : index
    %get3A_7 = vector.load %arg2[%get3A_5, %get3A_6] : memref<512x8xf32, #tpu.memory_space<vmem>>, vector<512x8xf32>
    %get3A_8 = arith.constant 0 : index
    %get3A_9 = arith.constant 0 : index
    %get3A_10 = vector.load %arg10[%get3A_8, %get3A_9] : memref<512x8xf32, #tpu.memory_space<vmem>>, vector<512x8xf32>
    %add3A_11 = arith.addf %get3A_7, %get3A_10 : vector<512x8xf32>
    %get3A_12 = arith.constant 0 : index
    %get3A_13 = arith.constant 0 : index
    %get3A_14 = vector.load %arg3[%get3A_12, %get3A_13] : memref<512x8xf32, #tpu.memory_space<vmem>>, vector<512x8xf32>
    %get3A_15 = arith.constant 0 : index
    %get3A_16 = arith.constant 0 : index
    %get3A_17 = vector.load %arg11[%get3A_15, %get3A_16] : memref<512x8xf32, #tpu.memory_space<vmem>>, vector<512x8xf32>
    %add3A_18 = arith.addf %get3A_14, %get3A_17 : vector<512x8xf32>
    %get3A_19 = arith.constant 0 : index
    %get3A_20 = arith.constant 0 : index
    %get3A_21 = vector.load %arg4[%get3A_19, %get3A_20] : memref<512x8xf32, #tpu.memory_space<vmem>>, vector<512x8xf32>
    %get3A_22 = arith.constant 0 : index
    %get3A_23 = arith.constant 0 : index
    %get3A_24 = vector.load %arg12[%get3A_22, %get3A_23] : memref<512x8xf32, #tpu.memory_space<vmem>>, vector<512x8xf32>
    %add3A_25 = arith.addf %get3A_21, %get3A_24 : vector<512x8xf32>
    %get3A_26 = arith.constant 0 : index
    %get3A_27 = arith.constant 0 : index
    %get3A_28 = vector.load %arg5[%get3A_26, %get3A_27] : memref<512x8xf32, #tpu.memory_space<vmem>>, vector<512x8xf32>
    %get3A_29 = arith.constant 0 : index
    %get3A_30 = arith.constant 0 : index
    %get3A_31 = vector.load %arg13[%get3A_29, %get3A_30] : memref<512x8xf32, #tpu.memory_space<vmem>>, vector<512x8xf32>
    %add3A_32 = arith.addf %get3A_28, %get3A_31 : vector<512x8xf32>
    %get3A_33 = arith.constant 0 : index
    %get3A_34 = arith.constant 0 : index
    %get3A_35 = vector.load %arg6[%get3A_33, %get3A_34] : memref<512x8xf32, #tpu.memory_space<vmem>>, vector<512x8xf32>
    %get3A_36 = arith.constant 0 : index
    %get3A_37 = arith.constant 0 : index
    %get3A_38 = vector.load %arg14[%get3A_36, %get3A_37] : memref<512x8xf32, #tpu.memory_space<vmem>>, vector<512x8xf32>
    %add3A_39 = arith.addf %get3A_35, %get3A_38 : vector<512x8xf32>
    %get3A_40 = arith.constant 0 : index
    %get3A_41 = arith.constant 0 : index
    %get3A_42 = vector.load %arg7[%get3A_40, %get3A_41] : memref<512x8xf32, #tpu.memory_space<vmem>>, vector<512x8xf32>
    %get3A_43 = arith.constant 0 : index
    %get3A_44 = arith.constant 0 : index
    %get3A_45 = vector.load %arg15[%get3A_43, %get3A_44] : memref<512x8xf32, #tpu.memory_space<vmem>>, vector<512x8xf32>
    %add3A_46 = arith.addf %get3A_42, %get3A_45 : vector<512x8xf32>
    %get3A_47 = arith.constant 0 : index
    %get3A_48 = arith.constant 0 : index
    %get3A_49 = vector.load %arg8[%get3A_47, %get3A_48] : memref<512x8xf32, #tpu.memory_space<vmem>>, vector<512x8xf32>
    %get3A_50 = arith.constant 0 : index
    %get3A_51 = arith.constant 0 : index
    %get3A_52 = vector.load %arg16[%get3A_50, %get3A_51] : memref<512x8xf32, #tpu.memory_space<vmem>>, vector<512x8xf32>
    %add3A_53 = arith.addf %get3A_49, %get3A_52 : vector<512x8xf32>
    %concatenate3A = tpu.concatenate %add3A, %add3A_11, %add3A_18, %add3A_25, %add3A_32, %add3A_39, %add3A_46, %add3A_53 in 1 : vector<512x8xf32>, vector<512x8xf32>, vector<512x8xf32>, vector<512x8xf32>, vector<512x8xf32>, vector<512x8xf32>, vector<512x8xf32>, vector<512x8xf32> -> vector<512x64xf32>
    %get3A_54 = arith.constant 0 : index
    %get3A_55 = arith.constant 0 : index
    %get3A_56 = vector.load %arg17[%get3A_54, %get3A_55] : memref<512x1xf32, #tpu.memory_space<vmem>>, vector<512x1xf32>
    %mul3A = vector.broadcast %get3A_56 : vector<512x1xf32> to vector<512x64xf32>
    %mul3A_57 = arith.mulf %mul3A, %concatenate3A : vector<512x64xf32>
    %get3A_58 = arith.constant 0 : index
    %get3A_59 = arith.constant 0 : index
    %get3A_60 = vector.load %arg18[%get3A_58, %get3A_59] : memref<1x64xf32, #tpu.memory_space<vmem>>, vector<1x64xf32>
    %add3A_61 = vector.broadcast %get3A_60 : vector<1x64xf32> to vector<512x64xf32>
    %add3A_62 = arith.addf %mul3A_57, %add3A_61 : vector<512x64xf32>
    %max3A = arith.constant 0.000000e+00 : f32
    %max3A_63 = vector.broadcast %max3A : f32 to vector<512x64xf32>
    %max3A_64 = arith.maximumf %add3A_62, %max3A_63 : vector<512x64xf32>
    %get3A_65 = arith.constant 0 : index
    %get3A_66 = arith.constant 0 : index
    %get3A_67 = vector.load %arg19[%get3A_65, %get3A_66] : memref<64x64xf32, #tpu.memory_space<vmem>>, vector<64x64xf32>
    %dot_general3A = arith.constant dense<0.000000e+00> : vector<512x64xf32>
    %dot_general3A_68 = tpu.matmul %max3A_64, %get3A_67, %dot_general3A {dimension_numbers = #tpu.dot_dimension_numbers<[1], [0], [0], [1], [0, 0, 1, 1], [], []>, transpose_lhs_hint = false} : vector<512x64xf32>, vector<64x64xf32>, vector<512x64xf32> -> vector<512x64xf32>
    %get3A_69 = arith.constant 0 : index
    %get3A_70 = arith.constant 0 : index
    %get3A_71 = vector.load %arg17[%get3A_69, %get3A_70] : memref<512x1xf32, #tpu.memory_space<vmem>>, vector<512x1xf32>
    %mul3A_72 = vector.broadcast %get3A_71 : vector<512x1xf32> to vector<512x64xf32>
    %mul3A_73 = arith.mulf %mul3A_72, %dot_general3A_68 : vector<512x64xf32>
    %slice3A = vector.extract_strided_slice %mul3A_73 {offsets = [0, 0], sizes = [512, 8], strides = [1, 1]} : vector<512x64xf32> to vector<512x8xf32>
    %swap3A = arith.constant 0 : index
    %swap3A_74 = arith.constant 0 : index
    %swap3A_75 = vector.load %arg20[%swap3A, %swap3A_74] : memref<512x8xf32, #tpu.memory_space<vmem>>, vector<512x8xf32>
    tpu.vector_store %arg20[%swap3A, %swap3A_74], %slice3A {strides = array<i32>} : memref<512x8xf32, #tpu.memory_space<vmem>>, vector<512x8xf32>,
    %slice3A_76 = vector.extract_strided_slice %mul3A_73 {offsets = [0, 8], sizes = [512, 8], strides = [1, 1]} : vector<512x64xf32> to vector<512x8xf32>
    %swap3A_77 = arith.constant 0 : index
    %swap3A_78 = arith.constant 0 : index
    %swap3A_79 = vector.load %arg21[%swap3A_77, %swap3A_78] : memref<512x8xf32, #tpu.memory_space<vmem>>, vector<512x8xf32>
    tpu.vector_store %arg21[%swap3A_77, %swap3A_78], %slice3A_76 {strides = array<i32>} : memref<512x8xf32, #tpu.memory_space<vmem>>, vector<512x8xf32>,
    %slice3A_80 = vector.extract_strided_slice %mul3A_73 {offsets = [0, 16], sizes = [512, 8], strides = [1, 1]} : vector<512x64xf32> to vector<512x8xf32>
    %swap3A_81 = arith.constant 0 : index
    %swap3A_82 = arith.constant 0 : index
    %swap3A_83 = vector.load %arg22[%swap3A_81, %swap3A_82] : memref<512x8xf32, #tpu.memory_space<vmem>>, vector<512x8xf32>
    tpu.vector_store %arg22[%swap3A_81, %swap3A_82], %slice3A_80 {strides = array<i32>} : memref<512x8xf32, #tpu.memory_space<vmem>>, vector<512x8xf32>,
    %slice3A_84 = vector.extract_strided_slice %mul3A_73 {offsets = [0, 24], sizes = [512, 8], strides = [1, 1]} : vector<512x64xf32> to vector<512x8xf32>
    %swap3A_85 = arith.constant 0 : index
    %swap3A_86 = arith.constant 0 : index
    %swap3A_87 = vector.load %arg23[%swap3A_85, %swap3A_86] : memref<512x8xf32, #tpu.memory_space<vmem>>, vector<512x8xf32>
    tpu.vector_store %arg23[%swap3A_85, %swap3A_86], %slice3A_84 {strides = array<i32>} : memref<512x8xf32, #tpu.memory_space<vmem>>, vector<512x8xf32>,
    %slice3A_88 = vector.extract_strided_slice %mul3A_73 {offsets = [0, 32], sizes = [512, 8], strides = [1, 1]} : vector<512x64xf32> to vector<512x8xf32>
    %swap3A_89 = arith.constant 0 : index
    %swap3A_90 = arith.constant 0 : index
    %swap3A_91 = vector.load %arg24[%swap3A_89, %swap3A_90] : memref<512x8xf32, #tpu.memory_space<vmem>>, vector<512x8xf32>
    tpu.vector_store %arg24[%swap3A_89, %swap3A_90], %slice3A_88 {strides = array<i32>} : memref<512x8xf32, #tpu.memory_space<vmem>>, vector<512x8xf32>,
    %slice3A_92 = vector.extract_strided_slice %mul3A_73 {offsets = [0, 40], sizes = [512, 8], strides = [1, 1]} : vector<512x64xf32> to vector<512x8xf32>
    %swap3A_93 = arith.constant 0 : index
    %swap3A_94 = arith.constant 0 : index
    %swap3A_95 = vector.load %arg25[%swap3A_93, %swap3A_94] : memref<512x8xf32, #tpu.memory_space<vmem>>, vector<512x8xf32>
    tpu.vector_store %arg25[%swap3A_93, %swap3A_94], %slice3A_92 {strides = array<i32>} : memref<512x8xf32, #tpu.memory_space<vmem>>, vector<512x8xf32>,
    %slice3A_96 = vector.extract_strided_slice %mul3A_73 {offsets = [0, 48], sizes = [512, 8], strides = [1, 1]} : vector<512x64xf32> to vector<512x8xf32>
    %swap3A_97 = arith.constant 0 : index
    %swap3A_98 = arith.constant 0 : index
    %swap3A_99 = vector.load %arg26[%swap3A_97, %swap3A_98] : memref<512x8xf32, #tpu.memory_space<vmem>>, vector<512x8xf32>
    tpu.vector_store %arg26[%swap3A_97, %swap3A_98], %slice3A_96 {strides = array<i32>} : memref<512x8xf32, #tpu.memory_space<vmem>>, vector<512x8xf32>,
    %slice3A_100 = vector.extract_strided_slice %mul3A_73 {offsets = [0, 56], sizes = [512, 8], strides = [1, 1]} : vector<512x64xf32> to vector<512x8xf32>
    %swap3A_101 = arith.constant 0 : index
    %swap3A_102 = arith.constant 0 : index
    %swap3A_103 = vector.load %arg27[%swap3A_101, %swap3A_102] : memref<512x8xf32, #tpu.memory_space<vmem>>, vector<512x8xf32>
    tpu.vector_store %arg27[%swap3A_101, %swap3A_102], %slice3A_100 {strides = array<i32>} : memref<512x8xf32, #tpu.memory_space<vmem>>, vector<512x8xf32>,
    %swap3A_104 = arith.constant 0 : index
    %swap3A_105 = arith.constant 0 : index
    %swap3A_106 = vector.load %arg28[%swap3A_104, %swap3A_105] : memref<512x64xf32, #tpu.memory_space<vmem>>, vector<512x64xf32>
    tpu.vector_store %arg28[%swap3A_104, %swap3A_105], %max3A_64 {strides = array<i32>} : memref<512x64xf32, #tpu.memory_space<vmem>>, vector<512x64xf32>,
    return
  }
  func.func @transform_0(%arg0: i32) -> (i32, i32) {
    %c0_i32 = arith.constant 0 : i32
    %c0_i32_0 = arith.constant 0 : i32
    return %arg0, %c0_i32 : i32, i32
  }
  func.func @transform_1(%arg0: i32) -> (i32, i32) {
    %c0_i32 = arith.constant 0 : i32
    %c0_i32_0 = arith.constant 0 : i32
    return %arg0, %c0_i32 : i32, i32
  }
  func.func @transform_2(%arg0: i32) -> (i32, i32) {
    %c0_i32 = arith.constant 0 : i32
    %c0_i32_0 = arith.constant 0 : i32
    return %arg0, %c0_i32 : i32, i32
  }
  func.func @transform_3(%arg0: i32) -> (i32, i32) {
    %c0_i32 = arith.constant 0 : i32
    %c0_i32_0 = arith.constant 0 : i32
    return %arg0, %c0_i32 : i32, i32
  }
  func.func @transform_4(%arg0: i32) -> (i32, i32) {
    %c0_i32 = arith.constant 0 : i32
    %c0_i32_0 = arith.constant 0 : i32
    return %arg0, %c0_i32 : i32, i32
  }
  func.func @transform_5(%arg0: i32) -> (i32, i32) {
    %c0_i32 = arith.constant 0 : i32
    %c0_i32_0 = arith.constant 0 : i32
    return %arg0, %c0_i32 : i32, i32
  }
  func.func @transform_6(%arg0: i32) -> (i32, i32) {
    %c0_i32 = arith.constant 0 : i32
    %c0_i32_0 = arith.constant 0 : i32
    return %arg0, %c0_i32 : i32, i32
  }
  func.func @transform_7(%arg0: i32) -> (i32, i32) {
    %c0_i32 = arith.constant 0 : i32
    %c0_i32_0 = arith.constant 0 : i32
    return %arg0, %c0_i32 : i32, i32
  }
  func.func @transform_8(%arg0: i32) -> (i32, i32) {
    %c0_i32 = arith.constant 0 : i32
    %c0_i32_0 = arith.constant 0 : i32
    return %arg0, %c0_i32 : i32, i32
  }
  func.func @transform_9(%arg0: i32) -> (i32, i32) {
    %c0_i32 = arith.constant 0 : i32
    %c0_i32_0 = arith.constant 0 : i32
    return %arg0, %c0_i32 : i32, i32
  }
  func.func @transform_10(%arg0: i32) -> (i32, i32) {
    %c0_i32 = arith.constant 0 : i32
    %c0_i32_0 = arith.constant 0 : i32
    return %arg0, %c0_i32 : i32, i32
  }
  func.func @transform_11(%arg0: i32) -> (i32, i32) {
    %c0_i32 = arith.constant 0 : i32
    %c0_i32_0 = arith.constant 0 : i32
    return %arg0, %c0_i32 : i32, i32
  }
  func.func @transform_12(%arg0: i32) -> (i32, i32) {
    %c0_i32 = arith.constant 0 : i32
    %c0_i32_0 = arith.constant 0 : i32
    return %arg0, %c0_i32 : i32, i32
  }
  func.func @transform_13(%arg0: i32) -> (i32, i32) {
    %c0_i32 = arith.constant 0 : i32
    %c0_i32_0 = arith.constant 0 : i32
    return %arg0, %c0_i32 : i32, i32
  }
  func.func @transform_14(%arg0: i32) -> (i32, i32) {
    %c0_i32 = arith.constant 0 : i32
    %c0_i32_0 = arith.constant 0 : i32
    return %arg0, %c0_i32 : i32, i32
  }
  func.func @transform_15(%arg0: i32) -> (i32, i32) {
    %c0_i32 = arith.constant 0 : i32
    %c0_i32_0 = arith.constant 0 : i32
    return %arg0, %c0_i32 : i32, i32
  }
  func.func @transform_16(%arg0: i32) -> (i32, i32) {
    %c0_i32 = arith.constant 0 : i32
    %c0_i32_0 = arith.constant 0 : i32
    return %arg0, %c0_i32 : i32, i32
  }
  func.func @transform_17(%arg0: i32) -> (i32, i32) {
    %c0_i32 = arith.constant 0 : i32
    %c0_i32_0 = arith.constant 0 : i32
    %c0_i32_1 = arith.constant 0 : i32
    return %c0_i32, %c0_i32_0 : i32, i32
  }
  func.func @transform_18(%arg0: i32) -> (i32, i32) {
    %c0_i32 = arith.constant 0 : i32
    %c0_i32_0 = arith.constant 0 : i32
    %c0_i32_1 = arith.constant 0 : i32
    return %c0_i32, %c0_i32_0 : i32, i32
  }
  func.func @transform_19(%arg0: i32) -> (i32, i32) {
    %c0_i32 = arith.constant 0 : i32
    %c0_i32_0 = arith.constant 0 : i32
    return %arg0, %c0_i32 : i32, i32
  }
  func.func @transform_20(%arg0: i32) -> (i32, i32) {
    %c0_i32 = arith.constant 0 : i32
    %c0_i32_0 = arith.constant 0 : i32
    return %arg0, %c0_i32 : i32, i32
  }
  func.func @transform_21(%arg0: i32) -> (i32, i32) {
    %c0_i32 = arith.constant 0 : i32
    %c0_i32_0 = arith.constant 0 : i32
    return %arg0, %c0_i32 : i32, i32
  }
  func.func @transform_22(%arg0: i32) -> (i32, i32) {
    %c0_i32 = arith.constant 0 : i32
    %c0_i32_0 = arith.constant 0 : i32
    return %arg0, %c0_i32 : i32, i32
  }
  func.func @transform_23(%arg0: i32) -> (i32, i32) {
    %c0_i32 = arith.constant 0 : i32
    %c0_i32_0 = arith.constant 0 : i32
    return %arg0, %c0_i32 : i32, i32
  }
  func.func @transform_24(%arg0: i32) -> (i32, i32) {
    %c0_i32 = arith.constant 0 : i32
    %c0_i32_0 = arith.constant 0 : i32
    return %arg0, %c0_i32 : i32, i32
  }
  func.func @transform_25(%arg0: i32) -> (i32, i32) {
    %c0_i32 = arith.constant 0 : i32
    %c0_i32_0 = arith.constant 0 : i32
    return %arg0, %c0_i32 : i32, i32
  }
  func.func @transform_26(%arg0: i32) -> (i32, i32) {
    %c0_i32 = arith.constant 0 : i32
    %c0_i32_0 = arith.constant 0 : i32
    return %arg0, %c0_i32 : i32, i32
  }
  func.func @transform_27(%arg0: i32) -> (i32, i32) {
    %c0_i32 = arith.constant 0 : i32
    %c0_i32_0 = arith.constant 0 : i32
    return %arg0, %c0_i32 : i32, i32
  }
}

module attributes {stable_mosaic.version = 14 : i64} {
  func.func @_tc_gate_body(%arg0: memref<520x64xf32, #tpu.memory_space<vmem>>, %arg1: memref<520x64xf32, #tpu.memory_space<vmem>>, %arg2: memref<520x1xf32, #tpu.memory_space<vmem>>, %arg3: memref<520x1xf32, #tpu.memory_space<vmem>>, %arg4: memref<64x8xf32, #tpu.memory_space<vmem>>, %arg5: memref<1x8xf32, #tpu.memory_space<vmem>>, %arg6: memref<512x8xf32, #tpu.memory_space<vmem>>) attributes {dimension_semantics = [], scalar_prefetch = 0 : i64, scratch_operands = 0 : i64, tpu.core_type = #tpu.core_type<tc>} {
    %get3A = arith.constant 0 : index
    %get3A_0 = arith.constant 0 : index
    %get3A_1 = vector.load %arg0[%get3A, %get3A_0] : memref<520x64xf32, #tpu.memory_space<vmem>>, vector<520x64xf32>
    %get3A_2 = arith.constant 0 : index
    %get3A_3 = arith.constant 0 : index
    %get3A_4 = vector.load %arg1[%get3A_2, %get3A_3] : memref<520x64xf32, #tpu.memory_space<vmem>>, vector<520x64xf32>
    %add3A = arith.addf %get3A_1, %get3A_4 : vector<520x64xf32>
    %get3A_5 = arith.constant 0 : index
    %get3A_6 = arith.constant 0 : index
    %get3A_7 = vector.load %arg2[%get3A_5, %get3A_6] : memref<520x1xf32, #tpu.memory_space<vmem>>, vector<520x1xf32>
    %get3A_8 = arith.constant 0 : index
    %get3A_9 = arith.constant 0 : index
    %get3A_10 = vector.load %arg3[%get3A_8, %get3A_9] : memref<520x1xf32, #tpu.memory_space<vmem>>, vector<520x1xf32>
    %add3A_11 = arith.addf %get3A_7, %get3A_10 : vector<520x1xf32>
    %slice3A = vector.extract_strided_slice %add3A {offsets = [0, 0], sizes = [512, 64], strides = [1, 1]} : vector<520x64xf32> to vector<512x64xf32>
    %slice3A_12 = vector.extract_strided_slice %add3A_11 {offsets = [0, 0], sizes = [512, 1], strides = [1, 1]} : vector<520x1xf32> to vector<512x1xf32>
    %max3A = arith.constant 1.000000e+00 : f32
    %max3A_13 = vector.broadcast %max3A : f32 to vector<512x1xf32>
    %max3A_14 = arith.maximumf %slice3A_12, %max3A_13 : vector<512x1xf32>
    %div3A = vector.broadcast %max3A_14 : vector<512x1xf32> to vector<512x64xf32>
    %div3A_15 = arith.divf %slice3A, %div3A : vector<512x64xf32>
    %get3A_16 = arith.constant 0 : index
    %get3A_17 = arith.constant 0 : index
    %get3A_18 = vector.load %arg4[%get3A_16, %get3A_17] : memref<64x8xf32, #tpu.memory_space<vmem>>, vector<64x8xf32>
    %dot_general3A = arith.constant dense<0.000000e+00> : vector<512x8xf32>
    %dot_general3A_19 = tpu.matmul %div3A_15, %get3A_18, %dot_general3A {dimension_numbers = #tpu.dot_dimension_numbers<[1], [0], [0], [1], [0, 0, 1, 1], [], []>, transpose_lhs_hint = false} : vector<512x64xf32>, vector<64x8xf32>, vector<512x8xf32> -> vector<512x8xf32>
    %get3A_20 = arith.constant 0 : index
    %get3A_21 = arith.constant 0 : index
    %get3A_22 = vector.load %arg5[%get3A_20, %get3A_21] : memref<1x8xf32, #tpu.memory_space<vmem>>, vector<1x8xf32>
    %add3A_23 = vector.broadcast %get3A_22 : vector<1x8xf32> to vector<512x8xf32>
    %add3A_24 = arith.addf %dot_general3A_19, %add3A_23 : vector<512x8xf32>
    %reduce_max3A = arith.constant dense<0xFF800000> : vector<512xf32>
    %reduce_max3A_25 = vector.multi_reduction <maximumf>, %add3A_24, %reduce_max3A [1] : vector<512x8xf32> to vector<512xf32>
    %broadcast_in_dim3A = vector.shape_cast %reduce_max3A_25 : vector<512xf32> to vector<512x1xf32>
    %sub3A = vector.broadcast %broadcast_in_dim3A : vector<512x1xf32> to vector<512x8xf32>
    %sub3A_26 = arith.subf %add3A_24, %sub3A : vector<512x8xf32>
    %exp3A = math.exp %sub3A_26 : vector<512x8xf32>
    %reduce_sum3A = arith.constant dense<0.000000e+00> : vector<512xf32>
    %reduce_sum3A_27 = vector.multi_reduction <add>, %exp3A, %reduce_sum3A [1] : vector<512x8xf32> to vector<512xf32>
    %broadcast_in_dim3A_28 = vector.shape_cast %reduce_sum3A_27 : vector<512xf32> to vector<512x1xf32>
    %div3A_29 = vector.broadcast %broadcast_in_dim3A_28 : vector<512x1xf32> to vector<512x8xf32>
    %div3A_30 = arith.divf %exp3A, %div3A_29 : vector<512x8xf32>
    %swap3A = arith.constant 0 : index
    %swap3A_31 = arith.constant 0 : index
    %swap3A_32 = vector.load %arg6[%swap3A, %swap3A_31] : memref<512x8xf32, #tpu.memory_space<vmem>>, vector<512x8xf32>
    tpu.vector_store %arg6[%swap3A, %swap3A_31], %div3A_30 {strides = array<i32>} : memref<512x8xf32, #tpu.memory_space<vmem>>, vector<512x8xf32>,
    return
  }
}

</mosaic_0001>

<sc_bundles>
// kernel: body.10.cloned.1.call-start
scs
__scs_entry_jumppad:
0x0: {  	(pc) =	sbr.rel $0x88, $3  }
0x1: {  	(tag) =	ssettag $0x0;
	lr =	simm.s32 $0x1  }
0x2: {  	[smem:$0x3F95] =	sst lr;
	_ =	strace $0xD0000000  }
0x3: {  	_ = 	snop  }
0x4: {  	_ = 	snop  }
0x5: {  	_ = 	snop  }
0x6: {  	_ = 	snop  }
0x7: {  	_ = 	snop  }
__scs_overlays_trampoline_lowered:
0x8: {  	[smem:$0x3FA4] =	sst s0  }
0x9: {  	[smem:$0x3FA5] =	sst s1  }
0xa: {  	[smem:$0x3FA6] =	sst s2  }
0xb: {  	[smem:$0x3FA7] =	sst s3  }
0xc: {  	[smem:$0x3FA8] =	sst s4  }
0xd: {  	[smem:$0x3FA9] =	sst s5  }
0xe: {  	[smem:$0x3FAA] =	sst s6  }
0xf: {  	[smem:$0x3FAB] =	sst s7  }
0x10: {  	[smem:$0x3FAC] =	sst s8  }
0x11: {  	[smem:$0x3FAD] =	sst s9;
	s0 =	simm.s32 @!p0 $0x0  }
0x12: {  	s1 =	sld [smem:$0x3F93];
	s0 =	simm.s32 @p0 $0x1  }
0x13: {  	[smem:$0x3FAE] =	sst s0;
	s0 =	simm.s32 @!p1 $0x0  }
0x14: {  	s2 =	sld [smem:$0x3F92];
	s0 =	simm.s32 @p1 $0x1  }
0x15: {  	[smem:$0x3FAF] =	sst s0;
	s0 =	simm.s32 @!p2 $0x0  }
0x16: {  	s3 =	sld [smem:$0x3FDB];
	s0 =	simm.s32 @p2 $0x1  }
0x17: {  	s4 =	simm.s32 $0x1BF5;
	[smem:$0x3FB1] =	sst s0  }
0x18: {  	s0 =	sld [smem:$0x3F94];
	_ =	swait.ge [sflag:s4], $0x0  }
0x19: {  	s7 =	sld [smem:$0x3F95]  }
0x1a: {  	s8 =	sadd.s32 $0xFFFFE003, lr  }
0x1b: {  	s9 =	sadd.s32 $0xFFFFFEF7, lr;
	s5 =	simm.s32 $0xFFFFFFFF;
	p2 =	slt.u32 s8, $0xFFFFF086  }
0x1c: {  	p1 =	slt.u32 s9, $0xF7A;
	s5 =	simm.s32 @!p2 $0x0  }
0x1d: {  	s5 =	simm.s32 @p1 $0x1;
	p0 =	seq.s32 s7, s2  }
0x1e: {  	s7 =	smul.u32 @!p0 $0xF7A, s2;
	p2 =	seq.s32 @!p0 s5, $0x0  }
0x1f: {  	s9 =	smul.u32 $0xF7A, s1;
	s8 =	simm.s32 @!p0 $0x1BF5;
	p2 =	por !p2, p0  }
0x20: {  	[sflag:s8] =	ssyncset.s32 @!p0 $0xFFFFF086;
	s6 =	sadd.s32 @!p0 s3, s7;
	s7 =	simm.s32 @!p0 $0x108  }
0x21: {  	s3 =	sadd.s32 s3, s9;
	s6 =	sadd.s32 @!p0 $0x88, s6;
	s7 =	simm.s32 @p2 $0x1082  }
0x22: {  	[simem:s7], [sflag:s8] =	dma.local @!p0 [hbm:s6], $0xF7A  }
0x23: {  	s9 =	sor.u32 $0xD0000000, s2;
	s6 =	simm.s32 $0x108;
	_ =	swait.ge @!p0 [sflag:s8], $0x0  }
0x24: {  	s3 =	sadd.s32 $0x88, s3;
	s6 =	simm.s32 @!p1 $0x1082;
	[sflag:s4] =	ssyncset.s32 $0xFFFFF086  }
0x25: {  	[simem:s6], [sflag:s4] =	dma.local [hbm:s3], $0xF7A  }
0x26: {  	[smem:$0x3F95] =	sst s1;
	(tag) =	ssettag s2;
	_ =	strace s9  }
0x27: {  	s1 =	sld [smem:$0x3FA5]  }
0x28: {  	s2 =	sld [smem:$0x3FA6]  }
0x29: {  	s4 =	sld [smem:$0x3FA8]  }
0x2a: {  	p0 =	seq.s32 s5, $0x0;
	s5 =	sld [smem:$0x3FA9]  }
0x2b: {  	s6 =	sld [smem:$0x3FAA]  }
0x2c: {  	s7 =	sld [smem:$0x3FAB]  }
0x2d: {  	s3 =	simm.s32 $0x108;
	s8 =	sld [smem:$0x3FAC]  }
0x2e: {  	s3 =	simm.s32 @!p0 $0x1082;
	s9 =	sld [smem:$0x3FAD]  }
0x2f: {  	lr =	sadd.s32 s0, s3;
	s0 =	sld [smem:$0x3FA4]  }
0x30: {  	s3 =	sld [smem:$0x3FA7]  }
0x31: {  	[smem:$0x3FB0] =	sst s10  }
0x32: {  	s10 =	sld [smem:$0x3FAE];
	_ =	sdelay $0x3  }
0x33: {  	p0 =	seq.s32 s10, $0x1;
	s10 =	sld [smem:$0x3FB0];
	_ =	sdelay $0x3  }
0x34: {  	[smem:$0x3FB0] =	sst s10  }
0x35: {  	s10 =	sld [smem:$0x3FAF];
	_ =	sdelay $0x3  }
0x36: {  	p1 =	seq.s32 s10, $0x1;
	s10 =	sld [smem:$0x3FB0];
	_ =	sdelay $0x3  }
0x37: {  	[smem:$0x3FB0] =	sst s10  }
0x38: {  	s10 =	sld [smem:$0x3FB1]  }
0x39: {  	_ = 	snop;
	(pc) =	sbr.ind lr, $3  }
0x3a: {  	_ = 	snop  }
0x3b: {  	_ = 	snop  }
0x3c: {  	p2 =	seq.s32 s10, $0x1;
	s10 =	sld [smem:$0x3FB0]  }
0x3d: {  	_ =	shalt  }
0x3e: {  	_ =	shalt  }
0x3f: {  	_ =	shalt  }
0x40: {  	_ =	shalt  }
0x41: {  	_ =	shalt  }
0x42: {  	_ =	shalt  }
0x43: {  	_ =	shalt  }
0x44: {  	_ =	shalt  }
0x45: {  	_ =	shalt  }
0x46: {  	_ =	shalt  }
0x47: {  	_ =	shalt  }
0x48: {  	_ =	shalt  }
0x49: {  	_ =	shalt  }
0x4a: {  	_ =	shalt  }
0x4b: {  	_ =	shalt  }
0x4c: {  	_ =	shalt  }
0x4d: {  	_ =	shalt  }
0x4e: {  	_ =	shalt  }
0x4f: {  	_ =	shalt  }
0x50: {  	_ =	shalt  }
0x51: {  	_ =	shalt  }
0x52: {  	_ =	shalt  }
0x53: {  	_ =	shalt  }
0x54: {  	_ =	shalt  }
0x55: {  	_ =	shalt  }
0x56: {  	_ =	shalt  }
0x57: {  	_ =	shalt  }
0x58: {  	_ =	shalt  }
0x59: {  	_ =	shalt  }
0x5a: {  	_ =	shalt  }
0x5b: {  	_ =	shalt  }
0x5c: {  	_ =	shalt  }
0x5d: {  	_ =	shalt  }
0x5e: {  	_ =	shalt  }
0x5f: {  	_ =	shalt  }
0x60: {  	_ =	shalt  }
0x61: {  	_ =	shalt  }
0x62: {  	_ =	shalt  }
0x63: {  	_ =	shalt  }
0x64: {  	_ =	shalt  }
0x65: {  	_ =	shalt  }
0x66: {  	_ =	shalt  }
0x67: {  	_ =	shalt  }
0x68: {  	_ =	shalt  }
0x69: {  	_ =	shalt  }
0x6a: {  	_ =	shalt  }
0x6b: {  	_ =	shalt  }
0x6c: {  	_ =	shalt  }
0x6d: {  	_ =	shalt  }
0x6e: {  	_ =	shalt  }
0x6f: {  	_ =	shalt  }
0x70: {  	_ =	shalt  }
0x71: {  	_ =	shalt  }
0x72: {  	_ =	shalt  }
0x73: {  	_ =	shalt  }
0x74: {  	_ =	shalt  }
0x75: {  	_ =	shalt  }
0x76: {  	_ =	shalt  }
0x77: {  	_ =	shalt  }
0x78: {  	_ =	shalt  }
0x79: {  	_ =	shalt  }
0x7a: {  	_ =	shalt  }
0x7b: {  	_ =	shalt  }
0x7c: {  	_ =	shalt  }
0x7d: {  	_ =	shalt  }
0x7e: {  	_ =	shalt  }
0x7f: {  	_ =	shalt  }
0x80: {  	_ =	shalt  }
0x81: {  	_ =	shalt  }
0x82: {  	_ =	shalt  }
0x83: {  	_ =	shalt  }
0x84: {  	_ =	shalt  }
0x85: {  	_ =	shalt  }
0x86: {  	_ =	shalt  }
0x87: {  	_ =	shalt  }
.Lfunc_end0:
.L_simem_size_0:
called_computation_lowered:
.L_overlay_start_0:
0x88: {  	s2 =	sld [smem:$0x3FD9]  }
0x89: {  	s3 =	sld [smem:$0x3FFE];
	_ =	sdelay $0x1  }
0x8a: {  	s1 =	srdreg.scid  }
0x8b: {  	s0 =	sand.u32 $0x1, s1  }
0x8c: {  	s16 =	sshll.u32 s0, $0xA;
	s2 =	sadd.s32 s3, s2  }
0x8d: {  	s2 =	sadd.s32 s2, s16  }
0x8e: {  	[smem:$0x3FBC] =	sst s2  }
0x8f: {  	_ = 	snop  }
0x90: {  	(tm) =	ssettm $0x1  }
0x91: {  	s17 =	sld [smem:$0x3FFB];
	_ =	sdelay $0x3  }
0x92: {  	_ =	strace s17  }
0x93: {  	s2 =	sld [smem:$0x3FFC];
	_ =	sdelay $0x3  }
0x94: {  	_ =	strace s2  }
0x95: {  	s2 =	sld [smem:$0x3FFD];
	_ =	sdelay $0x3  }
0x96: {  	_ =	strace s2  }
0x97: {  	_ =	strace $0x8FFFFFFF  }
0x98: {  	s18 =	sld [smem:$0x3FDB];
	_ =	sdelay $0x1  }
0x99: {  	s19 =	simm.s32 $_scs_section_size  }
0x9a: {  	s4 =	simm.s32 $_size__tile_overlayer_lowered;
	s5 =	simm.s32 $_tile_overlayer_lowered  }
0x9b: {  	s22 =	simm.s32 $0x1BFF;
	s21 =	sshll.u32 s5, $0x1;
	s2 =	sadd.s32 s19, s18  }
0x9c: {  	s6 =	simm.s32 $0x0;
	s20 =	sshll.u32 s4, $0x1;
	s4 =	sadd.s32 s21, s2  }
0x9d: {  	[timem:s6], [sflag:s22] =	dma.local [hbm:s4], s20  }
0x9e: {  	_ =	swait.ge [sflag:s22], s20  }
0x9f: {  	s3 =	ssub.s32 $0x0, s20;
	[sflag:s22] =	ssyncset.done $0x0  }
0xa0: {  	[sflag:s22] =	ssyncadd.s32 s3;
	_ =	sdelay $0x1  }
0xa1: {  	s23 =	simm.s32 $0x1B8B  }
0xa2: {  	_ =	swait.ge [sflag:s23], $0x1  }
0xa3: {  	[sflag:s23] =	ssyncset.done $0x0  }
0xa4: {  	s25 =	simm.s32 $0x1B8E;
	s24 =	sld [smem:$0x3FFE];
	[sflag:s23] =	ssyncadd.s32 $0xFFFFFFFF  }
0xa5: {  	s26 =	simm.s32 $execute0_lowered;
	[smem:$0x3FD2] =	sst s25  }
0xa6: {  	s4 =	sshll.u32 s26, $0x1;
	_ =	strace $0x8000004C;
	[dreg:$0x1] =	wrdreg $0xFFFFFFFF  }
0xa7: {  	s28 =	simm.s32 $_size_execute0_lowered;
	s2 =	sadd.s32 s2, s4;
	[dreg:$0x0] =	wrdreg $0x0  }
0xa8: {  	s4 =	sshll.u32 s28, $0x1;
	[dreg:$0x2] =	wrdreg s2  }
0xa9: {  	[dreg:$0x3] =	wrdreg s4  }
0xaa: {  	[dreg:$0x4] =	wrdreg $0xC0  }
0xab: {  	_ =	task [dreg:s6], $0x5FFFF  }
0xac: {  	[dreg:$0x1] =	wrdreg $0xFFFFFFFF  }
0xad: {  	[dreg:$0x0] =	wrdreg $0x60  }
0xae: {  	[dreg:$0x2] =	wrdreg s24  }
0xaf: {  	[dreg:$0x3] =	wrdreg $0x190000  }
0xb0: {  	[dreg:$0x4] =	wrdreg $0x9  }
0xb1: {  	_ =	task.clear_ibuf [dreg:s6], $0x5FFFF;
	_ =	strace $0x9000004C  }
0xb2: {  	s29 =	simm.s32 $0x9;
	_ =	strace $0x8000004E  }
0xb3: {  	_ =	swait.ge [sflag:s29], $0x1  }
0xb4: {  	[sflag:s29] =	ssyncadd.s32 $0xFFFFFFFF  }
0xb5: {  	_ =	strace $0x9000004E  }
0xb6: {  	_ =	sfence  }
0xb7: {  	s30 =	sld [smem:$0x0];
	_ =	sdelay $0x2  }
0xb8: {  	s31 =	sshll.u32 s1, $0xD;
	s1 =	sshrl.u32 s1, $0x2  }
0xb9: {  	s3 =	sand.u32 $0x4000, s31;
	s1 =	sadd.s32 s1, s30  }
0xba: {  	s0 =	sor.u32 s3, s0;
	s1 =	sshll.u32 s1, $0x11  }
0xbb: {  	s0 =	sor.u32 s1, s0  }
0xbc: {  	s0 =	sadd.s32 $0x8F2B, s0  }
0xbd: {  	[sflag:s0] =	ssyncadd.remote.s32 $0x1  }
0xbe: {  	_ =	sfence.sel $0xFFFF  }
0xbf: {  	[dreg:$0x0] =	wrdreg $0xFFFFFFFF;
	(pc) =	sbr.abs _section_cstart, $3  }
0xc0: {  	[dreg:$0x1] =	wrdreg $0xFFFFFFFF  }
0xc1: {  	_ =	task.clear_ibuf [dreg:s6], $0x2FFFF;
	_ =	strace $0x9FFFFFFF  }
0xc2: {  	(tm) =	ssettm $0x7FFFFFFF  }
0xc3: {  	_ =	shalt  }
tec
execute0_lowered:
.L_overlay_start_1:
0x0: {  	(tag) =	ssettag $0x1  }
0x1: {  	s9 =	rddreg [dreg:$0x0]  }
0x2: {  	s2 =	simm.s32 $0x0;
	s28 =	simm.s32 $0x18780;
	s4 =	sadd.s32 $0xE3EA00, s9  }
0x3: {  	s3 =	stileid.u32;
	s5 =	sadd.s32 $0xE6FA00, s9;
	s6 =	sadd.s32 $0xE57200, s9  }
0x4: {  	[smem:$0x7FF] =	sst s2;
	s7 =	sadd.s32 $0x1E000, s9;
	s10 =	sadd.s32 $0x122200, s9  }
0x5: {  	s11 =	smul.u32 $0x1880, s3;
	s12 =	sadd.s32 $0x109A00, s9;
	s8 =	sadd.s32 $0x4A00, s9  }
0x6: {  	s1 =	rddreg [dreg:$0x1];
	s14 =	sadd.s32 $0xE88200, s9;
	s15 =	sadd.s32 $0xE94600, s9  }
0x7: {  	s17 =	srdreg.scid;
	s16 =	sadd.s32 $0xEA0A00, s9;
	s18 =	sadd.s32 $0xEACE00, s9  }
0x8: {  	s29 =	simm.s32 $0x0;
	s19 =	sadd.s32 $0xEB9200, s9;
	s20 =	sadd.s32 $0xEC5600, s9  }
0x9: {  	s17 =	sand.u32 $0x1, s17;
	s21 =	sadd.s32 $0xED1A00, s9;
	s23 =	sadd.s32 $0xEDDE00, s9  }
0xa: {  	s24 =	smul.u32 $0x6200, s3;
	s31 =	sshll.u32 s3, $0x6;
	_ =	strace $0x8000004D  }
0xb: {  	s22 =	ssub.s32 $0x2, s17;
	p0 =	seq.s32 s17, $0x0;
	s17 =	simm.s32 $0xC400  }
0xc: {  	s13 =	sadd.s32 s11, s9;
	s26 =	sshrl.u32 s22, $0x1;
	s25 =	sadd.s32 s24, s1  }
0xd: {  	s30 =	sshrl.u32 s24, $0x3;
	s12 =	smov.u32 @p0 s10;
	s15 =	smov.u32 @p0 s14  }
0xe: {  	s18 =	smov.u32 @p0 s16;
	s20 =	smov.u32 @p0 s19;
	s23 =	smov.u32 @p0 s21  }
0xf: {  	s16 =	simm.s32 $0x3;
	s21 =	simm.s32 $0x18800;
	s24 =	simm.s32 $0x2  }
0x10: {  	s22 =	ssub.s32 s22, s26;
	s9 =	sadd.s32 $0x5800, s13;
	s11 =	sadd.s32 s12, s11  }
0x11: {  	s12 =	sadd.s32 s15, s30;
	s13 =	sadd.s32 s18, s30;
	s14 =	sadd.s32 s20, s30  }
0x12: {  	s15 =	sadd.s32 s23, s30;
	s18 =	sor.u32 $0x1C03, s31;
	s19 =	sshrl.u32 s25, $0x3  }
0x13: {  	s20 =	simm.s32 $0x80;
	s23 =	simm.s32 $0x18C00;
	s25 =	simm.s32 $0xC380  }
0x14: {  	s26 =	simm.s32 $0x18700;
	s10 =	smax.u32 s22, $0x1;
	s22 =	simm.s32 $0x1  }
.LBB2_1:
0x15: {  	[tilespmem:s2], [sflag:$0x3] =	stream.linear.gather [hbm4b:s11+s2], $0xC400, $0x38;
	[tilespmem:$0x1F200] =	vst v63  }
0x16: {  	_ =	swait.ge [sflag:s16], $0xC400  }
0x17: {  	[sflag:s16] =	ssyncset.done $0x0  }
0x18: {  	[sflag:s16] =	ssyncadd.s32 $0xFFFF3C00  }
0x19: {  	[tilespmem:s17], [sflag:$0x3] =	stream.linear.gather [hbm4b:s9+s2], $0xC400, $0x38;
	[tilespmem:$0x1F200] =	vst v63  }
0x1a: {  	_ =	swait.ge [sflag:s16], $0xC400  }
0x1b: {  	[sflag:s16] =	ssyncset.done $0x0  }
0x1c: {  	[sflag:s16] =	ssyncadd.s32 $0xFFFF3C00  }
0x1d: {  	[spmem:s19], [sflag:s18] =	dma.local [hbm:s8], $0xC40  }
0x1e: {  	_ =	swait.ge [sflag:s16], $0xC40  }
0x1f: {  	[sflag:s16] =	ssyncset.done $0x0  }
0x20: {  	[sflag:s16] =	ssyncadd.s32 $0xFFFFF3C0  }
0x21: {  	[bflag:$0x0] =	sbarrier.arrive $0xFFFF  }
0x22: {  	[tilespmem:s21], [sflag:$0x1] =	stream.indirect.gather [hbm4b:s4+s20], $0x8, s2, s20, $0xb8;
	[tilespmem:$0x1F200] =	vst v63  }
0x23: {  	_ =	swait.ge [sflag:s22], $0x400  }
0x24: {  	[sflag:s22] =	ssyncset.done $0x0  }
0x25: {  	s30 =	simm.s32 $0x80;
	[sflag:s22] =	ssyncadd.s32 $0xFFFFFC00  }
0x26: {  	[tilespmem:s23], [sflag:$0x2] =	stream.indirect.gather [hbm4b:s4+s20], $0x8, s30, s20, $0xb8;
	[tilespmem:$0x1F200] =	vst v63  }
0x27: {  	s30 =	simm.s32 $0xC400  }
0x28: {  	[spmem:s1] =	stream.indirect.scatter.add.f32 [tilespmem:s21], [sflag:$0x3], $0x8, s30, s20, $0xb8;
	[tilespmem:$0x1F200] =	vst v63  }
0x29: {  	_ =	swait.ge [sflag:s16], $0x400  }
0x2a: {  	[sflag:s16] =	ssyncset.done $0x0  }
0x2b: {  	[sflag:s16] =	ssyncadd.s32 $0xFFFFFC00  }
0x2c: {  	_ =	swait.ge [sflag:s24], $0x400  }
0x2d: {  	[sflag:s24] =	ssyncset.done $0x0  }
0x2e: {  	s30 =	simm.s32 $0x100;
	[sflag:s24] =	ssyncadd.s32 $0xFFFFFC00  }
0x2f: {  	[tilespmem:s21], [sflag:$0x1] =	stream.indirect.gather [hbm4b:s4+s20], $0x8, s30, s20, $0xb8;
	[tilespmem:$0x1F200] =	vst v63  }
0x30: {  	s30 =	simm.s32 $0xC480  }
0x31: {  	[spmem:s1] =	stream.indirect.scatter.add.f32 [tilespmem:s23], [sflag:$0x3], $0x8, s30, s20, $0xb8;
	[tilespmem:$0x1F200] =	vst v63  }
0x32: {  	_ =	swait.ge [sflag:s16], $0x400  }
0x33: {  	s30 =	simm.s32 $0x400;
	[sflag:s16] =	ssyncset.done $0x0  }
.LBB2_2:
0x34: {  	p0 =	sne.s32 s30, $0x30800  }
0x35: {  	[sflag:s16] =	ssyncadd.s32 $0xFFFFFC00;
	s31 =	smov.u32 s30;
	s30 =	sadd.s32 $0x400, s30  }
0x36: {  	_ = 	snop  }
0x37: {  	_ =	swait.ge [sflag:s22], $0x400  }
0x38: {  	s31 =	sshra.s32 s31, $0x2;
	[sflag:s22] =	ssyncset.done $0x0  }
0x39: {  	s0 =	sadd.s32 $0x80, s31;
	[sflag:s22] =	ssyncadd.s32 $0xFFFFFC00  }
0x3a: {  	[tilespmem:s23], [sflag:$0x2] =	stream.indirect.gather [hbm4b:s4+s20], $0x8, s0, s20, $0xb8;
	[tilespmem:$0x1F200] =	vst v63  }
0x3b: {  	s0 =	sadd.s32 $0xC400, s31  }
0x3c: {  	[spmem:s1] =	stream.indirect.scatter.add.f32 [tilespmem:s21], [sflag:$0x3], $0x8, s0, s20, $0xb8;
	[tilespmem:$0x1F200] =	vst v63  }
0x3d: {  	_ =	swait.ge [sflag:s16], $0x400  }
0x3e: {  	[sflag:s16] =	ssyncset.done $0x0  }
0x3f: {  	[sflag:s16] =	ssyncadd.s32 $0xFFFFFC00  }
0x40: {  	_ =	swait.ge [sflag:s24], $0x400  }
0x41: {  	[sflag:s24] =	ssyncset.done $0x0  }
0x42: {  	s0 =	sadd.s32 $0x100, s31;
	[sflag:s24] =	ssyncadd.s32 $0xFFFFFC00  }
0x43: {  	[tilespmem:s21], [sflag:$0x1] =	stream.indirect.gather [hbm4b:s4+s20], $0x8, s0, s20, $0xb8;
	[tilespmem:$0x1F200] =	vst v63  }
.Ltmp0:
0x44: {  	_ = 	snop;
	(pc) =	sbr.rel @p0 .LBB2_2-.Ltmp0, $4  }
0x45: {  	s0 =	sadd.s32 $0xC480, s31  }
0x46: {  	[spmem:s1] =	stream.indirect.scatter.add.f32 [tilespmem:s23], [sflag:$0x3], $0x8, s0, s20, $0xb8;
	[tilespmem:$0x1F200] =	vst v63  }
0x47: {  	_ =	swait.ge [sflag:s16], $0x400  }
0x48: {  	[sflag:s16] =	ssyncset.done $0x0  }
0x49: {  	[sflag:s16] =	ssyncadd.s32 $0xFFFFFC00  }
0x4a: {  	_ =	swait.ge [sflag:s22], $0x400  }
0x4b: {  	[sflag:s22] =	ssyncset.done $0x0  }
0x4c: {  	[sflag:s22] =	ssyncadd.s32 $0xFFFFFC00  }
0x4d: {  	[tilespmem:s23], [sflag:$0x2] =	stream.indirect.gather [hbm4b:s4+s20], $0x8, s25, s20, $0xb8;
	[tilespmem:$0x1F200] =	vst v63  }
0x4e: {  	_ = 	snop  }
0x4f: {  	[spmem:s1] =	stream.indirect.scatter.add.f32 [tilespmem:s21], [sflag:$0x3], $0x8, s26, s20, $0xb8;
	[tilespmem:$0x1F200] =	vst v63  }
0x50: {  	_ =	swait.ge [sflag:s16], $0x400  }
0x51: {  	[sflag:s16] =	ssyncset.done $0x0  }
0x52: {  	[sflag:s16] =	ssyncadd.s32 $0xFFFFFC00  }
0x53: {  	_ =	swait.ge [sflag:s24], $0x400  }
0x54: {  	[sflag:s24] =	ssyncset.done $0x0  }
0x55: {  	[sflag:s24] =	ssyncadd.s32 $0xFFFFFC00  }
0x56: {  	[tilespmem:s21], [sflag:$0x1] =	stream.indirect.gather [hbm4b:s4+s20], $0x8, s25, s20, $0xb8;
	[tilespmem:$0x1F200] =	vst v63  }
0x57: {  	_ = 	snop  }
0x58: {  	[spmem:s1] =	stream.indirect.scatter.add.f32 [tilespmem:s23], [sflag:$0x3], $0x8, s28, s20, $0xb8;
	[tilespmem:$0x1F200] =	vst v63  }
0x59: {  	_ =	swait.ge [sflag:s16], $0x400  }
0x5a: {  	[sflag:s16] =	ssyncset.done $0x0  }
0x5b: {  	[sflag:s16] =	ssyncadd.s32 $0xFFFFFC00  }
0x5c: {  	_ =	swait.ge [sflag:s22], $0x400  }
0x5d: {  	[sflag:s22] =	ssyncset.done $0x0  }
0x5e: {  	[sflag:s22] =	ssyncadd.s32 $0xFFFFFC00  }
0x5f: {  	[bflag:$0x0] =	sbarrier.arrive $0xFFFF  }
0x60: {  	[hbm:s12], [sflag:s18] =	dma.local [spmem:s19], $0xC40  }
0x61: {  	_ =	swait.ge [sflag:s16], $0xC40  }
0x62: {  	[sflag:s16] =	ssyncset.done $0x0  }
0x63: {  	[sflag:s16] =	ssyncadd.s32 $0xFFFFF3C0  }
0x64: {  	[spmem:s19], [sflag:s18] =	dma.local [hbm:s8], $0xC40  }
0x65: {  	_ =	swait.ge [sflag:s16], $0xC40  }
0x66: {  	[sflag:s16] =	ssyncset.done $0x0  }
0x67: {  	[sflag:s16] =	ssyncadd.s32 $0xFFFFF3C0  }
0x68: {  	s0 =	simm.s32 $0x0;
	[bflag:$0x0] =	sbarrier.arrive $0xFFFF  }
0x69: {  	[tilespmem:s21], [sflag:$0x1] =	stream.indirect.gather [hbm4b:s5+s20], $0x8, s0, s20, $0xb8;
	[tilespmem:$0x1F200] =	vst v63  }
0x6a: {  	_ =	swait.ge [sflag:s22], $0x400  }
0x6b: {  	[sflag:s22] =	ssyncset.done $0x0  }
0x6c: {  	s31 =	simm.s32 $0x80;
	[sflag:s22] =	ssyncadd.s32 $0xFFFFFC00  }
0x6d: {  	[tilespmem:s23], [sflag:$0x2] =	stream.indirect.gather [hbm4b:s5+s20], $0x8, s31, s20, $0xb8;
	[tilespmem:$0x1F200] =	vst v63  }
0x6e: {  	s31 =	simm.s32 $0xC400  }
0x6f: {  	[spmem:s1] =	stream.indirect.scatter.add.f32 [tilespmem:s21], [sflag:$0x3], $0x8, s31, s20, $0xb8;
	[tilespmem:$0x1F200] =	vst v63  }
0x70: {  	_ =	swait.ge [sflag:s16], $0x400  }
0x71: {  	[sflag:s16] =	ssyncset.done $0x0  }
0x72: {  	[sflag:s16] =	ssyncadd.s32 $0xFFFFFC00  }
0x73: {  	_ =	swait.ge [sflag:s24], $0x400  }
0x74: {  	[sflag:s24] =	ssyncset.done $0x0  }
0x75: {  	s31 =	simm.s32 $0x100;
	[sflag:s24] =	ssyncadd.s32 $0xFFFFFC00  }
0x76: {  	[tilespmem:s21], [sflag:$0x1] =	stream.indirect.gather [hbm4b:s5+s20], $0x8, s31, s20, $0xb8;
	[tilespmem:$0x1F200] =	vst v63  }
0x77: {  	s31 =	simm.s32 $0xC480  }
0x78: {  	[spmem:s1] =	stream.indirect.scatter.add.f32 [tilespmem:s23], [sflag:$0x3], $0x8, s31, s20, $0xb8;
	[tilespmem:$0x1F200] =	vst v63  }
0x79: {  	_ =	swait.ge [sflag:s16], $0x400  }
0x7a: {  	s30 =	simm.s32 $0x400;
	[sflag:s16] =	ssyncset.done $0x0  }
.LBB2_4:
0x7b: {  	p0 =	sne.s32 s30, $0x30800  }
0x7c: {  	[sflag:s16] =	ssyncadd.s32 $0xFFFFFC00;
	s0 =	smov.u32 s30;
	s30 =	sadd.s32 $0x400, s30  }
0x7d: {  	_ = 	snop  }
0x7e: {  	_ =	swait.ge [sflag:s22], $0x400  }
0x7f: {  	s0 =	sshra.s32 s0, $0x2;
	[sflag:s22] =	ssyncset.done $0x0  }
0x80: {  	s31 =	sadd.s32 $0x80, s0;
	[sflag:s22] =	ssyncadd.s32 $0xFFFFFC00  }
0x81: {  	[tilespmem:s23], [sflag:$0x2] =	stream.indirect.gather [hbm4b:s5+s20], $0x8, s31, s20, $0xb8;
	[tilespmem:$0x1F200] =	vst v63  }
0x82: {  	s31 =	sadd.s32 $0xC400, s0  }
0x83: {  	[spmem:s1] =	stream.indirect.scatter.add.f32 [tilespmem:s21], [sflag:$0x3], $0x8, s31, s20, $0xb8;
	[tilespmem:$0x1F200] =	vst v63  }
0x84: {  	_ =	swait.ge [sflag:s16], $0x400  }
0x85: {  	[sflag:s16] =	ssyncset.done $0x0  }
0x86: {  	[sflag:s16] =	ssyncadd.s32 $0xFFFFFC00  }
0x87: {  	_ =	swait.ge [sflag:s24], $0x400  }
0x88: {  	[sflag:s24] =	ssyncset.done $0x0  }
0x89: {  	s31 =	sadd.s32 $0x100, s0;
	[sflag:s24] =	ssyncadd.s32 $0xFFFFFC00  }
0x8a: {  	[tilespmem:s21], [sflag:$0x1] =	stream.indirect.gather [hbm4b:s5+s20], $0x8, s31, s20, $0xb8;
	[tilespmem:$0x1F200] =	vst v63  }
.Ltmp1:
0x8b: {  	_ = 	snop;
	(pc) =	sbr.rel @p0 .LBB2_4-.Ltmp1, $4  }
0x8c: {  	s0 =	sadd.s32 $0xC480, s0  }
0x8d: {  	[spmem:s1] =	stream.indirect.scatter.add.f32 [tilespmem:s23], [sflag:$0x3], $0x8, s0, s20, $0xb8;
	[tilespmem:$0x1F200] =	vst v63  }
0x8e: {  	_ =	swait.ge [sflag:s16], $0x400  }
0x8f: {  	[sflag:s16] =	ssyncset.done $0x0  }
0x90: {  	[sflag:s16] =	ssyncadd.s32 $0xFFFFFC00  }
0x91: {  	_ =	swait.ge [sflag:s22], $0x400  }
0x92: {  	[sflag:s22] =	ssyncset.done $0x0  }
0x93: {  	[sflag:s22] =	ssyncadd.s32 $0xFFFFFC00  }
0x94: {  	[tilespmem:s23], [sflag:$0x2] =	stream.indirect.gather [hbm4b:s5+s20], $0x8, s25, s20, $0xb8;
	[tilespmem:$0x1F200] =	vst v63  }
0x95: {  	_ = 	snop  }
0x96: {  	[spmem:s1] =	stream.indirect.scatter.add.f32 [tilespmem:s21], [sflag:$0x3], $0x8, s26, s20, $0xb8;
	[tilespmem:$0x1F200] =	vst v63  }
0x97: {  	_ =	swait.ge [sflag:s16], $0x400  }
0x98: {  	[sflag:s16] =	ssyncset.done $0x0  }
0x99: {  	[sflag:s16] =	ssyncadd.s32 $0xFFFFFC00  }
0x9a: {  	_ =	swait.ge [sflag:s24], $0x400  }
0x9b: {  	[sflag:s24] =	ssyncset.done $0x0  }
0x9c: {  	[sflag:s24] =	ssyncadd.s32 $0xFFFFFC00  }
0x9d: {  	[tilespmem:s21], [sflag:$0x1] =	stream.indirect.gather [hbm4b:s5+s20], $0x8, s25, s20, $0xb8;
	[tilespmem:$0x1F200] =	vst v63  }
0x9e: {  	_ = 	snop  }
0x9f: {  	[spmem:s1] =	stream.indirect.scatter.add.f32 [tilespmem:s23], [sflag:$0x3], $0x8, s28, s20, $0xb8;
	[tilespmem:$0x1F200] =	vst v63  }
0xa0: {  	_ =	swait.ge [sflag:s16], $0x400  }
0xa1: {  	[sflag:s16] =	ssyncset.done $0x0  }
0xa2: {  	[sflag:s16] =	ssyncadd.s32 $0xFFFFFC00  }
0xa3: {  	_ =	swait.ge [sflag:s22], $0x400  }
0xa4: {  	[sflag:s22] =	ssyncset.done $0x0  }
0xa5: {  	[sflag:s22] =	ssyncadd.s32 $0xFFFFFC00  }
0xa6: {  	[bflag:$0x0] =	sbarrier.arrive $0xFFFF  }
0xa7: {  	[hbm:s13], [sflag:s18] =	dma.local [spmem:s19], $0xC40  }
0xa8: {  	_ =	swait.ge [sflag:s16], $0xC40  }
0xa9: {  	[sflag:s16] =	ssyncset.done $0x0  }
0xaa: {  	[sflag:s16] =	ssyncadd.s32 $0xFFFFF3C0  }
0xab: {  	[spmem:s19], [sflag:s18] =	dma.local [hbm:s8], $0xC40  }
0xac: {  	_ =	swait.ge [sflag:s16], $0xC40  }
0xad: {  	[sflag:s16] =	ssyncset.done $0x0  }
0xae: {  	[sflag:s16] =	ssyncadd.s32 $0xFFFFF3C0  }
0xaf: {  	s0 =	simm.s32 $0x0;
	[bflag:$0x0] =	sbarrier.arrive $0xFFFF  }
0xb0: {  	[tilespmem:s21], [sflag:$0x1] =	stream.indirect.gather [hbm4b:s6+s20], $0x8, s0, s20, $0xb8;
	[tilespmem:$0x1F200] =	vst v63  }
0xb1: {  	_ =	swait.ge [sflag:s22], $0x400  }
0xb2: {  	[sflag:s22] =	ssyncset.done $0x0  }
0xb3: {  	s31 =	simm.s32 $0x80;
	[sflag:s22] =	ssyncadd.s32 $0xFFFFFC00  }
0xb4: {  	[tilespmem:s23], [sflag:$0x2] =	stream.indirect.gather [hbm4b:s6+s20], $0x8, s31, s20, $0xb8;
	[tilespmem:$0x1F200] =	vst v63  }
0xb5: {  	s31 =	simm.s32 $0xC400  }
0xb6: {  	[spmem:s1] =	stream.indirect.scatter.add.f32 [tilespmem:s21], [sflag:$0x3], $0x8, s31, s20, $0xb8;
	[tilespmem:$0x1F200] =	vst v63  }
0xb7: {  	_ =	swait.ge [sflag:s16], $0x400  }
0xb8: {  	[sflag:s16] =	ssyncset.done $0x0  }
0xb9: {  	[sflag:s16] =	ssyncadd.s32 $0xFFFFFC00  }
0xba: {  	_ =	swait.ge [sflag:s24], $0x400  }
0xbb: {  	[sflag:s24] =	ssyncset.done $0x0  }
0xbc: {  	s31 =	simm.s32 $0x100;
	[sflag:s24] =	ssyncadd.s32 $0xFFFFFC00  }
0xbd: {  	[tilespmem:s21], [sflag:$0x1] =	stream.indirect.gather [hbm4b:s6+s20], $0x8, s31, s20, $0xb8;
	[tilespmem:$0x1F200] =	vst v63  }
0xbe: {  	s31 =	simm.s32 $0xC480  }
0xbf: {  	[spmem:s1] =	stream.indirect.scatter.add.f32 [tilespmem:s23], [sflag:$0x3], $0x8, s31, s20, $0xb8;
	[tilespmem:$0x1F200] =	vst v63  }
0xc0: {  	_ =	swait.ge [sflag:s16], $0x400  }
0xc1: {  	s30 =	simm.s32 $0x400;
	[sflag:s16] =	ssyncset.done $0x0  }
.LBB2_6:
0xc2: {  	p0 =	sne.s32 s30, $0x30800  }
0xc3: {  	[sflag:s16] =	ssyncadd.s32 $0xFFFFFC00;
	s0 =	smov.u32 s30;
	s30 =	sadd.s32 $0x400, s30  }
0xc4: {  	_ = 	snop  }
0xc5: {  	_ =	swait.ge [sflag:s22], $0x400  }
0xc6: {  	s0 =	sshra.s32 s0, $0x2;
	[sflag:s22] =	ssyncset.done $0x0  }
0xc7: {  	s31 =	sadd.s32 $0x80, s0;
	[sflag:s22] =	ssyncadd.s32 $0xFFFFFC00  }
0xc8: {  	[tilespmem:s23], [sflag:$0x2] =	stream.indirect.gather [hbm4b:s6+s20], $0x8, s31, s20, $0xb8;
	[tilespmem:$0x1F200] =	vst v63  }
0xc9: {  	s31 =	sadd.s32 $0xC400, s0  }
0xca: {  	[spmem:s1] =	stream.indirect.scatter.add.f32 [tilespmem:s21], [sflag:$0x3], $0x8, s31, s20, $0xb8;
	[tilespmem:$0x1F200] =	vst v63  }
0xcb: {  	_ =	swait.ge [sflag:s16], $0x400  }
0xcc: {  	[sflag:s16] =	ssyncset.done $0x0  }
0xcd: {  	[sflag:s16] =	ssyncadd.s32 $0xFFFFFC00  }
0xce: {  	_ =	swait.ge [sflag:s24], $0x400  }
0xcf: {  	[sflag:s24] =	ssyncset.done $0x0  }
0xd0: {  	s31 =	sadd.s32 $0x100, s0;
	[sflag:s24] =	ssyncadd.s32 $0xFFFFFC00  }
0xd1: {  	[tilespmem:s21], [sflag:$0x1] =	stream.indirect.gather [hbm4b:s6+s20], $0x8, s31, s20, $0xb8;
	[tilespmem:$0x1F200] =	vst v63  }
.Ltmp2:
0xd2: {  	_ = 	snop;
	(pc) =	sbr.rel @p0 .LBB2_6-.Ltmp2, $4  }
0xd3: {  	s0 =	sadd.s32 $0xC480, s0  }
0xd4: {  	[spmem:s1] =	stream.indirect.scatter.add.f32 [tilespmem:s23], [sflag:$0x3], $0x8, s0, s20, $0xb8;
	[tilespmem:$0x1F200] =	vst v63  }
0xd5: {  	_ =	swait.ge [sflag:s16], $0x400  }
0xd6: {  	[sflag:s16] =	ssyncset.done $0x0  }
0xd7: {  	[sflag:s16] =	ssyncadd.s32 $0xFFFFFC00  }
0xd8: {  	_ =	swait.ge [sflag:s22], $0x400  }
0xd9: {  	[sflag:s22] =	ssyncset.done $0x0  }
0xda: {  	[sflag:s22] =	ssyncadd.s32 $0xFFFFFC00  }
0xdb: {  	[tilespmem:s23], [sflag:$0x2] =	stream.indirect.gather [hbm4b:s6+s20], $0x8, s25, s20, $0xb8;
	[tilespmem:$0x1F200] =	vst v63  }
0xdc: {  	_ = 	snop  }
0xdd: {  	[spmem:s1] =	stream.indirect.scatter.add.f32 [tilespmem:s21], [sflag:$0x3], $0x8, s26, s20, $0xb8;
	[tilespmem:$0x1F200] =	vst v63  }
0xde: {  	_ =	swait.ge [sflag:s16], $0x400  }
0xdf: {  	[sflag:s16] =	ssyncset.done $0x0  }
0xe0: {  	[sflag:s16] =	ssyncadd.s32 $0xFFFFFC00  }
0xe1: {  	_ =	swait.ge [sflag:s24], $0x400  }
0xe2: {  	[sflag:s24] =	ssyncset.done $0x0  }
0xe3: {  	[sflag:s24] =	ssyncadd.s32 $0xFFFFFC00  }
0xe4: {  	[tilespmem:s21], [sflag:$0x1] =	stream.indirect.gather [hbm4b:s6+s20], $0x8, s25, s20, $0xb8;
	[tilespmem:$0x1F200] =	vst v63  }
0xe5: {  	_ = 	snop  }
0xe6: {  	[spmem:s1] =	stream.indirect.scatter.add.f32 [tilespmem:s23], [sflag:$0x3], $0x8, s28, s20, $0xb8;
	[tilespmem:$0x1F200] =	vst v63  }
0xe7: {  	_ =	swait.ge [sflag:s16], $0x400  }
0xe8: {  	[sflag:s16] =	ssyncset.done $0x0  }
0xe9: {  	[sflag:s16] =	ssyncadd.s32 $0xFFFFFC00  }
0xea: {  	_ =	swait.ge [sflag:s22], $0x400  }
0xeb: {  	[sflag:s22] =	ssyncset.done $0x0  }
0xec: {  	[sflag:s22] =	ssyncadd.s32 $0xFFFFFC00  }
0xed: {  	[bflag:$0x0] =	sbarrier.arrive $0xFFFF  }
0xee: {  	[hbm:s14], [sflag:s18] =	dma.local [spmem:s19], $0xC40  }
0xef: {  	_ =	swait.ge [sflag:s16], $0xC40  }
0xf0: {  	[sflag:s16] =	ssyncset.done $0x0  }
0xf1: {  	[sflag:s16] =	ssyncadd.s32 $0xFFFFF3C0  }
0xf2: {  	[spmem:s19], [sflag:s18] =	dma.local [hbm:s8], $0xC40  }
0xf3: {  	_ =	swait.ge [sflag:s16], $0xC40  }
0xf4: {  	[sflag:s16] =	ssyncset.done $0x0  }
0xf5: {  	[sflag:s16] =	ssyncadd.s32 $0xFFFFF3C0  }
0xf6: {  	s0 =	simm.s32 $0x0;
	[bflag:$0x0] =	sbarrier.arrive $0xFFFF  }
0xf7: {  	[tilespmem:s21], [sflag:$0x1] =	stream.indirect.gather [hbm4b:s7+s20], $0x8, s0, s20, $0xb8;
	[tilespmem:$0x1F200] =	vst v63  }
0xf8: {  	_ =	swait.ge [sflag:s22], $0x400  }
0xf9: {  	[sflag:s22] =	ssyncset.done $0x0  }
0xfa: {  	s31 =	simm.s32 $0x80;
	[sflag:s22] =	ssyncadd.s32 $0xFFFFFC00  }
0xfb: {  	[tilespmem:s23], [sflag:$0x2] =	stream.indirect.gather [hbm4b:s7+s20], $0x8, s31, s20, $0xb8;
	[tilespmem:$0x1F200] =	vst v63  }
0xfc: {  	s31 =	simm.s32 $0xC400  }
0xfd: {  	[spmem:s1] =	stream.indirect.scatter.add.f32 [tilespmem:s21], [sflag:$0x3], $0x8, s31, s20, $0xb8;
	[tilespmem:$0x1F200] =	vst v63  }
0xfe: {  	_ =	swait.ge [sflag:s16], $0x400  }
0xff: {  	[sflag:s16] =	ssyncset.done $0x0  }
0x100: {  	[sflag:s16] =	ssyncadd.s32 $0xFFFFFC00  }
0x101: {  	_ =	swait.ge [sflag:s24], $0x400  }
0x102: {  	[sflag:s24] =	ssyncset.done $0x0  }
0x103: {  	s31 =	simm.s32 $0x100;
	[sflag:s24] =	ssyncadd.s32 $0xFFFFFC00  }
0x104: {  	[tilespmem:s21], [sflag:$0x1] =	stream.indirect.gather [hbm4b:s7+s20], $0x8, s31, s20, $0xb8;
	[tilespmem:$0x1F200] =	vst v63  }
0x105: {  	s31 =	simm.s32 $0xC480  }
0x106: {  	[spmem:s1] =	stream.indirect.scatter.add.f32 [tilespmem:s23], [sflag:$0x3], $0x8, s31, s20, $0xb8;
	[tilespmem:$0x1F200] =	vst v63  }
0x107: {  	_ =	swait.ge [sflag:s16], $0x400  }
0x108: {  	s30 =	simm.s32 $0x400;
	[sflag:s16] =	ssyncset.done $0x0  }
.LBB2_8:
0x109: {  	p0 =	sne.s32 s30, $0x30800  }
0x10a: {  	[sflag:s16] =	ssyncadd.s32 $0xFFFFFC00;
	s0 =	smov.u32 s30;
	s30 =	sadd.s32 $0x400, s30  }
0x10b: {  	_ = 	snop  }
0x10c: {  	_ =	swait.ge [sflag:s22], $0x400  }
0x10d: {  	s0 =	sshra.s32 s0, $0x2;
	[sflag:s22] =	ssyncset.done $0x0  }
0x10e: {  	s31 =	sadd.s32 $0x80, s0;
	[sflag:s22] =	ssyncadd.s32 $0xFFFFFC00  }
0x10f: {  	[tilespmem:s23], [sflag:$0x2] =	stream.indirect.gather [hbm4b:s7+s20], $0x8, s31, s20, $0xb8;
	[tilespmem:$0x1F200] =	vst v63  }
0x110: {  	s31 =	sadd.s32 $0xC400, s0  }
0x111: {  	[spmem:s1] =	stream.indirect.scatter.add.f32 [tilespmem:s21], [sflag:$0x3], $0x8, s31, s20, $0xb8;
	[tilespmem:$0x1F200] =	vst v63  }
0x112: {  	_ =	swait.ge [sflag:s16], $0x400  }
0x113: {  	[sflag:s16] =	ssyncset.done $0x0  }
0x114: {  	[sflag:s16] =	ssyncadd.s32 $0xFFFFFC00  }
0x115: {  	_ =	swait.ge [sflag:s24], $0x400  }
0x116: {  	[sflag:s24] =	ssyncset.done $0x0  }
0x117: {  	s31 =	sadd.s32 $0x100, s0;
	[sflag:s24] =	ssyncadd.s32 $0xFFFFFC00  }
0x118: {  	[tilespmem:s21], [sflag:$0x1] =	stream.indirect.gather [hbm4b:s7+s20], $0x8, s31, s20, $0xb8;
	[tilespmem:$0x1F200] =	vst v63  }
.Ltmp3:
0x119: {  	_ = 	snop;
	(pc) =	sbr.rel @p0 .LBB2_8-.Ltmp3, $4  }
0x11a: {  	s0 =	sadd.s32 $0xC480, s0  }
0x11b: {  	[spmem:s1] =	stream.indirect.scatter.add.f32 [tilespmem:s23], [sflag:$0x3], $0x8, s0, s20, $0xb8;
	[tilespmem:$0x1F200] =	vst v63  }
0x11c: {  	_ =	swait.ge [sflag:s16], $0x400  }
0x11d: {  	[sflag:s16] =	ssyncset.done $0x0  }
0x11e: {  	[sflag:s16] =	ssyncadd.s32 $0xFFFFFC00  }
0x11f: {  	_ =	swait.ge [sflag:s22], $0x400  }
0x120: {  	[sflag:s22] =	ssyncset.done $0x0  }
0x121: {  	[sflag:s22] =	ssyncadd.s32 $0xFFFFFC00  }
0x122: {  	[tilespmem:s23], [sflag:$0x2] =	stream.indirect.gather [hbm4b:s7+s20], $0x8, s25, s20, $0xb8;
	[tilespmem:$0x1F200] =	vst v63  }
0x123: {  	_ = 	snop  }
0x124: {  	[spmem:s1] =	stream.indirect.scatter.add.f32 [tilespmem:s21], [sflag:$0x3], $0x8, s26, s20, $0xb8;
	[tilespmem:$0x1F200] =	vst v63  }
0x125: {  	_ =	swait.ge [sflag:s16], $0x400  }
0x126: {  	[sflag:s16] =	ssyncset.done $0x0  }
0x127: {  	[sflag:s16] =	ssyncadd.s32 $0xFFFFFC00  }
0x128: {  	_ =	swait.ge [sflag:s24], $0x400  }
0x129: {  	[sflag:s24] =	ssyncset.done $0x0  }
0x12a: {  	[sflag:s24] =	ssyncadd.s32 $0xFFFFFC00  }
0x12b: {  	[tilespmem:s21], [sflag:$0x1] =	stream.indirect.gather [hbm4b:s7+s20], $0x8, s25, s20, $0xb8;
	[tilespmem:$0x1F200] =	vst v63  }
0x12c: {  	_ = 	snop  }
0x12d: {  	[spmem:s1] =	stream.indirect.scatter.add.f32 [tilespmem:s23], [sflag:$0x3], $0x8, s28, s20, $0xb8;
	[tilespmem:$0x1F200] =	vst v63  }
0x12e: {  	_ =	swait.ge [sflag:s16], $0x400  }
0x12f: {  	[sflag:s16] =	ssyncset.done $0x0  }
0x130: {  	[sflag:s16] =	ssyncadd.s32 $0xFFFFFC00  }
0x131: {  	_ =	swait.ge [sflag:s22], $0x400  }
0x132: {  	s29 =	sadd.s32 $0x1, s29;
	[sflag:s22] =	ssyncset.done $0x0  }
0x133: {  	p0 =	sne.s32 s29, s10;
	[sflag:s22] =	ssyncadd.s32 $0xFFFFFC00  }
.Ltmp4:
0x134: {  	[bflag:$0x0] =	sbarrier.arrive $0xFFFF;
	(pc) =	sbr.rel @p0 .LBB2_1-.Ltmp4, $4  }
0x135: {  	[hbm:s15], [sflag:s18] =	dma.local [spmem:s19], $0xC40  }
0x136: {  	_ =	swait.ge [sflag:s16], $0xC40  }
0x137: {  	[sflag:s16] =	ssyncset.done $0x0  }
0x138: {  	[sflag:s16] =	ssyncadd.s32 $0xFFFFF3C0  }
0x139: {  	_ =	sfence.sel $0x180000  }
0x13a: {  	[bflag:$0x0] =	sbarrier.arrive $0xFFFF  }
0x13b: {  	_ =	strace $0x9000004D  }
0x13c: {  	[bflag:$0x2] =	sbarrier.arrive $0xFFFF  }
0x13d: {  	p0 =	sne.s32 s3, $0x0;
	s0 =	rddreg [dreg:$0x2]  }
0x13e: {  	s0 =	sadd.s32 @!p0 $0x100000, s0  }
0x13f: {  	[sflag:s0] =	ssyncadd.tile.s32 @!p0 $0x1;
	_ =	shalt  }
.Lfunc_end2:
_tile_overlayer_lowered:
.L_overlay_start_2:
0x140: {  	(tag) =	ssettag $0x2  }
0x141: {  	s0 =	rddreg [dreg:$0x0];
	s2 =	stileid.u32  }
0x142: {  	s1 =	rddreg [dreg:$0x1];
	p0 =	sne.s32 s2, $0x0  }
0x143: {  	s3 =	rddreg [dreg:$0x2];
	[bflag:$0x3] =	sbarrier.arrive $0xFFFF;
	s2 =	simm.s32 @!p0 $0x1C03  }
0x144: {  	[timem:s3], [sflag:s2] =	dma.local @!p0 [hbm:s0], s1  }
0x145: {  	s0 =	simm.s32 @!p0 $0x3  }
0x146: {  	_ =	swait.ge @!p0 [sflag:s0], s1  }
0x147: {  	s1 =	ssub.s32 @!p0 $0x0, s1;
	[sflag:s0] =	ssyncset.done @!p0 $0x0  }
0x148: {  	[sflag:s0] =	ssyncadd.s32 @!p0 s1  }
0x149: {  	[bflag:$0x3] =	sbarrier.arrive $0xFFFF  }
0x14a: {  	_ =	shalt  }

// kernel: kernel.6.cloned.1.call-start
scs
__scs_entry_jumppad:
0x0: {  	(pc) =	sbr.rel $0x88, $3  }
0x1: {  	(tag) =	ssettag $0x0;
	lr =	simm.s32 $0x1  }
0x2: {  	[smem:$0x3F95] =	sst lr;
	_ =	strace $0xD0000000  }
0x3: {  	_ = 	snop  }
0x4: {  	_ = 	snop  }
0x5: {  	_ = 	snop  }
0x6: {  	_ = 	snop  }
0x7: {  	_ = 	snop  }
__scs_overlays_trampoline_lowered:
0x8: {  	[smem:$0x3FA4] =	sst s0  }
0x9: {  	[smem:$0x3FA5] =	sst s1  }
0xa: {  	[smem:$0x3FA6] =	sst s2  }
0xb: {  	[smem:$0x3FA7] =	sst s3  }
0xc: {  	[smem:$0x3FA8] =	sst s4  }
0xd: {  	[smem:$0x3FA9] =	sst s5  }
0xe: {  	[smem:$0x3FAA] =	sst s6  }
0xf: {  	[smem:$0x3FAB] =	sst s7  }
0x10: {  	[smem:$0x3FAC] =	sst s8  }
0x11: {  	[smem:$0x3FAD] =	sst s9;
	s0 =	simm.s32 @!p0 $0x0  }
0x12: {  	s1 =	sld [smem:$0x3F93];
	s0 =	simm.s32 @p0 $0x1  }
0x13: {  	[smem:$0x3FAE] =	sst s0;
	s0 =	simm.s32 @!p1 $0x0  }
0x14: {  	s2 =	sld [smem:$0x3F92];
	s0 =	simm.s32 @p1 $0x1  }
0x15: {  	[smem:$0x3FAF] =	sst s0;
	s0 =	simm.s32 @!p2 $0x0  }
0x16: {  	s3 =	sld [smem:$0x3FDB];
	s0 =	simm.s32 @p2 $0x1  }
0x17: {  	s4 =	simm.s32 $0x1BF5;
	[smem:$0x3FB1] =	sst s0  }
0x18: {  	s0 =	sld [smem:$0x3F94];
	_ =	swait.ge [sflag:s4], $0x0  }
0x19: {  	s7 =	sld [smem:$0x3F95]  }
0x1a: {  	s8 =	sadd.s32 $0xFFFFE003, lr  }
0x1b: {  	s9 =	sadd.s32 $0xFFFFFEF7, lr;
	s5 =	simm.s32 $0xFFFFFFFF;
	p2 =	slt.u32 s8, $0xFFFFF086  }
0x1c: {  	p1 =	slt.u32 s9, $0xF7A;
	s5 =	simm.s32 @!p2 $0x0  }
0x1d: {  	s5 =	simm.s32 @p1 $0x1;
	p0 =	seq.s32 s7, s2  }
0x1e: {  	s7 =	smul.u32 @!p0 $0xF7A, s2;
	p2 =	seq.s32 @!p0 s5, $0x0  }
0x1f: {  	s9 =	smul.u32 $0xF7A, s1;
	s8 =	simm.s32 @!p0 $0x1BF5;
	p2 =	por !p2, p0  }
0x20: {  	[sflag:s8] =	ssyncset.s32 @!p0 $0xFFFFF086;
	s6 =	sadd.s32 @!p0 s3, s7;
	s7 =	simm.s32 @!p0 $0x108  }
0x21: {  	s3 =	sadd.s32 s3, s9;
	s6 =	sadd.s32 @!p0 $0x88, s6;
	s7 =	simm.s32 @p2 $0x1082  }
0x22: {  	[simem:s7], [sflag:s8] =	dma.local @!p0 [hbm:s6], $0xF7A  }
0x23: {  	s9 =	sor.u32 $0xD0000000, s2;
	s6 =	simm.s32 $0x108;
	_ =	swait.ge @!p0 [sflag:s8], $0x0  }
0x24: {  	s3 =	sadd.s32 $0x88, s3;
	s6 =	simm.s32 @!p1 $0x1082;
	[sflag:s4] =	ssyncset.s32 $0xFFFFF086  }
0x25: {  	[simem:s6], [sflag:s4] =	dma.local [hbm:s3], $0xF7A  }
0x26: {  	[smem:$0x3F95] =	sst s1;
	(tag) =	ssettag s2;
	_ =	strace s9  }
0x27: {  	s1 =	sld [smem:$0x3FA5]  }
0x28: {  	s2 =	sld [smem:$0x3FA6]  }
0x29: {  	s4 =	sld [smem:$0x3FA8]  }
0x2a: {  	p0 =	seq.s32 s5, $0x0;
	s5 =	sld [smem:$0x3FA9]  }
0x2b: {  	s6 =	sld [smem:$0x3FAA]  }
0x2c: {  	s7 =	sld [smem:$0x3FAB]  }
0x2d: {  	s3 =	simm.s32 $0x108;
	s8 =	sld [smem:$0x3FAC]  }
0x2e: {  	s3 =	simm.s32 @!p0 $0x1082;
	s9 =	sld [smem:$0x3FAD]  }
0x2f: {  	lr =	sadd.s32 s0, s3;
	s0 =	sld [smem:$0x3FA4]  }
0x30: {  	s3 =	sld [smem:$0x3FA7]  }
0x31: {  	[smem:$0x3FB0] =	sst s10  }
0x32: {  	s10 =	sld [smem:$0x3FAE];
	_ =	sdelay $0x3  }
0x33: {  	p0 =	seq.s32 s10, $0x1;
	s10 =	sld [smem:$0x3FB0];
	_ =	sdelay $0x3  }
0x34: {  	[smem:$0x3FB0] =	sst s10  }
0x35: {  	s10 =	sld [smem:$0x3FAF];
	_ =	sdelay $0x3  }
0x36: {  	p1 =	seq.s32 s10, $0x1;
	s10 =	sld [smem:$0x3FB0];
	_ =	sdelay $0x3  }
0x37: {  	[smem:$0x3FB0] =	sst s10  }
0x38: {  	s10 =	sld [smem:$0x3FB1]  }
0x39: {  	_ = 	snop;
	(pc) =	sbr.ind lr, $3  }
0x3a: {  	_ = 	snop  }
0x3b: {  	_ = 	snop  }
0x3c: {  	p2 =	seq.s32 s10, $0x1;
	s10 =	sld [smem:$0x3FB0]  }
0x3d: {  	_ =	shalt  }
0x3e: {  	_ =	shalt  }
0x3f: {  	_ =	shalt  }
0x40: {  	_ =	shalt  }
0x41: {  	_ =	shalt  }
0x42: {  	_ =	shalt  }
0x43: {  	_ =	shalt  }
0x44: {  	_ =	shalt  }
0x45: {  	_ =	shalt  }
0x46: {  	_ =	shalt  }
0x47: {  	_ =	shalt  }
0x48: {  	_ =	shalt  }
0x49: {  	_ =	shalt  }
0x4a: {  	_ =	shalt  }
0x4b: {  	_ =	shalt  }
0x4c: {  	_ =	shalt  }
0x4d: {  	_ =	shalt  }
0x4e: {  	_ =	shalt  }
0x4f: {  	_ =	shalt  }
0x50: {  	_ =	shalt  }
0x51: {  	_ =	shalt  }
0x52: {  	_ =	shalt  }
0x53: {  	_ =	shalt  }
0x54: {  	_ =	shalt  }
0x55: {  	_ =	shalt  }
0x56: {  	_ =	shalt  }
0x57: {  	_ =	shalt  }
0x58: {  	_ =	shalt  }
0x59: {  	_ =	shalt  }
0x5a: {  	_ =	shalt  }
0x5b: {  	_ =	shalt  }
0x5c: {  	_ =	shalt  }
0x5d: {  	_ =	shalt  }
0x5e: {  	_ =	shalt  }
0x5f: {  	_ =	shalt  }
0x60: {  	_ =	shalt  }
0x61: {  	_ =	shalt  }
0x62: {  	_ =	shalt  }
0x63: {  	_ =	shalt  }
0x64: {  	_ =	shalt  }
0x65: {  	_ =	shalt  }
0x66: {  	_ =	shalt  }
0x67: {  	_ =	shalt  }
0x68: {  	_ =	shalt  }
0x69: {  	_ =	shalt  }
0x6a: {  	_ =	shalt  }
0x6b: {  	_ =	shalt  }
0x6c: {  	_ =	shalt  }
0x6d: {  	_ =	shalt  }
0x6e: {  	_ =	shalt  }
0x6f: {  	_ =	shalt  }
0x70: {  	_ =	shalt  }
0x71: {  	_ =	shalt  }
0x72: {  	_ =	shalt  }
0x73: {  	_ =	shalt  }
0x74: {  	_ =	shalt  }
0x75: {  	_ =	shalt  }
0x76: {  	_ =	shalt  }
0x77: {  	_ =	shalt  }
0x78: {  	_ =	shalt  }
0x79: {  	_ =	shalt  }
0x7a: {  	_ =	shalt  }
0x7b: {  	_ =	shalt  }
0x7c: {  	_ =	shalt  }
0x7d: {  	_ =	shalt  }
0x7e: {  	_ =	shalt  }
0x7f: {  	_ =	shalt  }
0x80: {  	_ =	shalt  }
0x81: {  	_ =	shalt  }
0x82: {  	_ =	shalt  }
0x83: {  	_ =	shalt  }
0x84: {  	_ =	shalt  }
0x85: {  	_ =	shalt  }
0x86: {  	_ =	shalt  }
0x87: {  	_ =	shalt  }
.Lfunc_end0:
.L_simem_size_0:
called_computation.1_lowered:
.L_overlay_start_0:
0x88: {  	s2 =	sld [smem:$0x3FD9]  }
0x89: {  	s3 =	sld [smem:$0x3FFE];
	_ =	sdelay $0x1  }
0x8a: {  	s1 =	srdreg.scid  }
0x8b: {  	s0 =	sand.u32 $0x1, s1  }
0x8c: {  	s17 =	sshll.u32 s0, $0xA;
	s2 =	sadd.s32 s3, s2  }
0x8d: {  	s2 =	sadd.s32 s2, s17  }
0x8e: {  	[smem:$0x3FBC] =	sst s2  }
0x8f: {  	_ = 	snop  }
0x90: {  	s2 =	sld [smem:$0x3FD0];
	(tm) =	ssettm $0x1  }
0x91: {  	s18 =	sld [smem:$0x3FFB];
	_ =	sdelay $0x3  }
0x92: {  	_ =	strace s18  }
0x93: {  	s3 =	sld [smem:$0x3FFC];
	_ =	sdelay $0x3  }
0x94: {  	_ =	strace s3  }
0x95: {  	s3 =	sld [smem:$0x3FFD];
	_ =	sdelay $0x3  }
0x96: {  	_ =	strace s3  }
0x97: {  	_ =	strace $0x8FFFFFFF  }
0x98: {  	s19 =	sld [smem:$0x3FDB];
	_ =	sdelay $0x1  }
0x99: {  	s4 =	simm.s32 $_scs_section_size  }
0x9a: {  	s5 =	simm.s32 $_size__tile_overlayer_lowered;
	s6 =	simm.s32 $_tile_overlayer_lowered  }
0x9b: {  	s22 =	simm.s32 $0x1BFF;
	s21 =	sshll.u32 s6, $0x1;
	s3 =	sadd.s32 s4, s19  }
0x9c: {  	s7 =	simm.s32 $0x0;
	s20 =	sshll.u32 s5, $0x1;
	s5 =	sadd.s32 s21, s3  }
0x9d: {  	[timem:s7], [sflag:s22] =	dma.local [hbm:s5], s20  }
0x9e: {  	_ =	swait.ge [sflag:s22], s20  }
0x9f: {  	s4 =	ssub.s32 $0x0, s20;
	[sflag:s22] =	ssyncset.done $0x0  }
0xa0: {  	[sflag:s22] =	ssyncadd.s32 s4;
	_ =	sdelay $0x1  }
0xa1: {  	s23 =	simm.s32 $0x1B8B  }
0xa2: {  	_ =	swait.ge [sflag:s23], $0x1  }
0xa3: {  	[sflag:s23] =	ssyncset.done $0x0  }
0xa4: {  	s25 =	simm.s32 $0x1B8E;
	s24 =	sld [smem:$0x3FFE];
	[sflag:s23] =	ssyncadd.s32 $0xFFFFFFFF  }
0xa5: {  	s26 =	simm.s32 $execute0_lowered;
	[smem:$0x3FD2] =	sst s25  }
0xa6: {  	s5 =	sshll.u32 s26, $0x1;
	_ =	strace $0x80000046;
	[dreg:$0x1] =	wrdreg $0xFFFFFFFF  }
0xa7: {  	s28 =	simm.s32 $_size_execute0_lowered;
	s3 =	sadd.s32 s3, s5;
	[dreg:$0x0] =	wrdreg $0x0  }
0xa8: {  	s5 =	sshll.u32 s28, $0x1;
	[dreg:$0x2] =	wrdreg s3  }
0xa9: {  	[dreg:$0x3] =	wrdreg s5  }
0xaa: {  	[dreg:$0x4] =	wrdreg $0xC0  }
0xab: {  	_ =	task [dreg:s7], $0x5FFFF  }
0xac: {  	[dreg:$0x1] =	wrdreg $0xFFFFFFFF  }
0xad: {  	[dreg:$0x0] =	wrdreg $0x60  }
0xae: {  	[dreg:$0x2] =	wrdreg s24  }
0xaf: {  	[dreg:$0x3] =	wrdreg s2  }
0xb0: {  	[dreg:$0x4] =	wrdreg $0x66000  }
0xb1: {  	[dreg:$0x5] =	wrdreg $0x9  }
0xb2: {  	_ =	task.clear_ibuf [dreg:s7], $0x6FFFF;
	_ =	strace $0x90000046  }
0xb3: {  	s29 =	simm.s32 $0x9;
	_ =	strace $0x80000048  }
0xb4: {  	_ =	swait.ge [sflag:s29], $0x1  }
0xb5: {  	[sflag:s29] =	ssyncadd.s32 $0xFFFFFFFF  }
0xb6: {  	_ =	strace $0x90000048  }
0xb7: {  	_ =	sfence  }
0xb8: {  	s30 =	sld [smem:$0x0];
	_ =	sdelay $0x2  }
0xb9: {  	s31 =	sshll.u32 s1, $0xD;
	s1 =	sshrl.u32 s1, $0x2  }
0xba: {  	s3 =	sand.u32 $0x4000, s31;
	s1 =	sadd.s32 s1, s30  }
0xbb: {  	s0 =	sor.u32 s3, s0;
	s1 =	sshll.u32 s1, $0x11  }
0xbc: {  	s0 =	sor.u32 s1, s0  }
0xbd: {  	s0 =	sadd.s32 $0x8F2B, s0  }
0xbe: {  	[sflag:s0] =	ssyncadd.remote.s32 $0x1  }
0xbf: {  	_ =	sfence.sel $0xFFFF  }
0xc0: {  	[dreg:$0x0] =	wrdreg $0xFFFFFFFF;
	(pc) =	sbr.abs _section_cstart, $3  }
0xc1: {  	[dreg:$0x1] =	wrdreg $0xFFFFFFFF  }
0xc2: {  	_ =	task.clear_ibuf [dreg:s7], $0x2FFFF;
	_ =	strace $0x9FFFFFFF  }
0xc3: {  	(tm) =	ssettm $0x7FFFFFFF  }
tec
execute0_lowered:
.L_overlay_start_1:
0x0: {  	(tag) =	ssettag $0x1  }
0x1: {  	s9 =	rddreg [dreg:$0x0]  }
0x2: {  	s2 =	rddreg [dreg:$0x1]  }
0x3: {  	s0 =	srdreg.scid;
	s3 =	rddreg [dreg:$0x2];
	s4 =	simm.s32 $0x0  }
0x4: {  	s13 =	simm.s32 $0x2A400;
	s14 =	simm.s32 $0x0;
	s6 =	sand.u32 $0x1, s0  }
0x5: {  	s0 =	stileid.u32;
	[smem:$0x7FF] =	sst s4;
	s1 =	sshll.u32 s6, $0x4  }
0x6: {  	s7 =	ssub.s32 $0x2, s6;
	s8 =	smul.u32 $0x6200, s0;
	s30 =	sshll.u32 s0, $0x6  }
0x7: {  	p0 =	seq.s32 s6, $0x1;
	s5 =	sor.u32 s0, s1;
	s1 =	rddreg [dreg:$0x3]  }
0x8: {  	_ =	strace $0x80000047;
	s11 =	sshrl.u32 s7, $0x1;
	s6 =	sor.u32 $0x1C01, s30  }
0x9: {  	s13 =	simm.s32 @!p0 $0x1E000;
	s5 =	smul.u32 $0xC40, s5;
	s11 =	ssub.s32 s7, s11  }
0xa: {  	s12 =	sadd.s32 s8, s3;
	s31 =	sshrl.u32 s8, $0x3;
	s8 =	smax.u32 s11, $0x1  }
0xb: {  	s11 =	simm.s32 $0x1;
	s10 =	sadd.s32 s5, s9;
	s5 =	sadd.s32 $0x4A00, s9  }
0xc: {  	s9 =	sadd.s32 s13, s9;
	s13 =	simm.s32 $0x80;
	s7 =	sadd.s32 $0x5800, s10  }
0xd: {  	s9 =	sadd.s32 s9, s31;
	s10 =	sshrl.u32 s12, $0x3;
	s12 =	simm.s32 $0x6200  }
.LBB2_1:
0xe: {  	[spmem:s10], [sflag:s6] =	dma.local [hbm:s5], $0xC40  }
0xf: {  	_ =	swait.ge [sflag:s11], $0xC40  }
0x10: {  	[sflag:s11] =	ssyncset.done $0x0  }
0x11: {  	[sflag:s11] =	ssyncadd.s32 $0xFFFFF3C0  }
0x12: {  	[tilespmem:s4], [sflag:$0x1] =	stream.linear.gather [hbm4b:s7+s4], $0x6200, $0x38;
	[tilespmem:$0x7240] =	vst v63  }
0x13: {  	_ =	swait.ge [sflag:s11], $0x6200  }
0x14: {  	[sflag:s11] =	ssyncset.done $0x0  }
0x15: {  	[sflag:s11] =	ssyncadd.s32 $0xFFFF9E00  }
0x16: {  	[tilespmem:s12], [sflag:$0x1] =	stream.linear.gather [hbm4b:s2+s4], $0x400, $0x38;
	[tilespmem:$0x7240] =	vst v63  }
0x17: {  	_ =	swait.ge [sflag:s11], $0x400  }
0x18: {  	[sflag:s11] =	ssyncset.done $0x0  }
0x19: {  	[sflag:s11] =	ssyncadd.s32 $0xFFFFFC00  }
0x1a: {  	s15 =	simm.s32 $0x0;
	[bflag:$0x0] =	sbarrier.arrive $0xFFFF  }
0x1b: {  	[spmem:s3] =	stream.indirect.scatter.add.f32 [tilespmem:s12], [sflag:$0x1], $0x1, s15, s13, $0xb8;
	[tilespmem:$0x7240] =	vst v63  }
0x1c: {  	_ =	swait.ge [sflag:s11], $0x80  }
0x1d: {  	s15 =	simm.s32 $0x200;
	[sflag:s11] =	ssyncset.done $0x0  }
.LBB2_2:
0x1e: {  	s16 =	sshra.s32 s15, $0x2;
	[sflag:s11] =	ssyncadd.s32 $0xFFFFFF80;
	p0 =	sne.s32 s15, $0x18600  }
0x1f: {  	[spmem:s3] =	stream.indirect.scatter.add.f32 [tilespmem:s12], [sflag:$0x1], $0x1, s16, s13, $0xb8;
	[tilespmem:$0x7240] =	vst v63  }
.Ltmp0:
0x20: {  	_ = 	snop;
	(pc) =	sbr.rel @p0 .LBB2_2-.Ltmp0, $4  }
0x21: {  	_ = 	snop  }
0x22: {  	s15 =	sadd.s32 $0x200, s15  }
0x23: {  	_ =	swait.ge [sflag:s11], $0x80  }
0x24: {  	[sflag:s11] =	ssyncset.done $0x0  }
0x25: {  	s14 =	sadd.s32 $0x1, s14  }
0x26: {  	[sflag:s11] =	ssyncadd.s32 $0xFFFFFF80;
	p0 =	sne.s32 s14, s8  }
.Ltmp1:
0x27: {  	[bflag:$0x0] =	sbarrier.arrive $0xFFFF;
	(pc) =	sbr.rel @p0 .LBB2_1-.Ltmp1, $4  }
0x28: {  	[hbm:s9], [sflag:s6] =	dma.local [spmem:s10], $0xC40  }
0x29: {  	_ =	swait.ge [sflag:s11], $0xC40  }
0x2a: {  	[sflag:s11] =	ssyncset.done $0x0  }
0x2b: {  	[sflag:s11] =	ssyncadd.s32 $0xFFFFF3C0  }
0x2c: {  	_ =	sfence.sel $0x180000  }
0x2d: {  	[bflag:$0x0] =	sbarrier.arrive $0xFFFF  }
0x2e: {  	p0 =	sne.s32 s0, $0x0;
	_ =	strace $0x90000047  }
0x2f: {  	s0 =	sadd.s32 @!p0 $0x100000, s1;
	[bflag:$0x2] =	sbarrier.arrive $0xFFFF  }
0x30: {  	[sflag:s0] =	ssyncadd.tile.s32 @!p0 $0x1;
	_ =	shalt  }
.Lfunc_end2:
_tile_overlayer_lowered:
.L_overlay_start_2:
0x31: {  	(tag) =	ssettag $0x2  }
0x32: {  	s0 =	rddreg [dreg:$0x0];
	s2 =	stileid.u32  }
0x33: {  	s1 =	rddreg [dreg:$0x1];
	p0 =	sne.s32 s2, $0x0  }
0x34: {  	s3 =	rddreg [dreg:$0x2];
	[bflag:$0x3] =	sbarrier.arrive $0xFFFF;
	s2 =	simm.s32 @!p0 $0x1C01  }
0x35: {  	[timem:s3], [sflag:s2] =	dma.local @!p0 [hbm:s0], s1  }
0x36: {  	s0 =	simm.s32 @!p0 $0x1  }
0x37: {  	_ =	swait.ge @!p0 [sflag:s0], s1  }
0x38: {  	s1 =	ssub.s32 @!p0 $0x0, s1;
	[sflag:s0] =	ssyncset.done @!p0 $0x0  }
0x39: {  	[sflag:s0] =	ssyncadd.s32 @!p0 s1  }
0x3a: {  	[bflag:$0x3] =	sbarrier.arrive $0xFFFF  }
0x3b: {  	_ =	shalt  }

// kernel: kernel.9.cloned.1.call-start
scs
__scs_entry_jumppad:
0x0: {  	(pc) =	sbr.rel $0x88, $3  }
0x1: {  	(tag) =	ssettag $0x0;
	lr =	simm.s32 $0x1  }
0x2: {  	[smem:$0x3F95] =	sst lr;
	_ =	strace $0xD0000000  }
0x3: {  	_ = 	snop  }
0x4: {  	_ = 	snop  }
0x5: {  	_ = 	snop  }
0x6: {  	_ = 	snop  }
0x7: {  	_ = 	snop  }
__scs_overlays_trampoline_lowered:
0x8: {  	[smem:$0x3FA4] =	sst s0  }
0x9: {  	[smem:$0x3FA5] =	sst s1  }
0xa: {  	[smem:$0x3FA6] =	sst s2  }
0xb: {  	[smem:$0x3FA7] =	sst s3  }
0xc: {  	[smem:$0x3FA8] =	sst s4  }
0xd: {  	[smem:$0x3FA9] =	sst s5  }
0xe: {  	[smem:$0x3FAA] =	sst s6  }
0xf: {  	[smem:$0x3FAB] =	sst s7  }
0x10: {  	[smem:$0x3FAC] =	sst s8  }
0x11: {  	[smem:$0x3FAD] =	sst s9;
	s0 =	simm.s32 @!p0 $0x0  }
0x12: {  	s1 =	sld [smem:$0x3F93];
	s0 =	simm.s32 @p0 $0x1  }
0x13: {  	[smem:$0x3FAE] =	sst s0;
	s0 =	simm.s32 @!p1 $0x0  }
0x14: {  	s2 =	sld [smem:$0x3F92];
	s0 =	simm.s32 @p1 $0x1  }
0x15: {  	[smem:$0x3FAF] =	sst s0;
	s0 =	simm.s32 @!p2 $0x0  }
0x16: {  	s3 =	sld [smem:$0x3FDB];
	s0 =	simm.s32 @p2 $0x1  }
0x17: {  	s4 =	simm.s32 $0x1BF5;
	[smem:$0x3FB1] =	sst s0  }
0x18: {  	s0 =	sld [smem:$0x3F94];
	_ =	swait.ge [sflag:s4], $0x0  }
0x19: {  	s7 =	sld [smem:$0x3F95]  }
0x1a: {  	s8 =	sadd.s32 $0xFFFFE003, lr  }
0x1b: {  	s9 =	sadd.s32 $0xFFFFFEF7, lr;
	s5 =	simm.s32 $0xFFFFFFFF;
	p2 =	slt.u32 s8, $0xFFFFF086  }
0x1c: {  	p1 =	slt.u32 s9, $0xF7A;
	s5 =	simm.s32 @!p2 $0x0  }
0x1d: {  	s5 =	simm.s32 @p1 $0x1;
	p0 =	seq.s32 s7, s2  }
0x1e: {  	s7 =	smul.u32 @!p0 $0xF7A, s2;
	p2 =	seq.s32 @!p0 s5, $0x0  }
0x1f: {  	s9 =	smul.u32 $0xF7A, s1;
	s8 =	simm.s32 @!p0 $0x1BF5;
	p2 =	por !p2, p0  }
0x20: {  	[sflag:s8] =	ssyncset.s32 @!p0 $0xFFFFF086;
	s6 =	sadd.s32 @!p0 s3, s7;
	s7 =	simm.s32 @!p0 $0x108  }
0x21: {  	s3 =	sadd.s32 s3, s9;
	s6 =	sadd.s32 @!p0 $0x88, s6;
	s7 =	simm.s32 @p2 $0x1082  }
0x22: {  	[simem:s7], [sflag:s8] =	dma.local @!p0 [hbm:s6], $0xF7A  }
0x23: {  	s9 =	sor.u32 $0xD0000000, s2;
	s6 =	simm.s32 $0x108;
	_ =	swait.ge @!p0 [sflag:s8], $0x0  }
0x24: {  	s3 =	sadd.s32 $0x88, s3;
	s6 =	simm.s32 @!p1 $0x1082;
	[sflag:s4] =	ssyncset.s32 $0xFFFFF086  }
0x25: {  	[simem:s6], [sflag:s4] =	dma.local [hbm:s3], $0xF7A  }
0x26: {  	[smem:$0x3F95] =	sst s1;
	(tag) =	ssettag s2;
	_ =	strace s9  }
0x27: {  	s1 =	sld [smem:$0x3FA5]  }
0x28: {  	s2 =	sld [smem:$0x3FA6]  }
0x29: {  	s4 =	sld [smem:$0x3FA8]  }
0x2a: {  	p0 =	seq.s32 s5, $0x0;
	s5 =	sld [smem:$0x3FA9]  }
0x2b: {  	s6 =	sld [smem:$0x3FAA]  }
0x2c: {  	s7 =	sld [smem:$0x3FAB]  }
0x2d: {  	s3 =	simm.s32 $0x108;
	s8 =	sld [smem:$0x3FAC]  }
0x2e: {  	s3 =	simm.s32 @!p0 $0x1082;
	s9 =	sld [smem:$0x3FAD]  }
0x2f: {  	lr =	sadd.s32 s0, s3;
	s0 =	sld [smem:$0x3FA4]  }
0x30: {  	s3 =	sld [smem:$0x3FA7]  }
0x31: {  	[smem:$0x3FB0] =	sst s10  }
0x32: {  	s10 =	sld [smem:$0x3FAE];
	_ =	sdelay $0x3  }
0x33: {  	p0 =	seq.s32 s10, $0x1;
	s10 =	sld [smem:$0x3FB0];
	_ =	sdelay $0x3  }
0x34: {  	[smem:$0x3FB0] =	sst s10  }
0x35: {  	s10 =	sld [smem:$0x3FAF];
	_ =	sdelay $0x3  }
0x36: {  	p1 =	seq.s32 s10, $0x1;
	s10 =	sld [smem:$0x3FB0];
	_ =	sdelay $0x3  }
0x37: {  	[smem:$0x3FB0] =	sst s10  }
0x38: {  	s10 =	sld [smem:$0x3FB1]  }
0x39: {  	_ = 	snop;
	(pc) =	sbr.ind lr, $3  }
0x3a: {  	_ = 	snop  }
0x3b: {  	_ = 	snop  }
0x3c: {  	p2 =	seq.s32 s10, $0x1;
	s10 =	sld [smem:$0x3FB0]  }
0x3d: {  	_ =	shalt  }
0x3e: {  	_ =	shalt  }
0x3f: {  	_ =	shalt  }
0x40: {  	_ =	shalt  }
0x41: {  	_ =	shalt  }
0x42: {  	_ =	shalt  }
0x43: {  	_ =	shalt  }
0x44: {  	_ =	shalt  }
0x45: {  	_ =	shalt  }
0x46: {  	_ =	shalt  }
0x47: {  	_ =	shalt  }
0x48: {  	_ =	shalt  }
0x49: {  	_ =	shalt  }
0x4a: {  	_ =	shalt  }
0x4b: {  	_ =	shalt  }
0x4c: {  	_ =	shalt  }
0x4d: {  	_ =	shalt  }
0x4e: {  	_ =	shalt  }
0x4f: {  	_ =	shalt  }
0x50: {  	_ =	shalt  }
0x51: {  	_ =	shalt  }
0x52: {  	_ =	shalt  }
0x53: {  	_ =	shalt  }
0x54: {  	_ =	shalt  }
0x55: {  	_ =	shalt  }
0x56: {  	_ =	shalt  }
0x57: {  	_ =	shalt  }
0x58: {  	_ =	shalt  }
0x59: {  	_ =	shalt  }
0x5a: {  	_ =	shalt  }
0x5b: {  	_ =	shalt  }
0x5c: {  	_ =	shalt  }
0x5d: {  	_ =	shalt  }
0x5e: {  	_ =	shalt  }
0x5f: {  	_ =	shalt  }
0x60: {  	_ =	shalt  }
0x61: {  	_ =	shalt  }
0x62: {  	_ =	shalt  }
0x63: {  	_ =	shalt  }
0x64: {  	_ =	shalt  }
0x65: {  	_ =	shalt  }
0x66: {  	_ =	shalt  }
0x67: {  	_ =	shalt  }
0x68: {  	_ =	shalt  }
0x69: {  	_ =	shalt  }
0x6a: {  	_ =	shalt  }
0x6b: {  	_ =	shalt  }
0x6c: {  	_ =	shalt  }
0x6d: {  	_ =	shalt  }
0x6e: {  	_ =	shalt  }
0x6f: {  	_ =	shalt  }
0x70: {  	_ =	shalt  }
0x71: {  	_ =	shalt  }
0x72: {  	_ =	shalt  }
0x73: {  	_ =	shalt  }
0x74: {  	_ =	shalt  }
0x75: {  	_ =	shalt  }
0x76: {  	_ =	shalt  }
0x77: {  	_ =	shalt  }
0x78: {  	_ =	shalt  }
0x79: {  	_ =	shalt  }
0x7a: {  	_ =	shalt  }
0x7b: {  	_ =	shalt  }
0x7c: {  	_ =	shalt  }
0x7d: {  	_ =	shalt  }
0x7e: {  	_ =	shalt  }
0x7f: {  	_ =	shalt  }
0x80: {  	_ =	shalt  }
0x81: {  	_ =	shalt  }
0x82: {  	_ =	shalt  }
0x83: {  	_ =	shalt  }
0x84: {  	_ =	shalt  }
0x85: {  	_ =	shalt  }
0x86: {  	_ =	shalt  }
0x87: {  	_ =	shalt  }
.Lfunc_end0:
.L_simem_size_0:
called_computation.2_lowered:
.L_overlay_start_0:
0x88: {  	s2 =	sld [smem:$0x3FD9]  }
0x89: {  	s3 =	sld [smem:$0x3FFE];
	_ =	sdelay $0x1  }
0x8a: {  	s1 =	srdreg.scid  }
0x8b: {  	s0 =	sand.u32 $0x1, s1  }
0x8c: {  	s16 =	sshll.u32 s0, $0xA;
	s2 =	sadd.s32 s3, s2  }
0x8d: {  	s2 =	sadd.s32 s2, s16  }
0x8e: {  	[smem:$0x3FBC] =	sst s2  }
0x8f: {  	_ = 	snop  }
0x90: {  	(tm) =	ssettm $0x1  }
0x91: {  	s17 =	sld [smem:$0x3FFB];
	_ =	sdelay $0x3  }
0x92: {  	_ =	strace s17  }
0x93: {  	s2 =	sld [smem:$0x3FFC];
	_ =	sdelay $0x3  }
0x94: {  	_ =	strace s2  }
0x95: {  	s2 =	sld [smem:$0x3FFD];
	_ =	sdelay $0x3  }
0x96: {  	_ =	strace s2  }
0x97: {  	_ =	strace $0x8FFFFFFF  }
0x98: {  	s18 =	sld [smem:$0x3FDB];
	_ =	sdelay $0x1  }
0x99: {  	s19 =	simm.s32 $_scs_section_size  }
0x9a: {  	s4 =	simm.s32 $_size__tile_overlayer_lowered;
	s5 =	simm.s32 $_tile_overlayer_lowered  }
0x9b: {  	s22 =	simm.s32 $0x1BFF;
	s21 =	sshll.u32 s5, $0x1;
	s2 =	sadd.s32 s19, s18  }
0x9c: {  	s6 =	simm.s32 $0x0;
	s20 =	sshll.u32 s4, $0x1;
	s4 =	sadd.s32 s21, s2  }
0x9d: {  	[timem:s6], [sflag:s22] =	dma.local [hbm:s4], s20  }
0x9e: {  	_ =	swait.ge [sflag:s22], s20  }
0x9f: {  	s3 =	ssub.s32 $0x0, s20;
	[sflag:s22] =	ssyncset.done $0x0  }
0xa0: {  	[sflag:s22] =	ssyncadd.s32 s3;
	_ =	sdelay $0x1  }
0xa1: {  	s23 =	simm.s32 $0x1B8B  }
0xa2: {  	_ =	swait.ge [sflag:s23], $0x1  }
0xa3: {  	[sflag:s23] =	ssyncset.done $0x0  }
0xa4: {  	s25 =	simm.s32 $0x1B8E;
	s24 =	sld [smem:$0x3FFE];
	[sflag:s23] =	ssyncadd.s32 $0xFFFFFFFF  }
0xa5: {  	s26 =	simm.s32 $execute0_lowered;
	[smem:$0x3FD2] =	sst s25  }
0xa6: {  	s4 =	sshll.u32 s26, $0x1;
	_ =	strace $0x80000049;
	[dreg:$0x1] =	wrdreg $0xFFFFFFFF  }
0xa7: {  	s28 =	simm.s32 $_size_execute0_lowered;
	s2 =	sadd.s32 s2, s4;
	[dreg:$0x0] =	wrdreg $0x0  }
0xa8: {  	s4 =	sshll.u32 s28, $0x1;
	[dreg:$0x2] =	wrdreg s2  }
0xa9: {  	[dreg:$0x3] =	wrdreg s4  }
0xaa: {  	[dreg:$0x4] =	wrdreg $0xC0  }
0xab: {  	_ =	task [dreg:s6], $0x5FFFF  }
0xac: {  	[dreg:$0x1] =	wrdreg $0xFFFFFFFF  }
0xad: {  	[dreg:$0x0] =	wrdreg $0x60  }
0xae: {  	[dreg:$0x2] =	wrdreg s24  }
0xaf: {  	[dreg:$0x3] =	wrdreg $0x53200  }
0xb0: {  	[dreg:$0x4] =	wrdreg $0x5B400  }
0xb1: {  	[dreg:$0x5] =	wrdreg $0x9  }
0xb2: {  	_ =	task.clear_ibuf [dreg:s6], $0x6FFFF;
	_ =	strace $0x90000049  }
0xb3: {  	s29 =	simm.s32 $0x9;
	_ =	strace $0x8000004B  }
0xb4: {  	_ =	swait.ge [sflag:s29], $0x1  }
0xb5: {  	[sflag:s29] =	ssyncadd.s32 $0xFFFFFFFF  }
0xb6: {  	_ =	strace $0x9000004B  }
0xb7: {  	_ =	sfence  }
0xb8: {  	s30 =	sld [smem:$0x0];
	_ =	sdelay $0x2  }
0xb9: {  	s31 =	sshll.u32 s1, $0xD;
	s1 =	sshrl.u32 s1, $0x2  }
0xba: {  	s3 =	sand.u32 $0x4000, s31;
	s1 =	sadd.s32 s1, s30  }
0xbb: {  	s0 =	sor.u32 s3, s0;
	s1 =	sshll.u32 s1, $0x11  }
0xbc: {  	s0 =	sor.u32 s1, s0  }
0xbd: {  	s0 =	sadd.s32 $0x8F2B, s0  }
0xbe: {  	[sflag:s0] =	ssyncadd.remote.s32 $0x1  }
0xbf: {  	_ =	sfence.sel $0xFFFF  }
0xc0: {  	[dreg:$0x0] =	wrdreg $0xFFFFFFFF;
	(pc) =	sbr.abs _section_cstart, $3  }
0xc1: {  	[dreg:$0x1] =	wrdreg $0xFFFFFFFF  }
0xc2: {  	_ =	task.clear_ibuf [dreg:s6], $0x2FFFF;
	_ =	strace $0x9FFFFFFF  }
0xc3: {  	(tm) =	ssettm $0x7FFFFFFF  }
tec
execute0_lowered:
.L_overlay_start_1:
0x0: {  	(tag) =	ssettag $0x1  }
0x1: {  	s0 =	srdreg.scid;
	s10 =	rddreg [dreg:$0x0]  }
0x2: {  	s2 =	stileid.u32;
	s3 =	rddreg [dreg:$0x2]  }
0x3: {  	s4 =	simm.s32 $0x0;
	s17 =	simm.s32 $0x1;
	s18 =	simm.s32 $0x3720  }
0x4: {  	s19 =	simm.s32 $0x70;
	s13 =	sand.u32 $0x1, s0;
	s0 =	rddreg [dreg:$0x1]  }
0x5: {  	[smem:$0x7FF] =	sst s4;
	s7 =	sadd.s32 $0x7600, s10;
	s8 =	sadd.s32 $0x6400, s10  }
0x6: {  	s9 =	sadd.s32 $0x5C00, s10;
	p0 =	seq.s32 s2, $0x0;
	s31 =	smul.u32 $0x3100, s2  }
0x7: {  	s1 =	sshll.u32 s13, $0x4;
	s5 =	smul.u32 $0x31000, s13;
	s15 =	ssub.s32 $0x2, s13  }
0x8: {  	p1 =	seq.s32 s13, $0x1;
	s20 =	sor.u32 s13, s2;
	s6 =	sor.u32 s2, s1  }
0x9: {  	s1 =	rddreg [dreg:$0x3];
	_ =	strace $0x8000004A;
	s16 =	sshrl.u32 s15, $0x1  }
0xa: {  	p0 =	por !p0, !p1;
	p2 =	sne.s32 s20, $0x0;
	s20 =	simm.s32 $0x0  }
0xb: {  	s6 =	smul.u32 $0x620, s6;
	s14 =	sadd.s32 s5, s10;
	s5 =	sadd.s32 $0x4A00, s10  }
0xc: {  	s15 =	ssub.s32 s15, s16;
	p1 =	por !p0, !p0;
	p0 =	sne.s32 s2, $0x0  }
0xd: {  	s14 =	sadd.s32 s31, s14;
	s13 =	smax.u32 s15, $0x1;
	s15 =	sshrl.u32 @!p0 s0, $0x3  }
0xe: {  	s16 =	sshrl.u32 @!p0 s3, $0x3;
	s30 =	sshrl.u32 s6, $0x3;
	s12 =	sadd.s32 s6, s10  }
0xf: {  	s6 =	sadd.s32 $0xFAA00, s10;
	s14 =	sadd.s32 $0x108C00, s14;
	s11 =	sadd.s32 s30, s10  }
0x10: {  	s10 =	sadd.s32 $0x6000, s10;
	s12 =	sadd.s32 $0xFAE00, s12;
	s11 =	sadd.s32 $0x107200, s11  }
.LBB2_1:
0x11: {  	s21 =	simm.s32 @!p0 $0x1C01;
	s22 =	simm.s32 @!p0 $0x1  }
0x12: {  	[spmem:s15], [sflag:s21] =	dma.local @!p0 [hbm:s5], $0x1040  }
0x13: {  	_ =	swait.ge @!p0 [sflag:s22], $0x1040  }
0x14: {  	[sflag:s22] =	ssyncset.done @!p0 $0x0  }
0x15: {  	[sflag:s22] =	ssyncadd.s32 @!p0 $0xFFFFEFC0  }
0x16: {  	[spmem:s16], [sflag:s21] =	dma.local @!p0 [hbm:s6], $0x208  }
0x17: {  	_ =	swait.ge @!p0 [sflag:s22], $0x208  }
0x18: {  	[sflag:s22] =	ssyncset.done @!p0 $0x0  }
0x19: {  	[sflag:s22] =	ssyncadd.s32 @!p0 $0xFFFFFDF8  }
0x1a: {  	[tilespmem:s4], [sflag:$0x1] =	stream.linear.gather [hbm4b:s11+s4], $0x620, $0x38;
	[tilespmem:$0x5B68] =	vst v63  }
0x1b: {  	_ =	swait.ge [sflag:s17], $0x620  }
0x1c: {  	[sflag:s17] =	ssyncset.done $0x0  }
0x1d: {  	s21 =	simm.s32 $0x620;
	[sflag:s17] =	ssyncadd.s32 $0xFFFFF9E0  }
0x1e: {  	[tilespmem:s21], [sflag:$0x1] =	stream.linear.gather [hbm4b:s12+s4], $0x3100, $0x38;
	[tilespmem:$0x5B68] =	vst v63  }
0x1f: {  	_ =	swait.ge [sflag:s17], $0x3100  }
0x20: {  	[sflag:s17] =	ssyncset.done $0x0  }
0x21: {  	[sflag:s17] =	ssyncadd.s32 $0xFFFFCF00  }
0x22: {  	[bflag:$0x0] =	sbarrier.arrive $0xFFFF  }
0x23: {  	[tilespmem:s18], [sflag:$0x1] =	stream.linear.gather [hbm4b:s14+s4], $0x1C00, $0x38;
	[tilespmem:$0x5B68] =	vst v63  }
0x24: {  	_ =	swait.ge [sflag:s17], $0x1C00  }
0x25: {  	[sflag:s17] =	ssyncset.done $0x0  }
0x26: {  	s31 =	simm.s32 $0x0;
	[sflag:s17] =	ssyncadd.s32 $0xFFFFE400  }
0x27: {  	[spmem:s0] =	stream.indirect.scatter.add.f32 [tilespmem:s18], [sflag:$0x1], $0x40, s31, s19, $0xb8;
	[tilespmem:$0x5B68] =	vst v63  }
0x28: {  	_ =	swait.ge [sflag:s17], $0x1C00  }
0x29: {  	[sflag:s17] =	ssyncset.done $0x0  }
0x2a: {  	[sflag:s17] =	ssyncadd.s32 $0xFFFFE400  }
0x2b: {  	[spmem:s3] =	stream.indirect.scatter.add.f32 [tilespmem:s21], [sflag:$0x1], $0x1, s31, s19, $0xb8;
	[tilespmem:$0x5B68] =	vst v63  }
0x2c: {  	_ =	swait.ge [sflag:s17], $0x70  }
0x2d: {  	s23 =	smov.u32 s14;
	s22 =	simm.s32 $0x1C0;
	[sflag:s17] =	ssyncset.done $0x0  }
.LBB2_2:
0x2e: {  	[sflag:s17] =	ssyncadd.s32 $0xFFFFFF90  }
0x2f: {  	s21 =	sadd.s32 $0x380, s21;
	s23 =	sadd.s32 $0x380, s23;
	s24 =	smov.u32 s22  }
0x30: {  	[tilespmem:s18], [sflag:$0x1] =	stream.linear.gather [hbm4b:s23+s4], $0x1C00, $0x38;
	[tilespmem:$0x5B68] =	vst v63  }
0x31: {  	p3 =	sne.s32 s22, $0x16C0;
	s22 =	sadd.s32 $0x1C0, s22;
	_ =	swait.ge [sflag:s17], $0x1C00  }
0x32: {  	[sflag:s17] =	ssyncset.done $0x0  }
0x33: {  	s24 =	sshra.s32 s24, $0x2;
	[sflag:s17] =	ssyncadd.s32 $0xFFFFE400  }
0x34: {  	[spmem:s0] =	stream.indirect.scatter.add.f32 [tilespmem:s18], [sflag:$0x1], $0x40, s24, s19, $0xb8;
	[tilespmem:$0x5B68] =	vst v63  }
0x35: {  	_ =	swait.ge [sflag:s17], $0x1C00  }
.Ltmp0:
0x36: {  	[sflag:s17] =	ssyncset.done $0x0;
	(pc) =	sbr.rel @p3 .LBB2_2-.Ltmp0, $4  }
0x37: {  	[sflag:s17] =	ssyncadd.s32 $0xFFFFE400  }
0x38: {  	[spmem:s3] =	stream.indirect.scatter.add.f32 [tilespmem:s21], [sflag:$0x1], $0x1, s24, s19, $0xb8;
	[tilespmem:$0x5B68] =	vst v63  }
0x39: {  	_ =	swait.ge [sflag:s17], $0x70  }
0x3a: {  	[sflag:s17] =	ssyncset.done $0x0  }
0x3b: {  	[sflag:s17] =	ssyncadd.s32 $0xFFFFFF90;
	s21 =	sshll.u32 @!p2 s2, $0x6  }
0x3c: {  	s22 =	sshrl.u32 @!p2 s0, $0x3;
	[bflag:$0x0] =	sbarrier.arrive $0xFFFF;
	s21 =	sor.u32 @!p2 $0x1C01, s21  }
0x3d: {  	[hbm:s7], [sflag:s21] =	dma.local @!p2 [spmem:s22], $0x1040  }
0x3e: {  	s22 =	simm.s32 @!p2 $0x1  }
0x3f: {  	_ =	swait.ge @!p2 [sflag:s22], $0x1040  }
0x40: {  	[sflag:s22] =	ssyncset.done @!p2 $0x0  }
0x41: {  	s23 =	sshrl.u32 @!p2 s3, $0x3;
	[sflag:s22] =	ssyncadd.s32 @!p2 $0xFFFFEFC0  }
0x42: {  	[hbm:s9], [sflag:s21] =	dma.local @!p2 [spmem:s23], $0x208  }
0x43: {  	_ =	swait.ge @!p2 [sflag:s22], $0x208  }
0x44: {  	[sflag:s22] =	ssyncset.done @!p2 $0x0  }
0x45: {  	s21 =	sshrl.u32 @p1 s0, $0x3;
	[sflag:s22] =	ssyncadd.s32 @!p2 $0xFFFFFDF8;
	s22 =	simm.s32 @p1 $0x1C01  }
0x46: {  	[hbm:s8], [sflag:s22] =	dma.local @p1 [spmem:s21], $0x1040  }
0x47: {  	s21 =	simm.s32 @p1 $0x1  }
0x48: {  	s20 =	sadd.s32 $0x1, s20;
	_ =	swait.ge @p1 [sflag:s21], $0x1040  }
0x49: {  	p3 =	sne.s32 s20, s13;
	[sflag:s21] =	ssyncset.done @p1 $0x0  }
.Ltmp1:
0x4a: {  	s23 =	sshrl.u32 @p1 s3, $0x3;
	[sflag:s21] =	ssyncadd.s32 @p1 $0xFFFFEFC0;
	(pc) =	sbr.rel @p3 .LBB2_1-.Ltmp1, $4  }
0x4b: {  	[hbm:s10], [sflag:s22] =	dma.local @p1 [spmem:s23], $0x208  }
0x4c: {  	_ =	swait.ge @p1 [sflag:s21], $0x208  }
0x4d: {  	[sflag:s21] =	ssyncset.done @p1 $0x0  }
0x4e: {  	[sflag:s21] =	ssyncadd.s32 @p1 $0xFFFFFDF8  }
0x4f: {  	_ =	sfence.sel $0x180000  }
0x50: {  	[bflag:$0x0] =	sbarrier.arrive $0xFFFF  }
0x51: {  	_ =	strace $0x9000004A  }
0x52: {  	s0 =	sadd.s32 @!p0 $0x100000, s1;
	[bflag:$0x2] =	sbarrier.arrive $0xFFFF  }
0x53: {  	[sflag:s0] =	ssyncadd.tile.s32 @!p0 $0x1;
	_ =	shalt  }
.Lfunc_end2:
_tile_overlayer_lowered:
.L_overlay_start_2:
0x54: {  	(tag) =	ssettag $0x2  }
0x55: {  	s0 =	rddreg [dreg:$0x0];
	s2 =	stileid.u32  }
0x56: {  	s1 =	rddreg [dreg:$0x1];
	p0 =	sne.s32 s2, $0x0  }
0x57: {  	s3 =	rddreg [dreg:$0x2];
	[bflag:$0x3] =	sbarrier.arrive $0xFFFF;
	s2 =	simm.s32 @!p0 $0x1C01  }
0x58: {  	[timem:s3], [sflag:s2] =	dma.local @!p0 [hbm:s0], s1  }
0x59: {  	s0 =	simm.s32 @!p0 $0x1  }
0x5a: {  	_ =	swait.ge @!p0 [sflag:s0], s1  }
0x5b: {  	s1 =	ssub.s32 @!p0 $0x0, s1;
	[sflag:s0] =	ssyncset.done @!p0 $0x0  }
0x5c: {  	[sflag:s0] =	ssyncadd.s32 @!p0 s1  }
0x5d: {  	[bflag:$0x3] =	sbarrier.arrive $0xFFFF  }
0x5e: {  	_ =	shalt  }

</sc_bundles>
